<compile_context>
chip_gen: v7x
topology: tpu7x:2x2x1
jax: 0.10.2.dev20260603
libtpu: 0.0.44.dev20260713+nightly
codegen_flags: <defaults>
</compile_context>

<pallas_src>
import functools

import jax
import jax.numpy as jnp
from jax import lax
from jax.experimental import pallas as pl
from jax.experimental.pallas import tpu as pltpu
from jax.experimental.pallas import tpu_sc as plsc

CUTOFF = 5.0
EPSILON = 0.1
SIGMA = 1.0
N_ATOMS = 100000
N_EDGES = 6400000

NC = 2
NS = 16
NW = NC * NS
LANES = 16

CHUNK = 2048
TOTAL_CHUNKS = N_EDGES // CHUNK
MAX_CHUNKS_PER_TILE = -(-TOTAL_CHUNKS // NW)
PAIRS = (MAX_CHUNKS_PER_TILE + 1) // 2
GROUPS = CHUNK // LANES

NA_PAD = 100352
ROUNDS = 49
BLOCK = NA_PAD // ROUNDS
MSLICE = BLOCK // NS

_SHIFT = 4.0 * EPSILON * ((SIGMA / CUTOFF) ** 12 - (SIGMA / CUTOFF) ** 6)
HALF_SHIFT = 0.5 * _SHIFT
TWO_EPS = 2.0 * EPSILON


def _lj_body(dist_hbm, i_hbm, j_hbm, out_hbm,
             dbuf0, dbuf1, ibuf0, ibuf1, jbuf0, jbuf1, acc, rbuf,
             shared, sd0, sd1, si0, si1, sj0, sj1, sm, sp):
    c = lax.axis_index("c")
    s = lax.axis_index("s")
    wid = s * NC + c

    dbufs, ibufs = [dbuf0, dbuf1], [ibuf0, ibuf1]
    jbufs = [jbuf0, jbuf1]
    sds, sis, sjs = [sd0, sd1], [si0, si1], [sj0, sj1]

    def cid_of(k):
        return k * NW + wid

    def issue_in(k, p):
        @pl.when(cid_of(k) < TOTAL_CHUNKS)
        def _():
            base = cid_of(k) * CHUNK
            pltpu.async_copy(dist_hbm.at[:, pl.ds(base, CHUNK)], dbufs[p], sds[p])
            pltpu.async_copy(i_hbm.at[pl.ds(base, CHUNK)], ibufs[p], sis[p])
            pltpu.async_copy(j_hbm.at[pl.ds(base, CHUNK)], jbufs[p], sjs[p])

    def wait_in(k, p):
        @pl.when(cid_of(k) < TOTAL_CHUNKS)
        def _():
            base = cid_of(k) * CHUNK
            pltpu.make_async_copy(dist_hbm.at[:, pl.ds(base, CHUNK)], dbufs[p], sds[p]).wait()
            pltpu.make_async_copy(i_hbm.at[pl.ds(base, CHUNK)], ibufs[p], sis[p]).wait()
            pltpu.make_async_copy(j_hbm.at[pl.ds(base, CHUNK)], jbufs[p], sjs[p]).wait()

    def step(k, p):
        issue_in(k + 1, 1 - p)
        wait_in(k, p)

        @pl.when(cid_of(k) < TOTAL_CHUNKS)
        def _():
            dbuf, ibuf, jbuf = dbufs[p], ibufs[p], jbufs[p]

            @plsc.parallel_loop(0, CHUNK, step=LANES, unroll=4)
            def vec_body(v0):
                sl = pl.ds(v0, LANES)
                dx = dbuf[0, sl]
                dy = dbuf[1, sl]
                dz = dbuf[2, sl]
                r2 = dx * dx + dy * dy + dz * dz
                inv = 1.0 / r2
                s6 = inv * inv * inv
                he = TWO_EPS * (s6 * s6 - s6) - HALF_SHIFT
                plsc.addupdate_scatter(acc, [ibuf[sl]], he)
                plsc.addupdate_scatter(acc, [jbuf[sl]], he)

    issue_in(0, 0)

    zero16 = jnp.zeros((LANES,), jnp.float32)

    @plsc.parallel_loop(0, NA_PAD, step=LANES, unroll=8)
    def zero_body(k0):
        acc[pl.ds(k0, LANES)] = zero16

    def pair_body(m, carry):
        step(2 * m, 0)
        step(2 * m + 1, 1)
        return carry

    lax.fori_loop(0, PAIRS, pair_body, 0)

    def pub(r, pb):
        @pl.when(r < ROUNDS)
        def _():
            pltpu.async_copy(acc.at[pl.ds(r * BLOCK, BLOCK)],
                             shared.at[pl.ds(pb * (NS * BLOCK) + s * BLOCK, BLOCK)],
                             sp)

    def pub_wait(r, pb):
        pltpu.make_async_copy(acc.at[pl.ds(r * BLOCK, BLOCK)],
                              shared.at[pl.ds(pb * (NS * BLOCK) + s * BLOCK, BLOCK)],
                              sp).wait()

    def reduce_round(r, pb):
        moff = pb * (NS * BLOCK) + s * MSLICE
        for t in range(NS):
            pltpu.async_copy(shared.at[pl.ds(t * BLOCK + moff, MSLICE)],
                             rbuf.at[pl.ds(t * MSLICE, MSLICE)], sm)
        for t in range(NS):
            pltpu.make_async_copy(shared.at[pl.ds(t * BLOCK + moff, MSLICE)],
                                  rbuf.at[pl.ds(t * MSLICE, MSLICE)], sm).wait()

        @plsc.parallel_loop(0, MSLICE, step=LANES, unroll=2)
        def add_body(k0):
            v = rbuf[pl.ds(k0, LANES)]
            for t in range(1, NS):
                v += rbuf[pl.ds(t * MSLICE + k0, LANES)]
            rbuf[pl.ds(k0, LANES)] = v

        pltpu.sync_copy(
            rbuf.at[pl.ds(0, MSLICE)],
            out_hbm.at[pl.ds(c * NA_PAD + r * BLOCK + s * MSLICE, MSLICE)])

    pub(0, 0)

    def merge_pair(m, carry):
        for half in (0, 1):
            r = 2 * m + half
            pb = half
            pub_wait(r, pb)
            plsc.subcore_barrier()
            pub(r + 1, 1 - pb)
            reduce_round(r, pb)
            plsc.subcore_barrier()
        return carry

    lax.fori_loop(0, ROUNDS // 2, merge_pair, 0)

    if ROUNDS % 2 == 1:
        r_last = ROUNDS - 1
        pub_wait(r_last, 0)
        plsc.subcore_barrier()
        reduce_round(r_last, 0)


@functools.partial(
    pl.kernel,
    out_type=jax.ShapeDtypeStruct((NC * NA_PAD,), jnp.float32),
    mesh=plsc.VectorSubcoreMesh(core_axis_name="c", subcore_axis_name="s"),
    compiler_params=pltpu.CompilerParams(needs_layout_passes=False),
    scratch_types=[
        pltpu.VMEM((3, CHUNK), jnp.float32),
        pltpu.VMEM((3, CHUNK), jnp.float32),
        pltpu.VMEM((CHUNK,), jnp.int32),
        pltpu.VMEM((CHUNK,), jnp.int32),
        pltpu.VMEM((CHUNK,), jnp.int32),
        pltpu.VMEM((CHUNK,), jnp.int32),
        pltpu.VMEM((NA_PAD,), jnp.float32),
        pltpu.VMEM((NS * MSLICE,), jnp.float32),
        pltpu.VMEM_SHARED((2 * NS * BLOCK,), jnp.float32),
        pltpu.SemaphoreType.DMA,
        pltpu.SemaphoreType.DMA,
        pltpu.SemaphoreType.DMA,
        pltpu.SemaphoreType.DMA,
        pltpu.SemaphoreType.DMA,
        pltpu.SemaphoreType.DMA,
        pltpu.SemaphoreType.DMA,
        pltpu.SemaphoreType.DMA,
    ],
)
def _lj_kernel(dist_hbm, i_hbm, j_hbm, out_hbm, *scratch):
    _lj_body(dist_hbm, i_hbm, j_hbm, out_hbm, *scratch)


def kernel(distances, all_i, all_j):
    dist_t = distances.T
    partials = _lj_kernel(dist_t, all_i, all_j)
    partials = partials.reshape(NC, NA_PAD)
    energy = partials[0, :N_ATOMS] + partials[1, :N_ATOMS]
    return energy.reshape(-1, 1)

# --- scband reference (transcript-rebuilt; emitter-appended) ---
"""Pipeline reference for scband-lennard-jones-40544491274907 (READ-ONLY COPY).

The authoritative reference and input builder live on the scoring server;
editing this copy changes nothing except your own understanding.
"""

import jax, jax.numpy as jnp
import numpy as np

CUTOFF = 5.0
EPSILON = 0.1
SIGMA = 1.0
N_ATOMS = 100000
N_EDGES = 6400000

def setup_inputs(seed: int = 0) -> dict:
    key = jax.random.key(seed)
    k1, k2, k3 = jax.random.split(key, 3)
    distances = jax.random.normal(k1, (N_EDGES, 3), dtype=jnp.float32)
    all_i = jax.random.randint(k2, (N_EDGES,), 0, N_ATOMS, dtype=jnp.int64) if jax.config.jax_enable_x64 else jax.random.randint(k2, (N_EDGES,), 0, N_ATOMS).astype(jnp.int32)
    all_j = jax.random.randint(k3, (N_EDGES,), 0, N_ATOMS, dtype=jnp.int64) if jax.config.jax_enable_x64 else jax.random.randint(k3, (N_EDGES,), 0, N_ATOMS).astype(jnp.int32)
    return {"distances": distances, "all_i": all_i, "all_j": all_j}

def reference(distances, all_i, all_j):
    # Lennard-Jones pair energies from neighbor-list distance vectors (half list)
    shift = 4.0 * EPSILON * ((SIGMA / CUTOFF) ** 12 - (SIGMA / CUTOFF) ** 6)
    r = jnp.linalg.norm(distances, axis=1)
    sigma_r_6 = (SIGMA / r) ** 6
    sigma_r_12 = sigma_r_6 * sigma_r_6
    e = 4.0 * EPSILON * (sigma_r_12 - sigma_r_6) - shift
    energy = jnp.zeros((N_ATOMS,), dtype=distances.dtype)
    # half neighbor list: each pair energy is split 50/50 between atom i and atom j
    energy = energy.at[all_i].add(0.5 * e)
    energy = energy.at[all_j].add(0.5 * e)
    # per_atom=True output: [n_atoms, 1] block of per-atom energies
    return energy.reshape(-1, 1)

if __name__ == "__main__":
    import jax
    _d = setup_inputs()
    print(jax.jit(kernel)(*tuple(_d.values())))

</pallas_src>

<mosaic_0001>
#map = affine_map<(d0, d1) -> (0, 0)>
#map1 = affine_map<(d0, d1) -> (0)>
module attributes {stable_mosaic.version = 14 : i64} {
  func.func @_lj_kernel(%arg0: i32, %arg1: i32, %arg2: memref<3x6400000xf32, #tpu.memory_space<hbm>>, %arg3: memref<6400000xi32, #tpu.memory_space<hbm>>, %arg4: memref<6400000xi32, #tpu.memory_space<hbm>>, %arg5: memref<200704xf32, #tpu.memory_space<hbm>>, %arg6: memref<3x2048xf32, #tpu.memory_space<vmem>>, %arg7: memref<3x2048xf32, #tpu.memory_space<vmem>>, %arg8: memref<2048xi32, #tpu.memory_space<vmem>>, %arg9: memref<2048xi32, #tpu.memory_space<vmem>>, %arg10: memref<2048xi32, #tpu.memory_space<vmem>>, %arg11: memref<2048xi32, #tpu.memory_space<vmem>>, %arg12: memref<100352xf32, #tpu.memory_space<vmem>>, %arg13: memref<2048xf32, #tpu.memory_space<vmem>>, %arg14: memref<65536xf32, #tpu.memory_space<vmem_shared>>, %arg15: memref<!tpu.dma_semaphore, #tpu.memory_space<semaphore_mem>>, %arg16: memref<!tpu.dma_semaphore, #tpu.memory_space<semaphore_mem>>, %arg17: memref<!tpu.dma_semaphore, #tpu.memory_space<semaphore_mem>>, %arg18: memref<!tpu.dma_semaphore, #tpu.memory_space<semaphore_mem>>, %arg19: memref<!tpu.dma_semaphore, #tpu.memory_space<semaphore_mem>>, %arg20: memref<!tpu.dma_semaphore, #tpu.memory_space<semaphore_mem>>, %arg21: memref<!tpu.dma_semaphore, #tpu.memory_space<semaphore_mem>>, %arg22: memref<!tpu.dma_semaphore, #tpu.memory_space<semaphore_mem>>) attributes {dimension_semantics = [#tpu.dimension_semantics<core_parallel>, #tpu.dimension_semantics<subcore_parallel>], iteration_bounds = array<i64: 2, 16>, scalar_prefetch = 0 : i64, scratch_operands = 17 : i64, tpu.core_type = #tpu.core_type<sc_vector_subcore>, window_params = [{transform_indices = #map}, {transform_indices = #map1}, {transform_indices = #map1}, {transform_indices = #map1}]} {
    %mul3A = arith.constant 2 : i32
    %mul3A_0 = arith.muli %arg1, %mul3A : i32
    %add3A = arith.addi %mul3A_0, %arg0 : i32
    %add3A_1 = arith.constant 0 : i32
    %add3A_2 = arith.addi %add3A_1, %add3A : i32
    %lt3A = arith.constant 3125 : i32
    %lt3A_3 = arith.cmpi slt, %add3A_2, %lt3A : i32
    %convert_element_type3A = arith.extui %lt3A_3 : i1 to i32
    %cond3A = arith.constant 0 : i32
    %cond3A_4 = arith.cmpi ne, %convert_element_type3A, %cond3A : i32
    scf.if %cond3A_4 {
      %add3A_307 = arith.constant 0 : i32
      %add3A_308 = arith.addi %add3A_307, %add3A : i32
      %mul3A_309 = arith.constant 2048 : i32
      %mul3A_310 = arith.muli %add3A_308, %mul3A_309 : i32
      %dma_start3A_311 = arith.constant 0 : i32
      %dma_start3A_312 = tpu.memref_slice %arg2[%dma_start3A_311, %mul3A_310] : memref<3x6400000xf32, #tpu.memory_space<hbm>> -> memref<3x2048xf32, #tpu.memory_space<hbm>>
      %dma_start3A_313 = arith.constant 0 : i32
      %dma_start3A_314 = tpu.memref_slice %arg2[%dma_start3A_313, %mul3A_310] : memref<3x6400000xf32, #tpu.memory_space<hbm>> -> memref<3x2048xf32, #tpu.memory_space<hbm>>
      tpu.enqueue_dma source(%dma_start3A_314 : memref<3x2048xf32, #tpu.memory_space<hbm>>) target(%arg6 : memref<3x2048xf32, #tpu.memory_space<vmem>>) target_semaphore(%arg15 : memref<!tpu.dma_semaphore, #tpu.memory_space<semaphore_mem>>)
      %dma_start3A_315 = tpu.memref_slice %arg3[%mul3A_310] : memref<6400000xi32, #tpu.memory_space<hbm>> -> memref<2048xi32, #tpu.memory_space<hbm>>
      %dma_start3A_316 = tpu.memref_slice %arg3[%mul3A_310] : memref<6400000xi32, #tpu.memory_space<hbm>> -> memref<2048xi32, #tpu.memory_space<hbm>>
      tpu.enqueue_dma source(%dma_start3A_316 : memref<2048xi32, #tpu.memory_space<hbm>>) target(%arg8 : memref<2048xi32, #tpu.memory_space<vmem>>) target_semaphore(%arg17 : memref<!tpu.dma_semaphore, #tpu.memory_space<semaphore_mem>>)
      %dma_start3A_317 = tpu.memref_slice %arg4[%mul3A_310] : memref<6400000xi32, #tpu.memory_space<hbm>> -> memref<2048xi32, #tpu.memory_space<hbm>>
      %dma_start3A_318 = tpu.memref_slice %arg4[%mul3A_310] : memref<6400000xi32, #tpu.memory_space<hbm>> -> memref<2048xi32, #tpu.memory_space<hbm>>
      tpu.enqueue_dma source(%dma_start3A_318 : memref<2048xi32, #tpu.memory_space<hbm>>) target(%arg10 : memref<2048xi32, #tpu.memory_space<vmem>>) target_semaphore(%arg19 : memref<!tpu.dma_semaphore, #tpu.memory_space<semaphore_mem>>)
    } else {
    }
    %broadcast_in_dim3A = arith.constant 0.000000e+00 : f32
    %broadcast_in_dim3A_5 = vector.broadcast %broadcast_in_dim3A : f32 to vector<16xf32>
    %parallel_loop3A = arith.constant 0 : i32
    %parallel_loop3A_6 = arith.constant 100352 : i32
    %parallel_loop3A_7 = arith.constant 16 : i32
    scf.for %parallel_loop3A_307 = %parallel_loop3A to %parallel_loop3A_6 step %parallel_loop3A_7  : i32 {
      %parallel_loop3A_308 = arith.index_cast %parallel_loop3A_307 : i32 to index
      %parallel_loop3A_309 = tpu.vector_load %arg12[%parallel_loop3A_308] {strides = array<i32>} : memref<100352xf32, #tpu.memory_space<vmem>>, vector<16xf32>,
      tpu.vector_store %arg12[%parallel_loop3A_308], %broadcast_in_dim3A_5 {strides = array<i32>} : memref<100352xf32, #tpu.memory_space<vmem>>, vector<16xf32>,
    } {sc.loop_unroll_factor = 8 : i64, sc.parallel_access}
    %scan3A = arith.constant 0 : i32
    %scan3A_8 = arith.constant 0 : i32
    %scan3A_9 = arith.constant 49 : i32
    %scan3A_10 = arith.addi %scan3A_8, %scan3A_9 : i32
    %scan3A_11 = arith.constant 1 : i32
    scf.for %scan3A_307 = %scan3A_8 to %scan3A_10 step %scan3A_11  : i32 {
      %mul3A_308 = arith.constant 2 : i32
      %mul3A_309 = arith.muli %mul3A_308, %scan3A_307 : i32
      %add3A_310 = arith.constant 1 : i32
      %add3A_311 = arith.addi %mul3A_309, %add3A_310 : i32
      %mul3A_312 = arith.constant 32 : i32
      %mul3A_313 = arith.muli %add3A_311, %mul3A_312 : i32
      %add3A_314 = arith.addi %mul3A_313, %add3A : i32
      %lt3A_315 = arith.constant 3125 : i32
      %lt3A_316 = arith.cmpi slt, %add3A_314, %lt3A_315 : i32
      %convert_element_type3A_317 = arith.extui %lt3A_316 : i1 to i32
      %cond3A_318 = arith.constant 0 : i32
      %cond3A_319 = arith.cmpi ne, %convert_element_type3A_317, %cond3A_318 : i32
      scf.if %cond3A_319 {
        %mul3A_366 = arith.constant 32 : i32
        %mul3A_367 = arith.muli %add3A_311, %mul3A_366 : i32
        %add3A_368 = arith.addi %mul3A_367, %add3A : i32
        %mul3A_369 = arith.constant 2048 : i32
        %mul3A_370 = arith.muli %add3A_368, %mul3A_369 : i32
        %dma_start3A_371 = arith.constant 0 : i32
        %dma_start3A_372 = tpu.memref_slice %arg2[%dma_start3A_371, %mul3A_370] : memref<3x6400000xf32, #tpu.memory_space<hbm>> -> memref<3x2048xf32, #tpu.memory_space<hbm>>
        %dma_start3A_373 = arith.constant 0 : i32
        %dma_start3A_374 = tpu.memref_slice %arg2[%dma_start3A_373, %mul3A_370] : memref<3x6400000xf32, #tpu.memory_space<hbm>> -> memref<3x2048xf32, #tpu.memory_space<hbm>>
        tpu.enqueue_dma source(%dma_start3A_374 : memref<3x2048xf32, #tpu.memory_space<hbm>>) target(%arg7 : memref<3x2048xf32, #tpu.memory_space<vmem>>) target_semaphore(%arg16 : memref<!tpu.dma_semaphore, #tpu.memory_space<semaphore_mem>>)
        %dma_start3A_375 = tpu.memref_slice %arg3[%mul3A_370] : memref<6400000xi32, #tpu.memory_space<hbm>> -> memref<2048xi32, #tpu.memory_space<hbm>>
        %dma_start3A_376 = tpu.memref_slice %arg3[%mul3A_370] : memref<6400000xi32, #tpu.memory_space<hbm>> -> memref<2048xi32, #tpu.memory_space<hbm>>
        tpu.enqueue_dma source(%dma_start3A_376 : memref<2048xi32, #tpu.memory_space<hbm>>) target(%arg9 : memref<2048xi32, #tpu.memory_space<vmem>>) target_semaphore(%arg18 : memref<!tpu.dma_semaphore, #tpu.memory_space<semaphore_mem>>)
        %dma_start3A_377 = tpu.memref_slice %arg4[%mul3A_370] : memref<6400000xi32, #tpu.memory_space<hbm>> -> memref<2048xi32, #tpu.memory_space<hbm>>
        %dma_start3A_378 = tpu.memref_slice %arg4[%mul3A_370] : memref<6400000xi32, #tpu.memory_space<hbm>> -> memref<2048xi32, #tpu.memory_space<hbm>>
        tpu.enqueue_dma source(%dma_start3A_378 : memref<2048xi32, #tpu.memory_space<hbm>>) target(%arg11 : memref<2048xi32, #tpu.memory_space<vmem>>) target_semaphore(%arg20 : memref<!tpu.dma_semaphore, #tpu.memory_space<semaphore_mem>>)
      } else {
      }
      %mul3A_320 = arith.constant 32 : i32
      %mul3A_321 = arith.muli %mul3A_309, %mul3A_320 : i32
      %add3A_322 = arith.addi %mul3A_321, %add3A : i32
      %lt3A_323 = arith.constant 3125 : i32
      %lt3A_324 = arith.cmpi slt, %add3A_322, %lt3A_323 : i32
      %convert_element_type3A_325 = arith.extui %lt3A_324 : i1 to i32
      %cond3A_326 = arith.constant 0 : i32
      %cond3A_327 = arith.cmpi ne, %convert_element_type3A_325, %cond3A_326 : i32
      scf.if %cond3A_327 {
        %mul3A_366 = arith.constant 32 : i32
        %mul3A_367 = arith.muli %mul3A_309, %mul3A_366 : i32
        %add3A_368 = arith.addi %mul3A_367, %add3A : i32
        %mul3A_369 = arith.constant 2048 : i32
        %mul3A_370 = arith.muli %add3A_368, %mul3A_369 : i32
        %dma_wait3A_371 = arith.constant 0 : i32
        %dma_wait3A_372 = tpu.memref_slice %arg2[%dma_wait3A_371, %mul3A_370] : memref<3x6400000xf32, #tpu.memory_space<hbm>> -> memref<3x2048xf32, #tpu.memory_space<hbm>>
        %dma_wait3A_373 = arith.constant 0 : i32
        %dma_wait3A_374 = tpu.memref_slice %arg2[%dma_wait3A_373, %mul3A_370] : memref<3x6400000xf32, #tpu.memory_space<hbm>> -> memref<3x2048xf32, #tpu.memory_space<hbm>>
        tpu.wait_dma2 semaphore(%arg15 : memref<!tpu.dma_semaphore, #tpu.memory_space<semaphore_mem>>) src(%dma_wait3A_374 : memref<3x2048xf32, #tpu.memory_space<hbm>>) dst(%arg6 : memref<3x2048xf32, #tpu.memory_space<vmem>>)
        %dma_wait3A_375 = tpu.memref_slice %arg3[%mul3A_370] : memref<6400000xi32, #tpu.memory_space<hbm>> -> memref<2048xi32, #tpu.memory_space<hbm>>
        %dma_wait3A_376 = tpu.memref_slice %arg3[%mul3A_370] : memref<6400000xi32, #tpu.memory_space<hbm>> -> memref<2048xi32, #tpu.memory_space<hbm>>
        tpu.wait_dma2 semaphore(%arg17 : memref<!tpu.dma_semaphore, #tpu.memory_space<semaphore_mem>>) src(%dma_wait3A_376 : memref<2048xi32, #tpu.memory_space<hbm>>) dst(%arg8 : memref<2048xi32, #tpu.memory_space<vmem>>)
        %dma_wait3A_377 = tpu.memref_slice %arg4[%mul3A_370] : memref<6400000xi32, #tpu.memory_space<hbm>> -> memref<2048xi32, #tpu.memory_space<hbm>>
        %dma_wait3A_378 = tpu.memref_slice %arg4[%mul3A_370] : memref<6400000xi32, #tpu.memory_space<hbm>> -> memref<2048xi32, #tpu.memory_space<hbm>>
        tpu.wait_dma2 semaphore(%arg19 : memref<!tpu.dma_semaphore, #tpu.memory_space<semaphore_mem>>) src(%dma_wait3A_378 : memref<2048xi32, #tpu.memory_space<hbm>>) dst(%arg10 : memref<2048xi32, #tpu.memory_space<vmem>>)
      } else {
      }
      %mul3A_328 = arith.constant 32 : i32
      %mul3A_329 = arith.muli %mul3A_309, %mul3A_328 : i32
      %add3A_330 = arith.addi %mul3A_329, %add3A : i32
      %lt3A_331 = arith.constant 3125 : i32
      %lt3A_332 = arith.cmpi slt, %add3A_330, %lt3A_331 : i32
      %convert_element_type3A_333 = arith.extui %lt3A_332 : i1 to i32
      %cond3A_334 = arith.constant 0 : i32
      %cond3A_335 = arith.cmpi ne, %convert_element_type3A_333, %cond3A_334 : i32
      scf.if %cond3A_335 {
        %parallel_loop3A_366 = arith.constant 0 : i32
        %parallel_loop3A_367 = arith.constant 2048 : i32
        %parallel_loop3A_368 = arith.constant 16 : i32
        scf.for %parallel_loop3A_369 = %parallel_loop3A_366 to %parallel_loop3A_367 step %parallel_loop3A_368  : i32 {
          %parallel_loop3A_370 = arith.constant 0 : i32
          %parallel_loop3A_371 = arith.index_cast %parallel_loop3A_370 : i32 to index
          %parallel_loop3A_372 = arith.index_cast %parallel_loop3A_369 : i32 to index
          %parallel_loop3A_373 = tpu.vector_load %arg6[%parallel_loop3A_371, %parallel_loop3A_372] {strides = array<i32>} : memref<3x2048xf32, #tpu.memory_space<vmem>>, vector<16xf32>,
          %parallel_loop3A_374 = arith.constant 1 : i32
          %parallel_loop3A_375 = arith.index_cast %parallel_loop3A_374 : i32 to index
          %parallel_loop3A_376 = arith.index_cast %parallel_loop3A_369 : i32 to index
          %parallel_loop3A_377 = tpu.vector_load %arg6[%parallel_loop3A_375, %parallel_loop3A_376] {strides = array<i32>} : memref<3x2048xf32, #tpu.memory_space<vmem>>, vector<16xf32>,
          %parallel_loop3A_378 = arith.constant 2 : i32
          %parallel_loop3A_379 = arith.index_cast %parallel_loop3A_378 : i32 to index
          %parallel_loop3A_380 = arith.index_cast %parallel_loop3A_369 : i32 to index
          %parallel_loop3A_381 = tpu.vector_load %arg6[%parallel_loop3A_379, %parallel_loop3A_380] {strides = array<i32>} : memref<3x2048xf32, #tpu.memory_space<vmem>>, vector<16xf32>,
          %parallel_loop3A_382 = arith.mulf %parallel_loop3A_373, %parallel_loop3A_373 : vector<16xf32>
          %parallel_loop3A_383 = arith.mulf %parallel_loop3A_377, %parallel_loop3A_377 : vector<16xf32>
          %parallel_loop3A_384 = arith.addf %parallel_loop3A_382, %parallel_loop3A_383 : vector<16xf32>
          %parallel_loop3A_385 = arith.mulf %parallel_loop3A_381, %parallel_loop3A_381 : vector<16xf32>
          %parallel_loop3A_386 = arith.addf %parallel_loop3A_384, %parallel_loop3A_385 : vector<16xf32>
          %parallel_loop3A_387 = arith.constant 1.000000e+00 : f32
          %parallel_loop3A_388 = vector.broadcast %parallel_loop3A_387 : f32 to vector<16xf32>
          %parallel_loop3A_389 = arith.divf %parallel_loop3A_388, %parallel_loop3A_386 : vector<16xf32>
          %parallel_loop3A_390 = arith.mulf %parallel_loop3A_389, %parallel_loop3A_389 : vector<16xf32>
          %parallel_loop3A_391 = arith.mulf %parallel_loop3A_390, %parallel_loop3A_389 : vector<16xf32>
          %parallel_loop3A_392 = arith.mulf %parallel_loop3A_391, %parallel_loop3A_391 : vector<16xf32>
          %parallel_loop3A_393 = arith.subf %parallel_loop3A_392, %parallel_loop3A_391 : vector<16xf32>
          %parallel_loop3A_394 = arith.constant 2.000000e-01 : f32
          %parallel_loop3A_395 = vector.broadcast %parallel_loop3A_394 : f32 to vector<16xf32>
          %parallel_loop3A_396 = arith.mulf %parallel_loop3A_395, %parallel_loop3A_393 : vector<16xf32>
          %parallel_loop3A_397 = arith.constant -1.27991807E-5 : f32
          %parallel_loop3A_398 = vector.broadcast %parallel_loop3A_397 : f32 to vector<16xf32>
          %parallel_loop3A_399 = arith.subf %parallel_loop3A_396, %parallel_loop3A_398 : vector<16xf32>
          %parallel_loop3A_400 = arith.index_cast %parallel_loop3A_369 : i32 to index
          %parallel_loop3A_401 = tpu.vector_load %arg8[%parallel_loop3A_400] {strides = array<i32>} : memref<2048xi32, #tpu.memory_space<vmem>>, vector<16xi32>,
          tpu.vector_store_idx %arg12[%parallel_loop3A_401], %parallel_loop3A_399 {add = true} : memref<100352xf32, #tpu.memory_space<vmem>>[vector<16xi32>], vector<16xf32>,
          %parallel_loop3A_402 = arith.index_cast %parallel_loop3A_369 : i32 to index
          %parallel_loop3A_403 = tpu.vector_load %arg10[%parallel_loop3A_402] {strides = array<i32>} : memref<2048xi32, #tpu.memory_space<vmem>>, vector<16xi32>,
          tpu.vector_store_idx %arg12[%parallel_loop3A_403], %parallel_loop3A_399 {add = true} : memref<100352xf32, #tpu.memory_space<vmem>>[vector<16xi32>], vector<16xf32>,
        } {sc.loop_unroll_factor = 4 : i64, sc.parallel_access}
      } else {
      }
      %mul3A_336 = arith.constant 2 : i32
      %mul3A_337 = arith.muli %mul3A_336, %scan3A_307 : i32
      %add3A_338 = arith.constant 1 : i32
      %add3A_339 = arith.addi %mul3A_337, %add3A_338 : i32
      %add3A_340 = arith.constant 1 : i32
      %add3A_341 = arith.addi %add3A_339, %add3A_340 : i32
      %mul3A_342 = arith.constant 32 : i32
      %mul3A_343 = arith.muli %add3A_341, %mul3A_342 : i32
      %add3A_344 = arith.addi %mul3A_343, %add3A : i32
      %lt3A_345 = arith.constant 3125 : i32
      %lt3A_346 = arith.cmpi slt, %add3A_344, %lt3A_345 : i32
      %convert_element_type3A_347 = arith.extui %lt3A_346 : i1 to i32
      %cond3A_348 = arith.constant 0 : i32
      %cond3A_349 = arith.cmpi ne, %convert_element_type3A_347, %cond3A_348 : i32
      scf.if %cond3A_349 {
        %mul3A_366 = arith.constant 32 : i32
        %mul3A_367 = arith.muli %add3A_341, %mul3A_366 : i32
        %add3A_368 = arith.addi %mul3A_367, %add3A : i32
        %mul3A_369 = arith.constant 2048 : i32
        %mul3A_370 = arith.muli %add3A_368, %mul3A_369 : i32
        %dma_start3A_371 = arith.constant 0 : i32
        %dma_start3A_372 = tpu.memref_slice %arg2[%dma_start3A_371, %mul3A_370] : memref<3x6400000xf32, #tpu.memory_space<hbm>> -> memref<3x2048xf32, #tpu.memory_space<hbm>>
        %dma_start3A_373 = arith.constant 0 : i32
        %dma_start3A_374 = tpu.memref_slice %arg2[%dma_start3A_373, %mul3A_370] : memref<3x6400000xf32, #tpu.memory_space<hbm>> -> memref<3x2048xf32, #tpu.memory_space<hbm>>
        tpu.enqueue_dma source(%dma_start3A_374 : memref<3x2048xf32, #tpu.memory_space<hbm>>) target(%arg6 : memref<3x2048xf32, #tpu.memory_space<vmem>>) target_semaphore(%arg15 : memref<!tpu.dma_semaphore, #tpu.memory_space<semaphore_mem>>)
        %dma_start3A_375 = tpu.memref_slice %arg3[%mul3A_370] : memref<6400000xi32, #tpu.memory_space<hbm>> -> memref<2048xi32, #tpu.memory_space<hbm>>
        %dma_start3A_376 = tpu.memref_slice %arg3[%mul3A_370] : memref<6400000xi32, #tpu.memory_space<hbm>> -> memref<2048xi32, #tpu.memory_space<hbm>>
        tpu.enqueue_dma source(%dma_start3A_376 : memref<2048xi32, #tpu.memory_space<hbm>>) target(%arg8 : memref<2048xi32, #tpu.memory_space<vmem>>) target_semaphore(%arg17 : memref<!tpu.dma_semaphore, #tpu.memory_space<semaphore_mem>>)
        %dma_start3A_377 = tpu.memref_slice %arg4[%mul3A_370] : memref<6400000xi32, #tpu.memory_space<hbm>> -> memref<2048xi32, #tpu.memory_space<hbm>>
        %dma_start3A_378 = tpu.memref_slice %arg4[%mul3A_370] : memref<6400000xi32, #tpu.memory_space<hbm>> -> memref<2048xi32, #tpu.memory_space<hbm>>
        tpu.enqueue_dma source(%dma_start3A_378 : memref<2048xi32, #tpu.memory_space<hbm>>) target(%arg10 : memref<2048xi32, #tpu.memory_space<vmem>>) target_semaphore(%arg19 : memref<!tpu.dma_semaphore, #tpu.memory_space<semaphore_mem>>)
      } else {
      }
      %mul3A_350 = arith.constant 32 : i32
      %mul3A_351 = arith.muli %add3A_339, %mul3A_350 : i32
      %add3A_352 = arith.addi %mul3A_351, %add3A : i32
      %lt3A_353 = arith.constant 3125 : i32
      %lt3A_354 = arith.cmpi slt, %add3A_352, %lt3A_353 : i32
      %convert_element_type3A_355 = arith.extui %lt3A_354 : i1 to i32
      %cond3A_356 = arith.constant 0 : i32
      %cond3A_357 = arith.cmpi ne, %convert_element_type3A_355, %cond3A_356 : i32
      scf.if %cond3A_357 {
        %mul3A_366 = arith.constant 32 : i32
        %mul3A_367 = arith.muli %add3A_339, %mul3A_366 : i32
        %add3A_368 = arith.addi %mul3A_367, %add3A : i32
        %mul3A_369 = arith.constant 2048 : i32
        %mul3A_370 = arith.muli %add3A_368, %mul3A_369 : i32
        %dma_wait3A_371 = arith.constant 0 : i32
        %dma_wait3A_372 = tpu.memref_slice %arg2[%dma_wait3A_371, %mul3A_370] : memref<3x6400000xf32, #tpu.memory_space<hbm>> -> memref<3x2048xf32, #tpu.memory_space<hbm>>
        %dma_wait3A_373 = arith.constant 0 : i32
        %dma_wait3A_374 = tpu.memref_slice %arg2[%dma_wait3A_373, %mul3A_370] : memref<3x6400000xf32, #tpu.memory_space<hbm>> -> memref<3x2048xf32, #tpu.memory_space<hbm>>
        tpu.wait_dma2 semaphore(%arg16 : memref<!tpu.dma_semaphore, #tpu.memory_space<semaphore_mem>>) src(%dma_wait3A_374 : memref<3x2048xf32, #tpu.memory_space<hbm>>) dst(%arg7 : memref<3x2048xf32, #tpu.memory_space<vmem>>)
        %dma_wait3A_375 = tpu.memref_slice %arg3[%mul3A_370] : memref<6400000xi32, #tpu.memory_space<hbm>> -> memref<2048xi32, #tpu.memory_space<hbm>>
        %dma_wait3A_376 = tpu.memref_slice %arg3[%mul3A_370] : memref<6400000xi32, #tpu.memory_space<hbm>> -> memref<2048xi32, #tpu.memory_space<hbm>>
        tpu.wait_dma2 semaphore(%arg18 : memref<!tpu.dma_semaphore, #tpu.memory_space<semaphore_mem>>) src(%dma_wait3A_376 : memref<2048xi32, #tpu.memory_space<hbm>>) dst(%arg9 : memref<2048xi32, #tpu.memory_space<vmem>>)
        %dma_wait3A_377 = tpu.memref_slice %arg4[%mul3A_370] : memref<6400000xi32, #tpu.memory_space<hbm>> -> memref<2048xi32, #tpu.memory_space<hbm>>
        %dma_wait3A_378 = tpu.memref_slice %arg4[%mul3A_370] : memref<6400000xi32, #tpu.memory_space<hbm>> -> memref<2048xi32, #tpu.memory_space<hbm>>
        tpu.wait_dma2 semaphore(%arg20 : memref<!tpu.dma_semaphore, #tpu.memory_space<semaphore_mem>>) src(%dma_wait3A_378 : memref<2048xi32, #tpu.memory_space<hbm>>) dst(%arg11 : memref<2048xi32, #tpu.memory_space<vmem>>)
      } else {
      }
      %mul3A_358 = arith.constant 32 : i32
      %mul3A_359 = arith.muli %add3A_339, %mul3A_358 : i32
      %add3A_360 = arith.addi %mul3A_359, %add3A : i32
      %lt3A_361 = arith.constant 3125 : i32
      %lt3A_362 = arith.cmpi slt, %add3A_360, %lt3A_361 : i32
      %convert_element_type3A_363 = arith.extui %lt3A_362 : i1 to i32
      %cond3A_364 = arith.constant 0 : i32
      %cond3A_365 = arith.cmpi ne, %convert_element_type3A_363, %cond3A_364 : i32
      scf.if %cond3A_365 {
        %parallel_loop3A_366 = arith.constant 0 : i32
        %parallel_loop3A_367 = arith.constant 2048 : i32
        %parallel_loop3A_368 = arith.constant 16 : i32
        scf.for %parallel_loop3A_369 = %parallel_loop3A_366 to %parallel_loop3A_367 step %parallel_loop3A_368  : i32 {
          %parallel_loop3A_370 = arith.constant 0 : i32
          %parallel_loop3A_371 = arith.index_cast %parallel_loop3A_370 : i32 to index
          %parallel_loop3A_372 = arith.index_cast %parallel_loop3A_369 : i32 to index
          %parallel_loop3A_373 = tpu.vector_load %arg7[%parallel_loop3A_371, %parallel_loop3A_372] {strides = array<i32>} : memref<3x2048xf32, #tpu.memory_space<vmem>>, vector<16xf32>,
          %parallel_loop3A_374 = arith.constant 1 : i32
          %parallel_loop3A_375 = arith.index_cast %parallel_loop3A_374 : i32 to index
          %parallel_loop3A_376 = arith.index_cast %parallel_loop3A_369 : i32 to index
          %parallel_loop3A_377 = tpu.vector_load %arg7[%parallel_loop3A_375, %parallel_loop3A_376] {strides = array<i32>} : memref<3x2048xf32, #tpu.memory_space<vmem>>, vector<16xf32>,
          %parallel_loop3A_378 = arith.constant 2 : i32
          %parallel_loop3A_379 = arith.index_cast %parallel_loop3A_378 : i32 to index
          %parallel_loop3A_380 = arith.index_cast %parallel_loop3A_369 : i32 to index
          %parallel_loop3A_381 = tpu.vector_load %arg7[%parallel_loop3A_379, %parallel_loop3A_380] {strides = array<i32>} : memref<3x2048xf32, #tpu.memory_space<vmem>>, vector<16xf32>,
          %parallel_loop3A_382 = arith.mulf %parallel_loop3A_373, %parallel_loop3A_373 : vector<16xf32>
          %parallel_loop3A_383 = arith.mulf %parallel_loop3A_377, %parallel_loop3A_377 : vector<16xf32>
          %parallel_loop3A_384 = arith.addf %parallel_loop3A_382, %parallel_loop3A_383 : vector<16xf32>
          %parallel_loop3A_385 = arith.mulf %parallel_loop3A_381, %parallel_loop3A_381 : vector<16xf32>
          %parallel_loop3A_386 = arith.addf %parallel_loop3A_384, %parallel_loop3A_385 : vector<16xf32>
          %parallel_loop3A_387 = arith.constant 1.000000e+00 : f32
          %parallel_loop3A_388 = vector.broadcast %parallel_loop3A_387 : f32 to vector<16xf32>
          %parallel_loop3A_389 = arith.divf %parallel_loop3A_388, %parallel_loop3A_386 : vector<16xf32>
          %parallel_loop3A_390 = arith.mulf %parallel_loop3A_389, %parallel_loop3A_389 : vector<16xf32>
          %parallel_loop3A_391 = arith.mulf %parallel_loop3A_390, %parallel_loop3A_389 : vector<16xf32>
          %parallel_loop3A_392 = arith.mulf %parallel_loop3A_391, %parallel_loop3A_391 : vector<16xf32>
          %parallel_loop3A_393 = arith.subf %parallel_loop3A_392, %parallel_loop3A_391 : vector<16xf32>
          %parallel_loop3A_394 = arith.constant 2.000000e-01 : f32
          %parallel_loop3A_395 = vector.broadcast %parallel_loop3A_394 : f32 to vector<16xf32>
          %parallel_loop3A_396 = arith.mulf %parallel_loop3A_395, %parallel_loop3A_393 : vector<16xf32>
          %parallel_loop3A_397 = arith.constant -1.27991807E-5 : f32
          %parallel_loop3A_398 = vector.broadcast %parallel_loop3A_397 : f32 to vector<16xf32>
          %parallel_loop3A_399 = arith.subf %parallel_loop3A_396, %parallel_loop3A_398 : vector<16xf32>
          %parallel_loop3A_400 = arith.index_cast %parallel_loop3A_369 : i32 to index
          %parallel_loop3A_401 = tpu.vector_load %arg9[%parallel_loop3A_400] {strides = array<i32>} : memref<2048xi32, #tpu.memory_space<vmem>>, vector<16xi32>,
          tpu.vector_store_idx %arg12[%parallel_loop3A_401], %parallel_loop3A_399 {add = true} : memref<100352xf32, #tpu.memory_space<vmem>>[vector<16xi32>], vector<16xf32>,
          %parallel_loop3A_402 = arith.index_cast %parallel_loop3A_369 : i32 to index
          %parallel_loop3A_403 = tpu.vector_load %arg11[%parallel_loop3A_402] {strides = array<i32>} : memref<2048xi32, #tpu.memory_space<vmem>>, vector<16xi32>,
          tpu.vector_store_idx %arg12[%parallel_loop3A_403], %parallel_loop3A_399 {add = true} : memref<100352xf32, #tpu.memory_space<vmem>>[vector<16xi32>], vector<16xf32>,
        } {sc.loop_unroll_factor = 4 : i64, sc.parallel_access}
      } else {
      }
    }
    %scan3A_12 = arith.constant 49 : i32
    %mul3A_13 = arith.constant 2048 : i32
    %mul3A_14 = arith.muli %arg1, %mul3A_13 : i32
    %add3A_15 = arith.constant 0 : i32
    %add3A_16 = arith.addi %add3A_15, %mul3A_14 : i32
    %dma_start3A = arith.constant 0 : i32
    %dma_start3A_17 = tpu.memref_slice %arg12[%dma_start3A] : memref<100352xf32, #tpu.memory_space<vmem>> -> memref<2048xf32, #tpu.memory_space<vmem>>
    %dma_start3A_18 = tpu.memref_slice %arg14[%add3A_16] : memref<65536xf32, #tpu.memory_space<vmem_shared>> -> memref<2048xf32, #tpu.memory_space<vmem_shared>>
    %dma_start3A_19 = tpu.memref_slice %arg14[%add3A_16] : memref<65536xf32, #tpu.memory_space<vmem_shared>> -> memref<2048xf32, #tpu.memory_space<vmem_shared>>
    %dma_start3A_20 = arith.constant 0 : i32
    %dma_start3A_21 = tpu.memref_slice %arg12[%dma_start3A_20] : memref<100352xf32, #tpu.memory_space<vmem>> -> memref<2048xf32, #tpu.memory_space<vmem>>
    tpu.enqueue_dma source(%dma_start3A_21 : memref<2048xf32, #tpu.memory_space<vmem>>) target(%dma_start3A_19 : memref<2048xf32, #tpu.memory_space<vmem_shared>>) target_semaphore(%arg22 : memref<!tpu.dma_semaphore, #tpu.memory_space<semaphore_mem>>)
    %scan3A_22 = arith.constant 0 : i32
    %scan3A_23 = arith.constant 0 : i32
    %scan3A_24 = arith.constant 24 : i32
    %scan3A_25 = arith.addi %scan3A_23, %scan3A_24 : i32
    %scan3A_26 = arith.constant 1 : i32
    scf.for %scan3A_307 = %scan3A_23 to %scan3A_25 step %scan3A_26  : i32 {
      %mul3A_308 = arith.constant 2 : i32
      %mul3A_309 = arith.muli %mul3A_308, %scan3A_307 : i32
      %add3A_310 = arith.constant 0 : i32
      %add3A_311 = arith.addi %mul3A_309, %add3A_310 : i32
      %mul3A_312 = arith.constant 2048 : i32
      %mul3A_313 = arith.muli %add3A_311, %mul3A_312 : i32
      %mul3A_314 = arith.constant 2048 : i32
      %mul3A_315 = arith.muli %arg1, %mul3A_314 : i32
      %add3A_316 = arith.constant 0 : i32
      %add3A_317 = arith.addi %add3A_316, %mul3A_315 : i32
      %dma_wait3A_318 = tpu.memref_slice %arg12[%mul3A_313] : memref<100352xf32, #tpu.memory_space<vmem>> -> memref<2048xf32, #tpu.memory_space<vmem>>
      %dma_wait3A_319 = tpu.memref_slice %arg14[%add3A_317] : memref<65536xf32, #tpu.memory_space<vmem_shared>> -> memref<2048xf32, #tpu.memory_space<vmem_shared>>
      %dma_wait3A_320 = tpu.memref_slice %arg14[%add3A_317] : memref<65536xf32, #tpu.memory_space<vmem_shared>> -> memref<2048xf32, #tpu.memory_space<vmem_shared>>
      %dma_wait3A_321 = tpu.memref_slice %arg12[%mul3A_313] : memref<100352xf32, #tpu.memory_space<vmem>> -> memref<2048xf32, #tpu.memory_space<vmem>>
      tpu.wait_dma2 semaphore(%arg22 : memref<!tpu.dma_semaphore, #tpu.memory_space<semaphore_mem>>) src(%dma_wait3A_321 : memref<2048xf32, #tpu.memory_space<vmem>>) dst(%dma_wait3A_320 : memref<2048xf32, #tpu.memory_space<vmem_shared>>)
      %barrier3A_322 = arith.constant 0 : index
      tpu.barrier barrier_id(%barrier3A_322)
      %add3A_323 = arith.constant 1 : i32
      %add3A_324 = arith.addi %add3A_311, %add3A_323 : i32
      %lt3A_325 = arith.constant 49 : i32
      %lt3A_326 = arith.cmpi slt, %add3A_324, %lt3A_325 : i32
      %convert_element_type3A_327 = arith.extui %lt3A_326 : i1 to i32
      %cond3A_328 = arith.constant 0 : i32
      %cond3A_329 = arith.cmpi ne, %convert_element_type3A_327, %cond3A_328 : i32
      scf.if %cond3A_329 {
        %mul3A_896 = arith.constant 2048 : i32
        %mul3A_897 = arith.muli %add3A_324, %mul3A_896 : i32
        %mul3A_898 = arith.constant 2048 : i32
        %mul3A_899 = arith.muli %arg1, %mul3A_898 : i32
        %add3A_900 = arith.constant 32768 : i32
        %add3A_901 = arith.addi %add3A_900, %mul3A_899 : i32
        %dma_start3A_902 = tpu.memref_slice %arg12[%mul3A_897] : memref<100352xf32, #tpu.memory_space<vmem>> -> memref<2048xf32, #tpu.memory_space<vmem>>
        %dma_start3A_903 = tpu.memref_slice %arg14[%add3A_901] : memref<65536xf32, #tpu.memory_space<vmem_shared>> -> memref<2048xf32, #tpu.memory_space<vmem_shared>>
        %dma_start3A_904 = tpu.memref_slice %arg14[%add3A_901] : memref<65536xf32, #tpu.memory_space<vmem_shared>> -> memref<2048xf32, #tpu.memory_space<vmem_shared>>
        %dma_start3A_905 = tpu.memref_slice %arg12[%mul3A_897] : memref<100352xf32, #tpu.memory_space<vmem>> -> memref<2048xf32, #tpu.memory_space<vmem>>
        tpu.enqueue_dma source(%dma_start3A_905 : memref<2048xf32, #tpu.memory_space<vmem>>) target(%dma_start3A_904 : memref<2048xf32, #tpu.memory_space<vmem_shared>>) target_semaphore(%arg22 : memref<!tpu.dma_semaphore, #tpu.memory_space<semaphore_mem>>)
      } else {
      }
      %mul3A_330 = arith.constant 128 : i32
      %mul3A_331 = arith.muli %arg1, %mul3A_330 : i32
      %add3A_332 = arith.constant 0 : i32
      %add3A_333 = arith.addi %add3A_332, %mul3A_331 : i32
      %add3A_334 = arith.constant 0 : i32
      %add3A_335 = arith.addi %add3A_334, %add3A_333 : i32
      %dma_start3A_336 = arith.constant 0 : i32
      %dma_start3A_337 = tpu.memref_slice %arg13[%dma_start3A_336] : memref<2048xf32, #tpu.memory_space<vmem>> -> memref<128xf32, #tpu.memory_space<vmem>>
      %dma_start3A_338 = tpu.memref_slice %arg14[%add3A_335] : memref<65536xf32, #tpu.memory_space<vmem_shared>> -> memref<128xf32, #tpu.memory_space<vmem_shared>>
      %dma_start3A_339 = arith.constant 0 : i32
      %dma_start3A_340 = tpu.memref_slice %arg13[%dma_start3A_339] : memref<2048xf32, #tpu.memory_space<vmem>> -> memref<128xf32, #tpu.memory_space<vmem>>
      %dma_start3A_341 = tpu.memref_slice %arg14[%add3A_335] : memref<65536xf32, #tpu.memory_space<vmem_shared>> -> memref<128xf32, #tpu.memory_space<vmem_shared>>
      tpu.enqueue_dma source(%dma_start3A_341 : memref<128xf32, #tpu.memory_space<vmem_shared>>) target(%dma_start3A_340 : memref<128xf32, #tpu.memory_space<vmem>>) target_semaphore(%arg21 : memref<!tpu.dma_semaphore, #tpu.memory_space<semaphore_mem>>)
      %add3A_342 = arith.constant 2048 : i32
      %add3A_343 = arith.addi %add3A_342, %add3A_333 : i32
      %dma_start3A_344 = arith.constant 128 : i32
      %dma_start3A_345 = tpu.memref_slice %arg13[%dma_start3A_344] : memref<2048xf32, #tpu.memory_space<vmem>> -> memref<128xf32, #tpu.memory_space<vmem>>
      %dma_start3A_346 = tpu.memref_slice %arg14[%add3A_343] : memref<65536xf32, #tpu.memory_space<vmem_shared>> -> memref<128xf32, #tpu.memory_space<vmem_shared>>
      %dma_start3A_347 = arith.constant 128 : i32
      %dma_start3A_348 = tpu.memref_slice %arg13[%dma_start3A_347] : memref<2048xf32, #tpu.memory_space<vmem>> -> memref<128xf32, #tpu.memory_space<vmem>>
      %dma_start3A_349 = tpu.memref_slice %arg14[%add3A_343] : memref<65536xf32, #tpu.memory_space<vmem_shared>> -> memref<128xf32, #tpu.memory_space<vmem_shared>>
      tpu.enqueue_dma source(%dma_start3A_349 : memref<128xf32, #tpu.memory_space<vmem_shared>>) target(%dma_start3A_348 : memref<128xf32, #tpu.memory_space<vmem>>) target_semaphore(%arg21 : memref<!tpu.dma_semaphore, #tpu.memory_space<semaphore_mem>>)
      %add3A_350 = arith.constant 4096 : i32
      %add3A_351 = arith.addi %add3A_350, %add3A_333 : i32
      %dma_start3A_352 = arith.constant 256 : i32
      %dma_start3A_353 = tpu.memref_slice %arg13[%dma_start3A_352] : memref<2048xf32, #tpu.memory_space<vmem>> -> memref<128xf32, #tpu.memory_space<vmem>>
      %dma_start3A_354 = tpu.memref_slice %arg14[%add3A_351] : memref<65536xf32, #tpu.memory_space<vmem_shared>> -> memref<128xf32, #tpu.memory_space<vmem_shared>>
      %dma_start3A_355 = arith.constant 256 : i32
      %dma_start3A_356 = tpu.memref_slice %arg13[%dma_start3A_355] : memref<2048xf32, #tpu.memory_space<vmem>> -> memref<128xf32, #tpu.memory_space<vmem>>
      %dma_start3A_357 = tpu.memref_slice %arg14[%add3A_351] : memref<65536xf32, #tpu.memory_space<vmem_shared>> -> memref<128xf32, #tpu.memory_space<vmem_shared>>
      tpu.enqueue_dma source(%dma_start3A_357 : memref<128xf32, #tpu.memory_space<vmem_shared>>) target(%dma_start3A_356 : memref<128xf32, #tpu.memory_space<vmem>>) target_semaphore(%arg21 : memref<!tpu.dma_semaphore, #tpu.memory_space<semaphore_mem>>)
      %add3A_358 = arith.constant 6144 : i32
      %add3A_359 = arith.addi %add3A_358, %add3A_333 : i32
      %dma_start3A_360 = arith.constant 384 : i32
      %dma_start3A_361 = tpu.memref_slice %arg13[%dma_start3A_360] : memref<2048xf32, #tpu.memory_space<vmem>> -> memref<128xf32, #tpu.memory_space<vmem>>
      %dma_start3A_362 = tpu.memref_slice %arg14[%add3A_359] : memref<65536xf32, #tpu.memory_space<vmem_shared>> -> memref<128xf32, #tpu.memory_space<vmem_shared>>
      %dma_start3A_363 = arith.constant 384 : i32
      %dma_start3A_364 = tpu.memref_slice %arg13[%dma_start3A_363] : memref<2048xf32, #tpu.memory_space<vmem>> -> memref<128xf32, #tpu.memory_space<vmem>>
      %dma_start3A_365 = tpu.memref_slice %arg14[%add3A_359] : memref<65536xf32, #tpu.memory_space<vmem_shared>> -> memref<128xf32, #tpu.memory_space<vmem_shared>>
      tpu.enqueue_dma source(%dma_start3A_365 : memref<128xf32, #tpu.memory_space<vmem_shared>>) target(%dma_start3A_364 : memref<128xf32, #tpu.memory_space<vmem>>) target_semaphore(%arg21 : memref<!tpu.dma_semaphore, #tpu.memory_space<semaphore_mem>>)
      %add3A_366 = arith.constant 8192 : i32
      %add3A_367 = arith.addi %add3A_366, %add3A_333 : i32
      %dma_start3A_368 = arith.constant 512 : i32
      %dma_start3A_369 = tpu.memref_slice %arg13[%dma_start3A_368] : memref<2048xf32, #tpu.memory_space<vmem>> -> memref<128xf32, #tpu.memory_space<vmem>>
      %dma_start3A_370 = tpu.memref_slice %arg14[%add3A_367] : memref<65536xf32, #tpu.memory_space<vmem_shared>> -> memref<128xf32, #tpu.memory_space<vmem_shared>>
      %dma_start3A_371 = arith.constant 512 : i32
      %dma_start3A_372 = tpu.memref_slice %arg13[%dma_start3A_371] : memref<2048xf32, #tpu.memory_space<vmem>> -> memref<128xf32, #tpu.memory_space<vmem>>
      %dma_start3A_373 = tpu.memref_slice %arg14[%add3A_367] : memref<65536xf32, #tpu.memory_space<vmem_shared>> -> memref<128xf32, #tpu.memory_space<vmem_shared>>
      tpu.enqueue_dma source(%dma_start3A_373 : memref<128xf32, #tpu.memory_space<vmem_shared>>) target(%dma_start3A_372 : memref<128xf32, #tpu.memory_space<vmem>>) target_semaphore(%arg21 : memref<!tpu.dma_semaphore, #tpu.memory_space<semaphore_mem>>)
      %add3A_374 = arith.constant 10240 : i32
      %add3A_375 = arith.addi %add3A_374, %add3A_333 : i32
      %dma_start3A_376 = arith.constant 640 : i32
      %dma_start3A_377 = tpu.memref_slice %arg13[%dma_start3A_376] : memref<2048xf32, #tpu.memory_space<vmem>> -> memref<128xf32, #tpu.memory_space<vmem>>
      %dma_start3A_378 = tpu.memref_slice %arg14[%add3A_375] : memref<65536xf32, #tpu.memory_space<vmem_shared>> -> memref<128xf32, #tpu.memory_space<vmem_shared>>
      %dma_start3A_379 = arith.constant 640 : i32
      %dma_start3A_380 = tpu.memref_slice %arg13[%dma_start3A_379] : memref<2048xf32, #tpu.memory_space<vmem>> -> memref<128xf32, #tpu.memory_space<vmem>>
      %dma_start3A_381 = tpu.memref_slice %arg14[%add3A_375] : memref<65536xf32, #tpu.memory_space<vmem_shared>> -> memref<128xf32, #tpu.memory_space<vmem_shared>>
      tpu.enqueue_dma source(%dma_start3A_381 : memref<128xf32, #tpu.memory_space<vmem_shared>>) target(%dma_start3A_380 : memref<128xf32, #tpu.memory_space<vmem>>) target_semaphore(%arg21 : memref<!tpu.dma_semaphore, #tpu.memory_space<semaphore_mem>>)
      %add3A_382 = arith.constant 12288 : i32
      %add3A_383 = arith.addi %add3A_382, %add3A_333 : i32
      %dma_start3A_384 = arith.constant 768 : i32
      %dma_start3A_385 = tpu.memref_slice %arg13[%dma_start3A_384] : memref<2048xf32, #tpu.memory_space<vmem>> -> memref<128xf32, #tpu.memory_space<vmem>>
      %dma_start3A_386 = tpu.memref_slice %arg14[%add3A_383] : memref<65536xf32, #tpu.memory_space<vmem_shared>> -> memref<128xf32, #tpu.memory_space<vmem_shared>>
      %dma_start3A_387 = arith.constant 768 : i32
      %dma_start3A_388 = tpu.memref_slice %arg13[%dma_start3A_387] : memref<2048xf32, #tpu.memory_space<vmem>> -> memref<128xf32, #tpu.memory_space<vmem>>
      %dma_start3A_389 = tpu.memref_slice %arg14[%add3A_383] : memref<65536xf32, #tpu.memory_space<vmem_shared>> -> memref<128xf32, #tpu.memory_space<vmem_shared>>
      tpu.enqueue_dma source(%dma_start3A_389 : memref<128xf32, #tpu.memory_space<vmem_shared>>) target(%dma_start3A_388 : memref<128xf32, #tpu.memory_space<vmem>>) target_semaphore(%arg21 : memref<!tpu.dma_semaphore, #tpu.memory_space<semaphore_mem>>)
      %add3A_390 = arith.constant 14336 : i32
      %add3A_391 = arith.addi %add3A_390, %add3A_333 : i32
      %dma_start3A_392 = arith.constant 896 : i32
      %dma_start3A_393 = tpu.memref_slice %arg13[%dma_start3A_392] : memref<2048xf32, #tpu.memory_space<vmem>> -> memref<128xf32, #tpu.memory_space<vmem>>
      %dma_start3A_394 = tpu.memref_slice %arg14[%add3A_391] : memref<65536xf32, #tpu.memory_space<vmem_shared>> -> memref<128xf32, #tpu.memory_space<vmem_shared>>
      %dma_start3A_395 = arith.constant 896 : i32
      %dma_start3A_396 = tpu.memref_slice %arg13[%dma_start3A_395] : memref<2048xf32, #tpu.memory_space<vmem>> -> memref<128xf32, #tpu.memory_space<vmem>>
      %dma_start3A_397 = tpu.memref_slice %arg14[%add3A_391] : memref<65536xf32, #tpu.memory_space<vmem_shared>> -> memref<128xf32, #tpu.memory_space<vmem_shared>>
      tpu.enqueue_dma source(%dma_start3A_397 : memref<128xf32, #tpu.memory_space<vmem_shared>>) target(%dma_start3A_396 : memref<128xf32, #tpu.memory_space<vmem>>) target_semaphore(%arg21 : memref<!tpu.dma_semaphore, #tpu.memory_space<semaphore_mem>>)
      %add3A_398 = arith.constant 16384 : i32
      %add3A_399 = arith.addi %add3A_398, %add3A_333 : i32
      %dma_start3A_400 = arith.constant 1024 : i32
      %dma_start3A_401 = tpu.memref_slice %arg13[%dma_start3A_400] : memref<2048xf32, #tpu.memory_space<vmem>> -> memref<128xf32, #tpu.memory_space<vmem>>
      %dma_start3A_402 = tpu.memref_slice %arg14[%add3A_399] : memref<65536xf32, #tpu.memory_space<vmem_shared>> -> memref<128xf32, #tpu.memory_space<vmem_shared>>
      %dma_start3A_403 = arith.constant 1024 : i32
      %dma_start3A_404 = tpu.memref_slice %arg13[%dma_start3A_403] : memref<2048xf32, #tpu.memory_space<vmem>> -> memref<128xf32, #tpu.memory_space<vmem>>
      %dma_start3A_405 = tpu.memref_slice %arg14[%add3A_399] : memref<65536xf32, #tpu.memory_space<vmem_shared>> -> memref<128xf32, #tpu.memory_space<vmem_shared>>
      tpu.enqueue_dma source(%dma_start3A_405 : memref<128xf32, #tpu.memory_space<vmem_shared>>) target(%dma_start3A_404 : memref<128xf32, #tpu.memory_space<vmem>>) target_semaphore(%arg21 : memref<!tpu.dma_semaphore, #tpu.memory_space<semaphore_mem>>)
      %add3A_406 = arith.constant 18432 : i32
      %add3A_407 = arith.addi %add3A_406, %add3A_333 : i32
      %dma_start3A_408 = arith.constant 1152 : i32
      %dma_start3A_409 = tpu.memref_slice %arg13[%dma_start3A_408] : memref<2048xf32, #tpu.memory_space<vmem>> -> memref<128xf32, #tpu.memory_space<vmem>>
      %dma_start3A_410 = tpu.memref_slice %arg14[%add3A_407] : memref<65536xf32, #tpu.memory_space<vmem_shared>> -> memref<128xf32, #tpu.memory_space<vmem_shared>>
      %dma_start3A_411 = arith.constant 1152 : i32
      %dma_start3A_412 = tpu.memref_slice %arg13[%dma_start3A_411] : memref<2048xf32, #tpu.memory_space<vmem>> -> memref<128xf32, #tpu.memory_space<vmem>>
      %dma_start3A_413 = tpu.memref_slice %arg14[%add3A_407] : memref<65536xf32, #tpu.memory_space<vmem_shared>> -> memref<128xf32, #tpu.memory_space<vmem_shared>>
      tpu.enqueue_dma source(%dma_start3A_413 : memref<128xf32, #tpu.memory_space<vmem_shared>>) target(%dma_start3A_412 : memref<128xf32, #tpu.memory_space<vmem>>) target_semaphore(%arg21 : memref<!tpu.dma_semaphore, #tpu.memory_space<semaphore_mem>>)
      %add3A_414 = arith.constant 20480 : i32
      %add3A_415 = arith.addi %add3A_414, %add3A_333 : i32
      %dma_start3A_416 = arith.constant 1280 : i32
      %dma_start3A_417 = tpu.memref_slice %arg13[%dma_start3A_416] : memref<2048xf32, #tpu.memory_space<vmem>> -> memref<128xf32, #tpu.memory_space<vmem>>
      %dma_start3A_418 = tpu.memref_slice %arg14[%add3A_415] : memref<65536xf32, #tpu.memory_space<vmem_shared>> -> memref<128xf32, #tpu.memory_space<vmem_shared>>
      %dma_start3A_419 = arith.constant 1280 : i32
      %dma_start3A_420 = tpu.memref_slice %arg13[%dma_start3A_419] : memref<2048xf32, #tpu.memory_space<vmem>> -> memref<128xf32, #tpu.memory_space<vmem>>
      %dma_start3A_421 = tpu.memref_slice %arg14[%add3A_415] : memref<65536xf32, #tpu.memory_space<vmem_shared>> -> memref<128xf32, #tpu.memory_space<vmem_shared>>
      tpu.enqueue_dma source(%dma_start3A_421 : memref<128xf32, #tpu.memory_space<vmem_shared>>) target(%dma_start3A_420 : memref<128xf32, #tpu.memory_space<vmem>>) target_semaphore(%arg21 : memref<!tpu.dma_semaphore, #tpu.memory_space<semaphore_mem>>)
      %add3A_422 = arith.constant 22528 : i32
      %add3A_423 = arith.addi %add3A_422, %add3A_333 : i32
      %dma_start3A_424 = arith.constant 1408 : i32
      %dma_start3A_425 = tpu.memref_slice %arg13[%dma_start3A_424] : memref<2048xf32, #tpu.memory_space<vmem>> -> memref<128xf32, #tpu.memory_space<vmem>>
      %dma_start3A_426 = tpu.memref_slice %arg14[%add3A_423] : memref<65536xf32, #tpu.memory_space<vmem_shared>> -> memref<128xf32, #tpu.memory_space<vmem_shared>>
      %dma_start3A_427 = arith.constant 1408 : i32
      %dma_start3A_428 = tpu.memref_slice %arg13[%dma_start3A_427] : memref<2048xf32, #tpu.memory_space<vmem>> -> memref<128xf32, #tpu.memory_space<vmem>>
      %dma_start3A_429 = tpu.memref_slice %arg14[%add3A_423] : memref<65536xf32, #tpu.memory_space<vmem_shared>> -> memref<128xf32, #tpu.memory_space<vmem_shared>>
      tpu.enqueue_dma source(%dma_start3A_429 : memref<128xf32, #tpu.memory_space<vmem_shared>>) target(%dma_start3A_428 : memref<128xf32, #tpu.memory_space<vmem>>) target_semaphore(%arg21 : memref<!tpu.dma_semaphore, #tpu.memory_space<semaphore_mem>>)
      %add3A_430 = arith.constant 24576 : i32
      %add3A_431 = arith.addi %add3A_430, %add3A_333 : i32
      %dma_start3A_432 = arith.constant 1536 : i32
      %dma_start3A_433 = tpu.memref_slice %arg13[%dma_start3A_432] : memref<2048xf32, #tpu.memory_space<vmem>> -> memref<128xf32, #tpu.memory_space<vmem>>
      %dma_start3A_434 = tpu.memref_slice %arg14[%add3A_431] : memref<65536xf32, #tpu.memory_space<vmem_shared>> -> memref<128xf32, #tpu.memory_space<vmem_shared>>
      %dma_start3A_435 = arith.constant 1536 : i32
      %dma_start3A_436 = tpu.memref_slice %arg13[%dma_start3A_435] : memref<2048xf32, #tpu.memory_space<vmem>> -> memref<128xf32, #tpu.memory_space<vmem>>
      %dma_start3A_437 = tpu.memref_slice %arg14[%add3A_431] : memref<65536xf32, #tpu.memory_space<vmem_shared>> -> memref<128xf32, #tpu.memory_space<vmem_shared>>
      tpu.enqueue_dma source(%dma_start3A_437 : memref<128xf32, #tpu.memory_space<vmem_shared>>) target(%dma_start3A_436 : memref<128xf32, #tpu.memory_space<vmem>>) target_semaphore(%arg21 : memref<!tpu.dma_semaphore, #tpu.memory_space<semaphore_mem>>)
      %add3A_438 = arith.constant 26624 : i32
      %add3A_439 = arith.addi %add3A_438, %add3A_333 : i32
      %dma_start3A_440 = arith.constant 1664 : i32
      %dma_start3A_441 = tpu.memref_slice %arg13[%dma_start3A_440] : memref<2048xf32, #tpu.memory_space<vmem>> -> memref<128xf32, #tpu.memory_space<vmem>>
      %dma_start3A_442 = tpu.memref_slice %arg14[%add3A_439] : memref<65536xf32, #tpu.memory_space<vmem_shared>> -> memref<128xf32, #tpu.memory_space<vmem_shared>>
      %dma_start3A_443 = arith.constant 1664 : i32
      %dma_start3A_444 = tpu.memref_slice %arg13[%dma_start3A_443] : memref<2048xf32, #tpu.memory_space<vmem>> -> memref<128xf32, #tpu.memory_space<vmem>>
      %dma_start3A_445 = tpu.memref_slice %arg14[%add3A_439] : memref<65536xf32, #tpu.memory_space<vmem_shared>> -> memref<128xf32, #tpu.memory_space<vmem_shared>>
      tpu.enqueue_dma source(%dma_start3A_445 : memref<128xf32, #tpu.memory_space<vmem_shared>>) target(%dma_start3A_444 : memref<128xf32, #tpu.memory_space<vmem>>) target_semaphore(%arg21 : memref<!tpu.dma_semaphore, #tpu.memory_space<semaphore_mem>>)
      %add3A_446 = arith.constant 28672 : i32
      %add3A_447 = arith.addi %add3A_446, %add3A_333 : i32
      %dma_start3A_448 = arith.constant 1792 : i32
      %dma_start3A_449 = tpu.memref_slice %arg13[%dma_start3A_448] : memref<2048xf32, #tpu.memory_space<vmem>> -> memref<128xf32, #tpu.memory_space<vmem>>
      %dma_start3A_450 = tpu.memref_slice %arg14[%add3A_447] : memref<65536xf32, #tpu.memory_space<vmem_shared>> -> memref<128xf32, #tpu.memory_space<vmem_shared>>
      %dma_start3A_451 = arith.constant 1792 : i32
      %dma_start3A_452 = tpu.memref_slice %arg13[%dma_start3A_451] : memref<2048xf32, #tpu.memory_space<vmem>> -> memref<128xf32, #tpu.memory_space<vmem>>
      %dma_start3A_453 = tpu.memref_slice %arg14[%add3A_447] : memref<65536xf32, #tpu.memory_space<vmem_shared>> -> memref<128xf32, #tpu.memory_space<vmem_shared>>
      tpu.enqueue_dma source(%dma_start3A_453 : memref<128xf32, #tpu.memory_space<vmem_shared>>) target(%dma_start3A_452 : memref<128xf32, #tpu.memory_space<vmem>>) target_semaphore(%arg21 : memref<!tpu.dma_semaphore, #tpu.memory_space<semaphore_mem>>)
      %add3A_454 = arith.constant 30720 : i32
      %add3A_455 = arith.addi %add3A_454, %add3A_333 : i32
      %dma_start3A_456 = arith.constant 1920 : i32
      %dma_start3A_457 = tpu.memref_slice %arg13[%dma_start3A_456] : memref<2048xf32, #tpu.memory_space<vmem>> -> memref<128xf32, #tpu.memory_space<vmem>>
      %dma_start3A_458 = tpu.memref_slice %arg14[%add3A_455] : memref<65536xf32, #tpu.memory_space<vmem_shared>> -> memref<128xf32, #tpu.memory_space<vmem_shared>>
      %dma_start3A_459 = arith.constant 1920 : i32
      %dma_start3A_460 = tpu.memref_slice %arg13[%dma_start3A_459] : memref<2048xf32, #tpu.memory_space<vmem>> -> memref<128xf32, #tpu.memory_space<vmem>>
      %dma_start3A_461 = tpu.memref_slice %arg14[%add3A_455] : memref<65536xf32, #tpu.memory_space<vmem_shared>> -> memref<128xf32, #tpu.memory_space<vmem_shared>>
      tpu.enqueue_dma source(%dma_start3A_461 : memref<128xf32, #tpu.memory_space<vmem_shared>>) target(%dma_start3A_460 : memref<128xf32, #tpu.memory_space<vmem>>) target_semaphore(%arg21 : memref<!tpu.dma_semaphore, #tpu.memory_space<semaphore_mem>>)
      %add3A_462 = arith.constant 0 : i32
      %add3A_463 = arith.addi %add3A_462, %add3A_333 : i32
      %dma_wait3A_464 = arith.constant 0 : i32
      %dma_wait3A_465 = tpu.memref_slice %arg13[%dma_wait3A_464] : memref<2048xf32, #tpu.memory_space<vmem>> -> memref<128xf32, #tpu.memory_space<vmem>>
      %dma_wait3A_466 = tpu.memref_slice %arg14[%add3A_463] : memref<65536xf32, #tpu.memory_space<vmem_shared>> -> memref<128xf32, #tpu.memory_space<vmem_shared>>
      %dma_wait3A_467 = arith.constant 0 : i32
      %dma_wait3A_468 = tpu.memref_slice %arg13[%dma_wait3A_467] : memref<2048xf32, #tpu.memory_space<vmem>> -> memref<128xf32, #tpu.memory_space<vmem>>
      %dma_wait3A_469 = tpu.memref_slice %arg14[%add3A_463] : memref<65536xf32, #tpu.memory_space<vmem_shared>> -> memref<128xf32, #tpu.memory_space<vmem_shared>>
      tpu.wait_dma2 semaphore(%arg21 : memref<!tpu.dma_semaphore, #tpu.memory_space<semaphore_mem>>) src(%dma_wait3A_469 : memref<128xf32, #tpu.memory_space<vmem_shared>>) dst(%dma_wait3A_468 : memref<128xf32, #tpu.memory_space<vmem>>)
      %add3A_470 = arith.constant 2048 : i32
      %add3A_471 = arith.addi %add3A_470, %add3A_333 : i32
      %dma_wait3A_472 = arith.constant 128 : i32
      %dma_wait3A_473 = tpu.memref_slice %arg13[%dma_wait3A_472] : memref<2048xf32, #tpu.memory_space<vmem>> -> memref<128xf32, #tpu.memory_space<vmem>>
      %dma_wait3A_474 = tpu.memref_slice %arg14[%add3A_471] : memref<65536xf32, #tpu.memory_space<vmem_shared>> -> memref<128xf32, #tpu.memory_space<vmem_shared>>
      %dma_wait3A_475 = arith.constant 128 : i32
      %dma_wait3A_476 = tpu.memref_slice %arg13[%dma_wait3A_475] : memref<2048xf32, #tpu.memory_space<vmem>> -> memref<128xf32, #tpu.memory_space<vmem>>
      %dma_wait3A_477 = tpu.memref_slice %arg14[%add3A_471] : memref<65536xf32, #tpu.memory_space<vmem_shared>> -> memref<128xf32, #tpu.memory_space<vmem_shared>>
      tpu.wait_dma2 semaphore(%arg21 : memref<!tpu.dma_semaphore, #tpu.memory_space<semaphore_mem>>) src(%dma_wait3A_477 : memref<128xf32, #tpu.memory_space<vmem_shared>>) dst(%dma_wait3A_476 : memref<128xf32, #tpu.memory_space<vmem>>)
      %add3A_478 = arith.constant 4096 : i32
      %add3A_479 = arith.addi %add3A_478, %add3A_333 : i32
      %dma_wait3A_480 = arith.constant 256 : i32
      %dma_wait3A_481 = tpu.memref_slice %arg13[%dma_wait3A_480] : memref<2048xf32, #tpu.memory_space<vmem>> -> memref<128xf32, #tpu.memory_space<vmem>>
      %dma_wait3A_482 = tpu.memref_slice %arg14[%add3A_479] : memref<65536xf32, #tpu.memory_space<vmem_shared>> -> memref<128xf32, #tpu.memory_space<vmem_shared>>
      %dma_wait3A_483 = arith.constant 256 : i32
      %dma_wait3A_484 = tpu.memref_slice %arg13[%dma_wait3A_483] : memref<2048xf32, #tpu.memory_space<vmem>> -> memref<128xf32, #tpu.memory_space<vmem>>
      %dma_wait3A_485 = tpu.memref_slice %arg14[%add3A_479] : memref<65536xf32, #tpu.memory_space<vmem_shared>> -> memref<128xf32, #tpu.memory_space<vmem_shared>>
      tpu.wait_dma2 semaphore(%arg21 : memref<!tpu.dma_semaphore, #tpu.memory_space<semaphore_mem>>) src(%dma_wait3A_485 : memref<128xf32, #tpu.memory_space<vmem_shared>>) dst(%dma_wait3A_484 : memref<128xf32, #tpu.memory_space<vmem>>)
      %add3A_486 = arith.constant 6144 : i32
      %add3A_487 = arith.addi %add3A_486, %add3A_333 : i32
      %dma_wait3A_488 = arith.constant 384 : i32
      %dma_wait3A_489 = tpu.memref_slice %arg13[%dma_wait3A_488] : memref<2048xf32, #tpu.memory_space<vmem>> -> memref<128xf32, #tpu.memory_space<vmem>>
      %dma_wait3A_490 = tpu.memref_slice %arg14[%add3A_487] : memref<65536xf32, #tpu.memory_space<vmem_shared>> -> memref<128xf32, #tpu.memory_space<vmem_shared>>
      %dma_wait3A_491 = arith.constant 384 : i32
      %dma_wait3A_492 = tpu.memref_slice %arg13[%dma_wait3A_491] : memref<2048xf32, #tpu.memory_space<vmem>> -> memref<128xf32, #tpu.memory_space<vmem>>
      %dma_wait3A_493 = tpu.memref_slice %arg14[%add3A_487] : memref<65536xf32, #tpu.memory_space<vmem_shared>> -> memref<128xf32, #tpu.memory_space<vmem_shared>>
      tpu.wait_dma2 semaphore(%arg21 : memref<!tpu.dma_semaphore, #tpu.memory_space<semaphore_mem>>) src(%dma_wait3A_493 : memref<128xf32, #tpu.memory_space<vmem_shared>>) dst(%dma_wait3A_492 : memref<128xf32, #tpu.memory_space<vmem>>)
      %add3A_494 = arith.constant 8192 : i32
      %add3A_495 = arith.addi %add3A_494, %add3A_333 : i32
      %dma_wait3A_496 = arith.constant 512 : i32
      %dma_wait3A_497 = tpu.memref_slice %arg13[%dma_wait3A_496] : memref<2048xf32, #tpu.memory_space<vmem>> -> memref<128xf32, #tpu.memory_space<vmem>>
      %dma_wait3A_498 = tpu.memref_slice %arg14[%add3A_495] : memref<65536xf32, #tpu.memory_space<vmem_shared>> -> memref<128xf32, #tpu.memory_space<vmem_shared>>
      %dma_wait3A_499 = arith.constant 512 : i32
      %dma_wait3A_500 = tpu.memref_slice %arg13[%dma_wait3A_499] : memref<2048xf32, #tpu.memory_space<vmem>> -> memref<128xf32, #tpu.memory_space<vmem>>
      %dma_wait3A_501 = tpu.memref_slice %arg14[%add3A_495] : memref<65536xf32, #tpu.memory_space<vmem_shared>> -> memref<128xf32, #tpu.memory_space<vmem_shared>>
      tpu.wait_dma2 semaphore(%arg21 : memref<!tpu.dma_semaphore, #tpu.memory_space<semaphore_mem>>) src(%dma_wait3A_501 : memref<128xf32, #tpu.memory_space<vmem_shared>>) dst(%dma_wait3A_500 : memref<128xf32, #tpu.memory_space<vmem>>)
      %add3A_502 = arith.constant 10240 : i32
      %add3A_503 = arith.addi %add3A_502, %add3A_333 : i32
      %dma_wait3A_504 = arith.constant 640 : i32
      %dma_wait3A_505 = tpu.memref_slice %arg13[%dma_wait3A_504] : memref<2048xf32, #tpu.memory_space<vmem>> -> memref<128xf32, #tpu.memory_space<vmem>>
      %dma_wait3A_506 = tpu.memref_slice %arg14[%add3A_503] : memref<65536xf32, #tpu.memory_space<vmem_shared>> -> memref<128xf32, #tpu.memory_space<vmem_shared>>
      %dma_wait3A_507 = arith.constant 640 : i32
      %dma_wait3A_508 = tpu.memref_slice %arg13[%dma_wait3A_507] : memref<2048xf32, #tpu.memory_space<vmem>> -> memref<128xf32, #tpu.memory_space<vmem>>
      %dma_wait3A_509 = tpu.memref_slice %arg14[%add3A_503] : memref<65536xf32, #tpu.memory_space<vmem_shared>> -> memref<128xf32, #tpu.memory_space<vmem_shared>>
      tpu.wait_dma2 semaphore(%arg21 : memref<!tpu.dma_semaphore, #tpu.memory_space<semaphore_mem>>) src(%dma_wait3A_509 : memref<128xf32, #tpu.memory_space<vmem_shared>>) dst(%dma_wait3A_508 : memref<128xf32, #tpu.memory_space<vmem>>)
      %add3A_510 = arith.constant 12288 : i32
      %add3A_511 = arith.addi %add3A_510, %add3A_333 : i32
      %dma_wait3A_512 = arith.constant 768 : i32
      %dma_wait3A_513 = tpu.memref_slice %arg13[%dma_wait3A_512] : memref<2048xf32, #tpu.memory_space<vmem>> -> memref<128xf32, #tpu.memory_space<vmem>>
      %dma_wait3A_514 = tpu.memref_slice %arg14[%add3A_511] : memref<65536xf32, #tpu.memory_space<vmem_shared>> -> memref<128xf32, #tpu.memory_space<vmem_shared>>
      %dma_wait3A_515 = arith.constant 768 : i32
      %dma_wait3A_516 = tpu.memref_slice %arg13[%dma_wait3A_515] : memref<2048xf32, #tpu.memory_space<vmem>> -> memref<128xf32, #tpu.memory_space<vmem>>
      %dma_wait3A_517 = tpu.memref_slice %arg14[%add3A_511] : memref<65536xf32, #tpu.memory_space<vmem_shared>> -> memref<128xf32, #tpu.memory_space<vmem_shared>>
      tpu.wait_dma2 semaphore(%arg21 : memref<!tpu.dma_semaphore, #tpu.memory_space<semaphore_mem>>) src(%dma_wait3A_517 : memref<128xf32, #tpu.memory_space<vmem_shared>>) dst(%dma_wait3A_516 : memref<128xf32, #tpu.memory_space<vmem>>)
      %add3A_518 = arith.constant 14336 : i32
      %add3A_519 = arith.addi %add3A_518, %add3A_333 : i32
      %dma_wait3A_520 = arith.constant 896 : i32
      %dma_wait3A_521 = tpu.memref_slice %arg13[%dma_wait3A_520] : memref<2048xf32, #tpu.memory_space<vmem>> -> memref<128xf32, #tpu.memory_space<vmem>>
      %dma_wait3A_522 = tpu.memref_slice %arg14[%add3A_519] : memref<65536xf32, #tpu.memory_space<vmem_shared>> -> memref<128xf32, #tpu.memory_space<vmem_shared>>
      %dma_wait3A_523 = arith.constant 896 : i32
      %dma_wait3A_524 = tpu.memref_slice %arg13[%dma_wait3A_523] : memref<2048xf32, #tpu.memory_space<vmem>> -> memref<128xf32, #tpu.memory_space<vmem>>
      %dma_wait3A_525 = tpu.memref_slice %arg14[%add3A_519] : memref<65536xf32, #tpu.memory_space<vmem_shared>> -> memref<128xf32, #tpu.memory_space<vmem_shared>>
      tpu.wait_dma2 semaphore(%arg21 : memref<!tpu.dma_semaphore, #tpu.memory_space<semaphore_mem>>) src(%dma_wait3A_525 : memref<128xf32, #tpu.memory_space<vmem_shared>>) dst(%dma_wait3A_524 : memref<128xf32, #tpu.memory_space<vmem>>)
      %add3A_526 = arith.constant 16384 : i32
      %add3A_527 = arith.addi %add3A_526, %add3A_333 : i32
      %dma_wait3A_528 = arith.constant 1024 : i32
      %dma_wait3A_529 = tpu.memref_slice %arg13[%dma_wait3A_528] : memref<2048xf32, #tpu.memory_space<vmem>> -> memref<128xf32, #tpu.memory_space<vmem>>
      %dma_wait3A_530 = tpu.memref_slice %arg14[%add3A_527] : memref<65536xf32, #tpu.memory_space<vmem_shared>> -> memref<128xf32, #tpu.memory_space<vmem_shared>>
      %dma_wait3A_531 = arith.constant 1024 : i32
      %dma_wait3A_532 = tpu.memref_slice %arg13[%dma_wait3A_531] : memref<2048xf32, #tpu.memory_space<vmem>> -> memref<128xf32, #tpu.memory_space<vmem>>
      %dma_wait3A_533 = tpu.memref_slice %arg14[%add3A_527] : memref<65536xf32, #tpu.memory_space<vmem_shared>> -> memref<128xf32, #tpu.memory_space<vmem_shared>>
      tpu.wait_dma2 semaphore(%arg21 : memref<!tpu.dma_semaphore, #tpu.memory_space<semaphore_mem>>) src(%dma_wait3A_533 : memref<128xf32, #tpu.memory_space<vmem_shared>>) dst(%dma_wait3A_532 : memref<128xf32, #tpu.memory_space<vmem>>)
      %add3A_534 = arith.constant 18432 : i32
      %add3A_535 = arith.addi %add3A_534, %add3A_333 : i32
      %dma_wait3A_536 = arith.constant 1152 : i32
      %dma_wait3A_537 = tpu.memref_slice %arg13[%dma_wait3A_536] : memref<2048xf32, #tpu.memory_space<vmem>> -> memref<128xf32, #tpu.memory_space<vmem>>
      %dma_wait3A_538 = tpu.memref_slice %arg14[%add3A_535] : memref<65536xf32, #tpu.memory_space<vmem_shared>> -> memref<128xf32, #tpu.memory_space<vmem_shared>>
      %dma_wait3A_539 = arith.constant 1152 : i32
      %dma_wait3A_540 = tpu.memref_slice %arg13[%dma_wait3A_539] : memref<2048xf32, #tpu.memory_space<vmem>> -> memref<128xf32, #tpu.memory_space<vmem>>
      %dma_wait3A_541 = tpu.memref_slice %arg14[%add3A_535] : memref<65536xf32, #tpu.memory_space<vmem_shared>> -> memref<128xf32, #tpu.memory_space<vmem_shared>>
      tpu.wait_dma2 semaphore(%arg21 : memref<!tpu.dma_semaphore, #tpu.memory_space<semaphore_mem>>) src(%dma_wait3A_541 : memref<128xf32, #tpu.memory_space<vmem_shared>>) dst(%dma_wait3A_540 : memref<128xf32, #tpu.memory_space<vmem>>)
      %add3A_542 = arith.constant 20480 : i32
      %add3A_543 = arith.addi %add3A_542, %add3A_333 : i32
      %dma_wait3A_544 = arith.constant 1280 : i32
      %dma_wait3A_545 = tpu.memref_slice %arg13[%dma_wait3A_544] : memref<2048xf32, #tpu.memory_space<vmem>> -> memref<128xf32, #tpu.memory_space<vmem>>
      %dma_wait3A_546 = tpu.memref_slice %arg14[%add3A_543] : memref<65536xf32, #tpu.memory_space<vmem_shared>> -> memref<128xf32, #tpu.memory_space<vmem_shared>>
      %dma_wait3A_547 = arith.constant 1280 : i32
      %dma_wait3A_548 = tpu.memref_slice %arg13[%dma_wait3A_547] : memref<2048xf32, #tpu.memory_space<vmem>> -> memref<128xf32, #tpu.memory_space<vmem>>
      %dma_wait3A_549 = tpu.memref_slice %arg14[%add3A_543] : memref<65536xf32, #tpu.memory_space<vmem_shared>> -> memref<128xf32, #tpu.memory_space<vmem_shared>>
      tpu.wait_dma2 semaphore(%arg21 : memref<!tpu.dma_semaphore, #tpu.memory_space<semaphore_mem>>) src(%dma_wait3A_549 : memref<128xf32, #tpu.memory_space<vmem_shared>>) dst(%dma_wait3A_548 : memref<128xf32, #tpu.memory_space<vmem>>)
      %add3A_550 = arith.constant 22528 : i32
      %add3A_551 = arith.addi %add3A_550, %add3A_333 : i32
      %dma_wait3A_552 = arith.constant 1408 : i32
      %dma_wait3A_553 = tpu.memref_slice %arg13[%dma_wait3A_552] : memref<2048xf32, #tpu.memory_space<vmem>> -> memref<128xf32, #tpu.memory_space<vmem>>
      %dma_wait3A_554 = tpu.memref_slice %arg14[%add3A_551] : memref<65536xf32, #tpu.memory_space<vmem_shared>> -> memref<128xf32, #tpu.memory_space<vmem_shared>>
      %dma_wait3A_555 = arith.constant 1408 : i32
      %dma_wait3A_556 = tpu.memref_slice %arg13[%dma_wait3A_555] : memref<2048xf32, #tpu.memory_space<vmem>> -> memref<128xf32, #tpu.memory_space<vmem>>
      %dma_wait3A_557 = tpu.memref_slice %arg14[%add3A_551] : memref<65536xf32, #tpu.memory_space<vmem_shared>> -> memref<128xf32, #tpu.memory_space<vmem_shared>>
      tpu.wait_dma2 semaphore(%arg21 : memref<!tpu.dma_semaphore, #tpu.memory_space<semaphore_mem>>) src(%dma_wait3A_557 : memref<128xf32, #tpu.memory_space<vmem_shared>>) dst(%dma_wait3A_556 : memref<128xf32, #tpu.memory_space<vmem>>)
      %add3A_558 = arith.constant 24576 : i32
      %add3A_559 = arith.addi %add3A_558, %add3A_333 : i32
      %dma_wait3A_560 = arith.constant 1536 : i32
      %dma_wait3A_561 = tpu.memref_slice %arg13[%dma_wait3A_560] : memref<2048xf32, #tpu.memory_space<vmem>> -> memref<128xf32, #tpu.memory_space<vmem>>
      %dma_wait3A_562 = tpu.memref_slice %arg14[%add3A_559] : memref<65536xf32, #tpu.memory_space<vmem_shared>> -> memref<128xf32, #tpu.memory_space<vmem_shared>>
      %dma_wait3A_563 = arith.constant 1536 : i32
      %dma_wait3A_564 = tpu.memref_slice %arg13[%dma_wait3A_563] : memref<2048xf32, #tpu.memory_space<vmem>> -> memref<128xf32, #tpu.memory_space<vmem>>
      %dma_wait3A_565 = tpu.memref_slice %arg14[%add3A_559] : memref<65536xf32, #tpu.memory_space<vmem_shared>> -> memref<128xf32, #tpu.memory_space<vmem_shared>>
      tpu.wait_dma2 semaphore(%arg21 : memref<!tpu.dma_semaphore, #tpu.memory_space<semaphore_mem>>) src(%dma_wait3A_565 : memref<128xf32, #tpu.memory_space<vmem_shared>>) dst(%dma_wait3A_564 : memref<128xf32, #tpu.memory_space<vmem>>)
      %add3A_566 = arith.constant 26624 : i32
      %add3A_567 = arith.addi %add3A_566, %add3A_333 : i32
      %dma_wait3A_568 = arith.constant 1664 : i32
      %dma_wait3A_569 = tpu.memref_slice %arg13[%dma_wait3A_568] : memref<2048xf32, #tpu.memory_space<vmem>> -> memref<128xf32, #tpu.memory_space<vmem>>
      %dma_wait3A_570 = tpu.memref_slice %arg14[%add3A_567] : memref<65536xf32, #tpu.memory_space<vmem_shared>> -> memref<128xf32, #tpu.memory_space<vmem_shared>>
      %dma_wait3A_571 = arith.constant 1664 : i32
      %dma_wait3A_572 = tpu.memref_slice %arg13[%dma_wait3A_571] : memref<2048xf32, #tpu.memory_space<vmem>> -> memref<128xf32, #tpu.memory_space<vmem>>
      %dma_wait3A_573 = tpu.memref_slice %arg14[%add3A_567] : memref<65536xf32, #tpu.memory_space<vmem_shared>> -> memref<128xf32, #tpu.memory_space<vmem_shared>>
      tpu.wait_dma2 semaphore(%arg21 : memref<!tpu.dma_semaphore, #tpu.memory_space<semaphore_mem>>) src(%dma_wait3A_573 : memref<128xf32, #tpu.memory_space<vmem_shared>>) dst(%dma_wait3A_572 : memref<128xf32, #tpu.memory_space<vmem>>)
      %add3A_574 = arith.constant 28672 : i32
      %add3A_575 = arith.addi %add3A_574, %add3A_333 : i32
      %dma_wait3A_576 = arith.constant 1792 : i32
      %dma_wait3A_577 = tpu.memref_slice %arg13[%dma_wait3A_576] : memref<2048xf32, #tpu.memory_space<vmem>> -> memref<128xf32, #tpu.memory_space<vmem>>
      %dma_wait3A_578 = tpu.memref_slice %arg14[%add3A_575] : memref<65536xf32, #tpu.memory_space<vmem_shared>> -> memref<128xf32, #tpu.memory_space<vmem_shared>>
      %dma_wait3A_579 = arith.constant 1792 : i32
      %dma_wait3A_580 = tpu.memref_slice %arg13[%dma_wait3A_579] : memref<2048xf32, #tpu.memory_space<vmem>> -> memref<128xf32, #tpu.memory_space<vmem>>
      %dma_wait3A_581 = tpu.memref_slice %arg14[%add3A_575] : memref<65536xf32, #tpu.memory_space<vmem_shared>> -> memref<128xf32, #tpu.memory_space<vmem_shared>>
      tpu.wait_dma2 semaphore(%arg21 : memref<!tpu.dma_semaphore, #tpu.memory_space<semaphore_mem>>) src(%dma_wait3A_581 : memref<128xf32, #tpu.memory_space<vmem_shared>>) dst(%dma_wait3A_580 : memref<128xf32, #tpu.memory_space<vmem>>)
      %add3A_582 = arith.constant 30720 : i32
      %add3A_583 = arith.addi %add3A_582, %add3A_333 : i32
      %dma_wait3A_584 = arith.constant 1920 : i32
      %dma_wait3A_585 = tpu.memref_slice %arg13[%dma_wait3A_584] : memref<2048xf32, #tpu.memory_space<vmem>> -> memref<128xf32, #tpu.memory_space<vmem>>
      %dma_wait3A_586 = tpu.memref_slice %arg14[%add3A_583] : memref<65536xf32, #tpu.memory_space<vmem_shared>> -> memref<128xf32, #tpu.memory_space<vmem_shared>>
      %dma_wait3A_587 = arith.constant 1920 : i32
      %dma_wait3A_588 = tpu.memref_slice %arg13[%dma_wait3A_587] : memref<2048xf32, #tpu.memory_space<vmem>> -> memref<128xf32, #tpu.memory_space<vmem>>
      %dma_wait3A_589 = tpu.memref_slice %arg14[%add3A_583] : memref<65536xf32, #tpu.memory_space<vmem_shared>> -> memref<128xf32, #tpu.memory_space<vmem_shared>>
      tpu.wait_dma2 semaphore(%arg21 : memref<!tpu.dma_semaphore, #tpu.memory_space<semaphore_mem>>) src(%dma_wait3A_589 : memref<128xf32, #tpu.memory_space<vmem_shared>>) dst(%dma_wait3A_588 : memref<128xf32, #tpu.memory_space<vmem>>)
      %parallel_loop3A_590 = arith.constant 0 : i32
      %parallel_loop3A_591 = arith.constant 128 : i32
      %parallel_loop3A_592 = arith.constant 16 : i32
      scf.for %parallel_loop3A_896 = %parallel_loop3A_590 to %parallel_loop3A_591 step %parallel_loop3A_592  : i32 {
        %parallel_loop3A_897 = arith.index_cast %parallel_loop3A_896 : i32 to index
        %parallel_loop3A_898 = tpu.vector_load %arg13[%parallel_loop3A_897] {strides = array<i32>} : memref<2048xf32, #tpu.memory_space<vmem>>, vector<16xf32>,
        %parallel_loop3A_899 = arith.constant 128 : i32
        %parallel_loop3A_900 = arith.addi %parallel_loop3A_899, %parallel_loop3A_896 : i32
        %parallel_loop3A_901 = arith.index_cast %parallel_loop3A_900 : i32 to index
        %parallel_loop3A_902 = tpu.vector_load %arg13[%parallel_loop3A_901] {strides = array<i32>} : memref<2048xf32, #tpu.memory_space<vmem>>, vector<16xf32>,
        %parallel_loop3A_903 = arith.addf %parallel_loop3A_898, %parallel_loop3A_902 : vector<16xf32>
        %parallel_loop3A_904 = arith.constant 256 : i32
        %parallel_loop3A_905 = arith.addi %parallel_loop3A_904, %parallel_loop3A_896 : i32
        %parallel_loop3A_906 = arith.index_cast %parallel_loop3A_905 : i32 to index
        %parallel_loop3A_907 = tpu.vector_load %arg13[%parallel_loop3A_906] {strides = array<i32>} : memref<2048xf32, #tpu.memory_space<vmem>>, vector<16xf32>,
        %parallel_loop3A_908 = arith.addf %parallel_loop3A_903, %parallel_loop3A_907 : vector<16xf32>
        %parallel_loop3A_909 = arith.constant 384 : i32
        %parallel_loop3A_910 = arith.addi %parallel_loop3A_909, %parallel_loop3A_896 : i32
        %parallel_loop3A_911 = arith.index_cast %parallel_loop3A_910 : i32 to index
        %parallel_loop3A_912 = tpu.vector_load %arg13[%parallel_loop3A_911] {strides = array<i32>} : memref<2048xf32, #tpu.memory_space<vmem>>, vector<16xf32>,
        %parallel_loop3A_913 = arith.addf %parallel_loop3A_908, %parallel_loop3A_912 : vector<16xf32>
        %parallel_loop3A_914 = arith.constant 512 : i32
        %parallel_loop3A_915 = arith.addi %parallel_loop3A_914, %parallel_loop3A_896 : i32
        %parallel_loop3A_916 = arith.index_cast %parallel_loop3A_915 : i32 to index
        %parallel_loop3A_917 = tpu.vector_load %arg13[%parallel_loop3A_916] {strides = array<i32>} : memref<2048xf32, #tpu.memory_space<vmem>>, vector<16xf32>,
        %parallel_loop3A_918 = arith.addf %parallel_loop3A_913, %parallel_loop3A_917 : vector<16xf32>
        %parallel_loop3A_919 = arith.constant 640 : i32
        %parallel_loop3A_920 = arith.addi %parallel_loop3A_919, %parallel_loop3A_896 : i32
        %parallel_loop3A_921 = arith.index_cast %parallel_loop3A_920 : i32 to index
        %parallel_loop3A_922 = tpu.vector_load %arg13[%parallel_loop3A_921] {strides = array<i32>} : memref<2048xf32, #tpu.memory_space<vmem>>, vector<16xf32>,
        %parallel_loop3A_923 = arith.addf %parallel_loop3A_918, %parallel_loop3A_922 : vector<16xf32>
        %parallel_loop3A_924 = arith.constant 768 : i32
        %parallel_loop3A_925 = arith.addi %parallel_loop3A_924, %parallel_loop3A_896 : i32
        %parallel_loop3A_926 = arith.index_cast %parallel_loop3A_925 : i32 to index
        %parallel_loop3A_927 = tpu.vector_load %arg13[%parallel_loop3A_926] {strides = array<i32>} : memref<2048xf32, #tpu.memory_space<vmem>>, vector<16xf32>,
        %parallel_loop3A_928 = arith.addf %parallel_loop3A_923, %parallel_loop3A_927 : vector<16xf32>
        %parallel_loop3A_929 = arith.constant 896 : i32
        %parallel_loop3A_930 = arith.addi %parallel_loop3A_929, %parallel_loop3A_896 : i32
        %parallel_loop3A_931 = arith.index_cast %parallel_loop3A_930 : i32 to index
        %parallel_loop3A_932 = tpu.vector_load %arg13[%parallel_loop3A_931] {strides = array<i32>} : memref<2048xf32, #tpu.memory_space<vmem>>, vector<16xf32>,
        %parallel_loop3A_933 = arith.addf %parallel_loop3A_928, %parallel_loop3A_932 : vector<16xf32>
        %parallel_loop3A_934 = arith.constant 1024 : i32
        %parallel_loop3A_935 = arith.addi %parallel_loop3A_934, %parallel_loop3A_896 : i32
        %parallel_loop3A_936 = arith.index_cast %parallel_loop3A_935 : i32 to index
        %parallel_loop3A_937 = tpu.vector_load %arg13[%parallel_loop3A_936] {strides = array<i32>} : memref<2048xf32, #tpu.memory_space<vmem>>, vector<16xf32>,
        %parallel_loop3A_938 = arith.addf %parallel_loop3A_933, %parallel_loop3A_937 : vector<16xf32>
        %parallel_loop3A_939 = arith.constant 1152 : i32
        %parallel_loop3A_940 = arith.addi %parallel_loop3A_939, %parallel_loop3A_896 : i32
        %parallel_loop3A_941 = arith.index_cast %parallel_loop3A_940 : i32 to index
        %parallel_loop3A_942 = tpu.vector_load %arg13[%parallel_loop3A_941] {strides = array<i32>} : memref<2048xf32, #tpu.memory_space<vmem>>, vector<16xf32>,
        %parallel_loop3A_943 = arith.addf %parallel_loop3A_938, %parallel_loop3A_942 : vector<16xf32>
        %parallel_loop3A_944 = arith.constant 1280 : i32
        %parallel_loop3A_945 = arith.addi %parallel_loop3A_944, %parallel_loop3A_896 : i32
        %parallel_loop3A_946 = arith.index_cast %parallel_loop3A_945 : i32 to index
        %parallel_loop3A_947 = tpu.vector_load %arg13[%parallel_loop3A_946] {strides = array<i32>} : memref<2048xf32, #tpu.memory_space<vmem>>, vector<16xf32>,
        %parallel_loop3A_948 = arith.addf %parallel_loop3A_943, %parallel_loop3A_947 : vector<16xf32>
        %parallel_loop3A_949 = arith.constant 1408 : i32
        %parallel_loop3A_950 = arith.addi %parallel_loop3A_949, %parallel_loop3A_896 : i32
        %parallel_loop3A_951 = arith.index_cast %parallel_loop3A_950 : i32 to index
        %parallel_loop3A_952 = tpu.vector_load %arg13[%parallel_loop3A_951] {strides = array<i32>} : memref<2048xf32, #tpu.memory_space<vmem>>, vector<16xf32>,
        %parallel_loop3A_953 = arith.addf %parallel_loop3A_948, %parallel_loop3A_952 : vector<16xf32>
        %parallel_loop3A_954 = arith.constant 1536 : i32
        %parallel_loop3A_955 = arith.addi %parallel_loop3A_954, %parallel_loop3A_896 : i32
        %parallel_loop3A_956 = arith.index_cast %parallel_loop3A_955 : i32 to index
        %parallel_loop3A_957 = tpu.vector_load %arg13[%parallel_loop3A_956] {strides = array<i32>} : memref<2048xf32, #tpu.memory_space<vmem>>, vector<16xf32>,
        %parallel_loop3A_958 = arith.addf %parallel_loop3A_953, %parallel_loop3A_957 : vector<16xf32>
        %parallel_loop3A_959 = arith.constant 1664 : i32
        %parallel_loop3A_960 = arith.addi %parallel_loop3A_959, %parallel_loop3A_896 : i32
        %parallel_loop3A_961 = arith.index_cast %parallel_loop3A_960 : i32 to index
        %parallel_loop3A_962 = tpu.vector_load %arg13[%parallel_loop3A_961] {strides = array<i32>} : memref<2048xf32, #tpu.memory_space<vmem>>, vector<16xf32>,
        %parallel_loop3A_963 = arith.addf %parallel_loop3A_958, %parallel_loop3A_962 : vector<16xf32>
        %parallel_loop3A_964 = arith.constant 1792 : i32
        %parallel_loop3A_965 = arith.addi %parallel_loop3A_964, %parallel_loop3A_896 : i32
        %parallel_loop3A_966 = arith.index_cast %parallel_loop3A_965 : i32 to index
        %parallel_loop3A_967 = tpu.vector_load %arg13[%parallel_loop3A_966] {strides = array<i32>} : memref<2048xf32, #tpu.memory_space<vmem>>, vector<16xf32>,
        %parallel_loop3A_968 = arith.addf %parallel_loop3A_963, %parallel_loop3A_967 : vector<16xf32>
        %parallel_loop3A_969 = arith.constant 1920 : i32
        %parallel_loop3A_970 = arith.addi %parallel_loop3A_969, %parallel_loop3A_896 : i32
        %parallel_loop3A_971 = arith.index_cast %parallel_loop3A_970 : i32 to index
        %parallel_loop3A_972 = tpu.vector_load %arg13[%parallel_loop3A_971] {strides = array<i32>} : memref<2048xf32, #tpu.memory_space<vmem>>, vector<16xf32>,
        %parallel_loop3A_973 = arith.addf %parallel_loop3A_968, %parallel_loop3A_972 : vector<16xf32>
        %parallel_loop3A_974 = arith.index_cast %parallel_loop3A_896 : i32 to index
        %parallel_loop3A_975 = tpu.vector_load %arg13[%parallel_loop3A_974] {strides = array<i32>} : memref<2048xf32, #tpu.memory_space<vmem>>, vector<16xf32>,
        tpu.vector_store %arg13[%parallel_loop3A_974], %parallel_loop3A_973 {strides = array<i32>} : memref<2048xf32, #tpu.memory_space<vmem>>, vector<16xf32>,
      } {sc.loop_unroll_factor = 2 : i64, sc.parallel_access}
      %mul3A_593 = arith.constant 100352 : i32
      %mul3A_594 = arith.muli %arg0, %mul3A_593 : i32
      %mul3A_595 = arith.constant 2048 : i32
      %mul3A_596 = arith.muli %add3A_311, %mul3A_595 : i32
      %add3A_597 = arith.addi %mul3A_594, %mul3A_596 : i32
      %mul3A_598 = arith.constant 128 : i32
      %mul3A_599 = arith.muli %arg1, %mul3A_598 : i32
      %add3A_600 = arith.addi %add3A_597, %mul3A_599 : i32
      "tpu.region"() ({
        %run_scoped3A = tpu.sem_alloc : memref<!tpu.dma_semaphore, #tpu.memory_space<semaphore_mem>>
        %dma_start3A_896 = arith.constant 0 : i32
        %dma_start3A_897 = tpu.memref_slice %arg13[%dma_start3A_896] : memref<2048xf32, #tpu.memory_space<vmem>> -> memref<128xf32, #tpu.memory_space<vmem>>
        %dma_start3A_898 = tpu.memref_slice %arg5[%add3A_600] : memref<200704xf32, #tpu.memory_space<hbm>> -> memref<128xf32, #tpu.memory_space<hbm>>
        %dma_start3A_899 = tpu.memref_slice %arg5[%add3A_600] : memref<200704xf32, #tpu.memory_space<hbm>> -> memref<128xf32, #tpu.memory_space<hbm>>
        %dma_start3A_900 = arith.constant 0 : i32
        %dma_start3A_901 = tpu.memref_slice %arg13[%dma_start3A_900] : memref<2048xf32, #tpu.memory_space<vmem>> -> memref<128xf32, #tpu.memory_space<vmem>>
        tpu.enqueue_dma source(%dma_start3A_901 : memref<128xf32, #tpu.memory_space<vmem>>) target(%dma_start3A_899 : memref<128xf32, #tpu.memory_space<hbm>>) target_semaphore(%run_scoped3A : memref<!tpu.dma_semaphore, #tpu.memory_space<semaphore_mem>>)
        %dma_wait3A_902 = arith.constant 0 : i32
        %dma_wait3A_903 = tpu.memref_slice %arg13[%dma_wait3A_902] : memref<2048xf32, #tpu.memory_space<vmem>> -> memref<128xf32, #tpu.memory_space<vmem>>
        %dma_wait3A_904 = tpu.memref_slice %arg5[%add3A_600] : memref<200704xf32, #tpu.memory_space<hbm>> -> memref<128xf32, #tpu.memory_space<hbm>>
        %dma_wait3A_905 = tpu.memref_slice %arg5[%add3A_600] : memref<200704xf32, #tpu.memory_space<hbm>> -> memref<128xf32, #tpu.memory_space<hbm>>
        %dma_wait3A_906 = arith.constant 0 : i32
        %dma_wait3A_907 = tpu.memref_slice %arg13[%dma_wait3A_906] : memref<2048xf32, #tpu.memory_space<vmem>> -> memref<128xf32, #tpu.memory_space<vmem>>
        tpu.wait_dma2 semaphore(%run_scoped3A : memref<!tpu.dma_semaphore, #tpu.memory_space<semaphore_mem>>) src(%dma_wait3A_907 : memref<128xf32, #tpu.memory_space<vmem>>) dst(%dma_wait3A_905 : memref<128xf32, #tpu.memory_space<hbm>>)
        tpu.yield
      }) : () -> ()
      %barrier3A_601 = arith.constant 0 : index
      tpu.barrier barrier_id(%barrier3A_601)
      %mul3A_602 = arith.constant 2 : i32
      %mul3A_603 = arith.muli %mul3A_602, %scan3A_307 : i32
      %add3A_604 = arith.constant 1 : i32
      %add3A_605 = arith.addi %mul3A_603, %add3A_604 : i32
      %mul3A_606 = arith.constant 2048 : i32
      %mul3A_607 = arith.muli %add3A_605, %mul3A_606 : i32
      %mul3A_608 = arith.constant 2048 : i32
      %mul3A_609 = arith.muli %arg1, %mul3A_608 : i32
      %add3A_610 = arith.constant 32768 : i32
      %add3A_611 = arith.addi %add3A_610, %mul3A_609 : i32
      %dma_wait3A_612 = tpu.memref_slice %arg12[%mul3A_607] : memref<100352xf32, #tpu.memory_space<vmem>> -> memref<2048xf32, #tpu.memory_space<vmem>>
      %dma_wait3A_613 = tpu.memref_slice %arg14[%add3A_611] : memref<65536xf32, #tpu.memory_space<vmem_shared>> -> memref<2048xf32, #tpu.memory_space<vmem_shared>>
      %dma_wait3A_614 = tpu.memref_slice %arg14[%add3A_611] : memref<65536xf32, #tpu.memory_space<vmem_shared>> -> memref<2048xf32, #tpu.memory_space<vmem_shared>>
      %dma_wait3A_615 = tpu.memref_slice %arg12[%mul3A_607] : memref<100352xf32, #tpu.memory_space<vmem>> -> memref<2048xf32, #tpu.memory_space<vmem>>
      tpu.wait_dma2 semaphore(%arg22 : memref<!tpu.dma_semaphore, #tpu.memory_space<semaphore_mem>>) src(%dma_wait3A_615 : memref<2048xf32, #tpu.memory_space<vmem>>) dst(%dma_wait3A_614 : memref<2048xf32, #tpu.memory_space<vmem_shared>>)
      %barrier3A_616 = arith.constant 0 : index
      tpu.barrier barrier_id(%barrier3A_616)
      %add3A_617 = arith.constant 1 : i32
      %add3A_618 = arith.addi %add3A_605, %add3A_617 : i32
      %lt3A_619 = arith.constant 49 : i32
      %lt3A_620 = arith.cmpi slt, %add3A_618, %lt3A_619 : i32
      %convert_element_type3A_621 = arith.extui %lt3A_620 : i1 to i32
      %cond3A_622 = arith.constant 0 : i32
      %cond3A_623 = arith.cmpi ne, %convert_element_type3A_621, %cond3A_622 : i32
      scf.if %cond3A_623 {
        %mul3A_896 = arith.constant 2048 : i32
        %mul3A_897 = arith.muli %add3A_618, %mul3A_896 : i32
        %mul3A_898 = arith.constant 2048 : i32
        %mul3A_899 = arith.muli %arg1, %mul3A_898 : i32
        %add3A_900 = arith.constant 0 : i32
        %add3A_901 = arith.addi %add3A_900, %mul3A_899 : i32
        %dma_start3A_902 = tpu.memref_slice %arg12[%mul3A_897] : memref<100352xf32, #tpu.memory_space<vmem>> -> memref<2048xf32, #tpu.memory_space<vmem>>
        %dma_start3A_903 = tpu.memref_slice %arg14[%add3A_901] : memref<65536xf32, #tpu.memory_space<vmem_shared>> -> memref<2048xf32, #tpu.memory_space<vmem_shared>>
        %dma_start3A_904 = tpu.memref_slice %arg14[%add3A_901] : memref<65536xf32, #tpu.memory_space<vmem_shared>> -> memref<2048xf32, #tpu.memory_space<vmem_shared>>
        %dma_start3A_905 = tpu.memref_slice %arg12[%mul3A_897] : memref<100352xf32, #tpu.memory_space<vmem>> -> memref<2048xf32, #tpu.memory_space<vmem>>
        tpu.enqueue_dma source(%dma_start3A_905 : memref<2048xf32, #tpu.memory_space<vmem>>) target(%dma_start3A_904 : memref<2048xf32, #tpu.memory_space<vmem_shared>>) target_semaphore(%arg22 : memref<!tpu.dma_semaphore, #tpu.memory_space<semaphore_mem>>)
      } else {
      }
      %mul3A_624 = arith.constant 128 : i32
      %mul3A_625 = arith.muli %arg1, %mul3A_624 : i32
      %add3A_626 = arith.constant 32768 : i32
      %add3A_627 = arith.addi %add3A_626, %mul3A_625 : i32
      %add3A_628 = arith.constant 0 : i32
      %add3A_629 = arith.addi %add3A_628, %add3A_627 : i32
      %dma_start3A_630 = arith.constant 0 : i32
      %dma_start3A_631 = tpu.memref_slice %arg13[%dma_start3A_630] : memref<2048xf32, #tpu.memory_space<vmem>> -> memref<128xf32, #tpu.memory_space<vmem>>
      %dma_start3A_632 = tpu.memref_slice %arg14[%add3A_629] : memref<65536xf32, #tpu.memory_space<vmem_shared>> -> memref<128xf32, #tpu.memory_space<vmem_shared>>
      %dma_start3A_633 = arith.constant 0 : i32
      %dma_start3A_634 = tpu.memref_slice %arg13[%dma_start3A_633] : memref<2048xf32, #tpu.memory_space<vmem>> -> memref<128xf32, #tpu.memory_space<vmem>>
      %dma_start3A_635 = tpu.memref_slice %arg14[%add3A_629] : memref<65536xf32, #tpu.memory_space<vmem_shared>> -> memref<128xf32, #tpu.memory_space<vmem_shared>>
      tpu.enqueue_dma source(%dma_start3A_635 : memref<128xf32, #tpu.memory_space<vmem_shared>>) target(%dma_start3A_634 : memref<128xf32, #tpu.memory_space<vmem>>) target_semaphore(%arg21 : memref<!tpu.dma_semaphore, #tpu.memory_space<semaphore_mem>>)
      %add3A_636 = arith.constant 2048 : i32
      %add3A_637 = arith.addi %add3A_636, %add3A_627 : i32
      %dma_start3A_638 = arith.constant 128 : i32
      %dma_start3A_639 = tpu.memref_slice %arg13[%dma_start3A_638] : memref<2048xf32, #tpu.memory_space<vmem>> -> memref<128xf32, #tpu.memory_space<vmem>>
      %dma_start3A_640 = tpu.memref_slice %arg14[%add3A_637] : memref<65536xf32, #tpu.memory_space<vmem_shared>> -> memref<128xf32, #tpu.memory_space<vmem_shared>>
      %dma_start3A_641 = arith.constant 128 : i32
      %dma_start3A_642 = tpu.memref_slice %arg13[%dma_start3A_641] : memref<2048xf32, #tpu.memory_space<vmem>> -> memref<128xf32, #tpu.memory_space<vmem>>
      %dma_start3A_643 = tpu.memref_slice %arg14[%add3A_637] : memref<65536xf32, #tpu.memory_space<vmem_shared>> -> memref<128xf32, #tpu.memory_space<vmem_shared>>
      tpu.enqueue_dma source(%dma_start3A_643 : memref<128xf32, #tpu.memory_space<vmem_shared>>) target(%dma_start3A_642 : memref<128xf32, #tpu.memory_space<vmem>>) target_semaphore(%arg21 : memref<!tpu.dma_semaphore, #tpu.memory_space<semaphore_mem>>)
      %add3A_644 = arith.constant 4096 : i32
      %add3A_645 = arith.addi %add3A_644, %add3A_627 : i32
      %dma_start3A_646 = arith.constant 256 : i32
      %dma_start3A_647 = tpu.memref_slice %arg13[%dma_start3A_646] : memref<2048xf32, #tpu.memory_space<vmem>> -> memref<128xf32, #tpu.memory_space<vmem>>
      %dma_start3A_648 = tpu.memref_slice %arg14[%add3A_645] : memref<65536xf32, #tpu.memory_space<vmem_shared>> -> memref<128xf32, #tpu.memory_space<vmem_shared>>
      %dma_start3A_649 = arith.constant 256 : i32
      %dma_start3A_650 = tpu.memref_slice %arg13[%dma_start3A_649] : memref<2048xf32, #tpu.memory_space<vmem>> -> memref<128xf32, #tpu.memory_space<vmem>>
      %dma_start3A_651 = tpu.memref_slice %arg14[%add3A_645] : memref<65536xf32, #tpu.memory_space<vmem_shared>> -> memref<128xf32, #tpu.memory_space<vmem_shared>>
      tpu.enqueue_dma source(%dma_start3A_651 : memref<128xf32, #tpu.memory_space<vmem_shared>>) target(%dma_start3A_650 : memref<128xf32, #tpu.memory_space<vmem>>) target_semaphore(%arg21 : memref<!tpu.dma_semaphore, #tpu.memory_space<semaphore_mem>>)
      %add3A_652 = arith.constant 6144 : i32
      %add3A_653 = arith.addi %add3A_652, %add3A_627 : i32
      %dma_start3A_654 = arith.constant 384 : i32
      %dma_start3A_655 = tpu.memref_slice %arg13[%dma_start3A_654] : memref<2048xf32, #tpu.memory_space<vmem>> -> memref<128xf32, #tpu.memory_space<vmem>>
      %dma_start3A_656 = tpu.memref_slice %arg14[%add3A_653] : memref<65536xf32, #tpu.memory_space<vmem_shared>> -> memref<128xf32, #tpu.memory_space<vmem_shared>>
      %dma_start3A_657 = arith.constant 384 : i32
      %dma_start3A_658 = tpu.memref_slice %arg13[%dma_start3A_657] : memref<2048xf32, #tpu.memory_space<vmem>> -> memref<128xf32, #tpu.memory_space<vmem>>
      %dma_start3A_659 = tpu.memref_slice %arg14[%add3A_653] : memref<65536xf32, #tpu.memory_space<vmem_shared>> -> memref<128xf32, #tpu.memory_space<vmem_shared>>
      tpu.enqueue_dma source(%dma_start3A_659 : memref<128xf32, #tpu.memory_space<vmem_shared>>) target(%dma_start3A_658 : memref<128xf32, #tpu.memory_space<vmem>>) target_semaphore(%arg21 : memref<!tpu.dma_semaphore, #tpu.memory_space<semaphore_mem>>)
      %add3A_660 = arith.constant 8192 : i32
      %add3A_661 = arith.addi %add3A_660, %add3A_627 : i32
      %dma_start3A_662 = arith.constant 512 : i32
      %dma_start3A_663 = tpu.memref_slice %arg13[%dma_start3A_662] : memref<2048xf32, #tpu.memory_space<vmem>> -> memref<128xf32, #tpu.memory_space<vmem>>
      %dma_start3A_664 = tpu.memref_slice %arg14[%add3A_661] : memref<65536xf32, #tpu.memory_space<vmem_shared>> -> memref<128xf32, #tpu.memory_space<vmem_shared>>
      %dma_start3A_665 = arith.constant 512 : i32
      %dma_start3A_666 = tpu.memref_slice %arg13[%dma_start3A_665] : memref<2048xf32, #tpu.memory_space<vmem>> -> memref<128xf32, #tpu.memory_space<vmem>>
      %dma_start3A_667 = tpu.memref_slice %arg14[%add3A_661] : memref<65536xf32, #tpu.memory_space<vmem_shared>> -> memref<128xf32, #tpu.memory_space<vmem_shared>>
      tpu.enqueue_dma source(%dma_start3A_667 : memref<128xf32, #tpu.memory_space<vmem_shared>>) target(%dma_start3A_666 : memref<128xf32, #tpu.memory_space<vmem>>) target_semaphore(%arg21 : memref<!tpu.dma_semaphore, #tpu.memory_space<semaphore_mem>>)
      %add3A_668 = arith.constant 10240 : i32
      %add3A_669 = arith.addi %add3A_668, %add3A_627 : i32
      %dma_start3A_670 = arith.constant 640 : i32
      %dma_start3A_671 = tpu.memref_slice %arg13[%dma_start3A_670] : memref<2048xf32, #tpu.memory_space<vmem>> -> memref<128xf32, #tpu.memory_space<vmem>>
      %dma_start3A_672 = tpu.memref_slice %arg14[%add3A_669] : memref<65536xf32, #tpu.memory_space<vmem_shared>> -> memref<128xf32, #tpu.memory_space<vmem_shared>>
      %dma_start3A_673 = arith.constant 640 : i32
      %dma_start3A_674 = tpu.memref_slice %arg13[%dma_start3A_673] : memref<2048xf32, #tpu.memory_space<vmem>> -> memref<128xf32, #tpu.memory_space<vmem>>
      %dma_start3A_675 = tpu.memref_slice %arg14[%add3A_669] : memref<65536xf32, #tpu.memory_space<vmem_shared>> -> memref<128xf32, #tpu.memory_space<vmem_shared>>
      tpu.enqueue_dma source(%dma_start3A_675 : memref<128xf32, #tpu.memory_space<vmem_shared>>) target(%dma_start3A_674 : memref<128xf32, #tpu.memory_space<vmem>>) target_semaphore(%arg21 : memref<!tpu.dma_semaphore, #tpu.memory_space<semaphore_mem>>)
      %add3A_676 = arith.constant 12288 : i32
      %add3A_677 = arith.addi %add3A_676, %add3A_627 : i32
      %dma_start3A_678 = arith.constant 768 : i32
      %dma_start3A_679 = tpu.memref_slice %arg13[%dma_start3A_678] : memref<2048xf32, #tpu.memory_space<vmem>> -> memref<128xf32, #tpu.memory_space<vmem>>
      %dma_start3A_680 = tpu.memref_slice %arg14[%add3A_677] : memref<65536xf32, #tpu.memory_space<vmem_shared>> -> memref<128xf32, #tpu.memory_space<vmem_shared>>
      %dma_start3A_681 = arith.constant 768 : i32
      %dma_start3A_682 = tpu.memref_slice %arg13[%dma_start3A_681] : memref<2048xf32, #tpu.memory_space<vmem>> -> memref<128xf32, #tpu.memory_space<vmem>>
      %dma_start3A_683 = tpu.memref_slice %arg14[%add3A_677] : memref<65536xf32, #tpu.memory_space<vmem_shared>> -> memref<128xf32, #tpu.memory_space<vmem_shared>>
      tpu.enqueue_dma source(%dma_start3A_683 : memref<128xf32, #tpu.memory_space<vmem_shared>>) target(%dma_start3A_682 : memref<128xf32, #tpu.memory_space<vmem>>) target_semaphore(%arg21 : memref<!tpu.dma_semaphore, #tpu.memory_space<semaphore_mem>>)
      %add3A_684 = arith.constant 14336 : i32
      %add3A_685 = arith.addi %add3A_684, %add3A_627 : i32
      %dma_start3A_686 = arith.constant 896 : i32
      %dma_start3A_687 = tpu.memref_slice %arg13[%dma_start3A_686] : memref<2048xf32, #tpu.memory_space<vmem>> -> memref<128xf32, #tpu.memory_space<vmem>>
      %dma_start3A_688 = tpu.memref_slice %arg14[%add3A_685] : memref<65536xf32, #tpu.memory_space<vmem_shared>> -> memref<128xf32, #tpu.memory_space<vmem_shared>>
      %dma_start3A_689 = arith.constant 896 : i32
      %dma_start3A_690 = tpu.memref_slice %arg13[%dma_start3A_689] : memref<2048xf32, #tpu.memory_space<vmem>> -> memref<128xf32, #tpu.memory_space<vmem>>
      %dma_start3A_691 = tpu.memref_slice %arg14[%add3A_685] : memref<65536xf32, #tpu.memory_space<vmem_shared>> -> memref<128xf32, #tpu.memory_space<vmem_shared>>
      tpu.enqueue_dma source(%dma_start3A_691 : memref<128xf32, #tpu.memory_space<vmem_shared>>) target(%dma_start3A_690 : memref<128xf32, #tpu.memory_space<vmem>>) target_semaphore(%arg21 : memref<!tpu.dma_semaphore, #tpu.memory_space<semaphore_mem>>)
      %add3A_692 = arith.constant 16384 : i32
      %add3A_693 = arith.addi %add3A_692, %add3A_627 : i32
      %dma_start3A_694 = arith.constant 1024 : i32
      %dma_start3A_695 = tpu.memref_slice %arg13[%dma_start3A_694] : memref<2048xf32, #tpu.memory_space<vmem>> -> memref<128xf32, #tpu.memory_space<vmem>>
      %dma_start3A_696 = tpu.memref_slice %arg14[%add3A_693] : memref<65536xf32, #tpu.memory_space<vmem_shared>> -> memref<128xf32, #tpu.memory_space<vmem_shared>>
      %dma_start3A_697 = arith.constant 1024 : i32
      %dma_start3A_698 = tpu.memref_slice %arg13[%dma_start3A_697] : memref<2048xf32, #tpu.memory_space<vmem>> -> memref<128xf32, #tpu.memory_space<vmem>>
      %dma_start3A_699 = tpu.memref_slice %arg14[%add3A_693] : memref<65536xf32, #tpu.memory_space<vmem_shared>> -> memref<128xf32, #tpu.memory_space<vmem_shared>>
      tpu.enqueue_dma source(%dma_start3A_699 : memref<128xf32, #tpu.memory_space<vmem_shared>>) target(%dma_start3A_698 : memref<128xf32, #tpu.memory_space<vmem>>) target_semaphore(%arg21 : memref<!tpu.dma_semaphore, #tpu.memory_space<semaphore_mem>>)
      %add3A_700 = arith.constant 18432 : i32
      %add3A_701 = arith.addi %add3A_700, %add3A_627 : i32
      %dma_start3A_702 = arith.constant 1152 : i32
      %dma_start3A_703 = tpu.memref_slice %arg13[%dma_start3A_702] : memref<2048xf32, #tpu.memory_space<vmem>> -> memref<128xf32, #tpu.memory_space<vmem>>
      %dma_start3A_704 = tpu.memref_slice %arg14[%add3A_701] : memref<65536xf32, #tpu.memory_space<vmem_shared>> -> memref<128xf32, #tpu.memory_space<vmem_shared>>
      %dma_start3A_705 = arith.constant 1152 : i32
      %dma_start3A_706 = tpu.memref_slice %arg13[%dma_start3A_705] : memref<2048xf32, #tpu.memory_space<vmem>> -> memref<128xf32, #tpu.memory_space<vmem>>
      %dma_start3A_707 = tpu.memref_slice %arg14[%add3A_701] : memref<65536xf32, #tpu.memory_space<vmem_shared>> -> memref<128xf32, #tpu.memory_space<vmem_shared>>
      tpu.enqueue_dma source(%dma_start3A_707 : memref<128xf32, #tpu.memory_space<vmem_shared>>) target(%dma_start3A_706 : memref<128xf32, #tpu.memory_space<vmem>>) target_semaphore(%arg21 : memref<!tpu.dma_semaphore, #tpu.memory_space<semaphore_mem>>)
      %add3A_708 = arith.constant 20480 : i32
      %add3A_709 = arith.addi %add3A_708, %add3A_627 : i32
      %dma_start3A_710 = arith.constant 1280 : i32
      %dma_start3A_711 = tpu.memref_slice %arg13[%dma_start3A_710] : memref<2048xf32, #tpu.memory_space<vmem>> -> memref<128xf32, #tpu.memory_space<vmem>>
      %dma_start3A_712 = tpu.memref_slice %arg14[%add3A_709] : memref<65536xf32, #tpu.memory_space<vmem_shared>> -> memref<128xf32, #tpu.memory_space<vmem_shared>>
      %dma_start3A_713 = arith.constant 1280 : i32
      %dma_start3A_714 = tpu.memref_slice %arg13[%dma_start3A_713] : memref<2048xf32, #tpu.memory_space<vmem>> -> memref<128xf32, #tpu.memory_space<vmem>>
      %dma_start3A_715 = tpu.memref_slice %arg14[%add3A_709] : memref<65536xf32, #tpu.memory_space<vmem_shared>> -> memref<128xf32, #tpu.memory_space<vmem_shared>>
      tpu.enqueue_dma source(%dma_start3A_715 : memref<128xf32, #tpu.memory_space<vmem_shared>>) target(%dma_start3A_714 : memref<128xf32, #tpu.memory_space<vmem>>) target_semaphore(%arg21 : memref<!tpu.dma_semaphore, #tpu.memory_space<semaphore_mem>>)
      %add3A_716 = arith.constant 22528 : i32
      %add3A_717 = arith.addi %add3A_716, %add3A_627 : i32
      %dma_start3A_718 = arith.constant 1408 : i32
      %dma_start3A_719 = tpu.memref_slice %arg13[%dma_start3A_718] : memref<2048xf32, #tpu.memory_space<vmem>> -> memref<128xf32, #tpu.memory_space<vmem>>
      %dma_start3A_720 = tpu.memref_slice %arg14[%add3A_717] : memref<65536xf32, #tpu.memory_space<vmem_shared>> -> memref<128xf32, #tpu.memory_space<vmem_shared>>
      %dma_start3A_721 = arith.constant 1408 : i32
      %dma_start3A_722 = tpu.memref_slice %arg13[%dma_start3A_721] : memref<2048xf32, #tpu.memory_space<vmem>> -> memref<128xf32, #tpu.memory_space<vmem>>
      %dma_start3A_723 = tpu.memref_slice %arg14[%add3A_717] : memref<65536xf32, #tpu.memory_space<vmem_shared>> -> memref<128xf32, #tpu.memory_space<vmem_shared>>
      tpu.enqueue_dma source(%dma_start3A_723 : memref<128xf32, #tpu.memory_space<vmem_shared>>) target(%dma_start3A_722 : memref<128xf32, #tpu.memory_space<vmem>>) target_semaphore(%arg21 : memref<!tpu.dma_semaphore, #tpu.memory_space<semaphore_mem>>)
      %add3A_724 = arith.constant 24576 : i32
      %add3A_725 = arith.addi %add3A_724, %add3A_627 : i32
      %dma_start3A_726 = arith.constant 1536 : i32
      %dma_start3A_727 = tpu.memref_slice %arg13[%dma_start3A_726] : memref<2048xf32, #tpu.memory_space<vmem>> -> memref<128xf32, #tpu.memory_space<vmem>>
      %dma_start3A_728 = tpu.memref_slice %arg14[%add3A_725] : memref<65536xf32, #tpu.memory_space<vmem_shared>> -> memref<128xf32, #tpu.memory_space<vmem_shared>>
      %dma_start3A_729 = arith.constant 1536 : i32
      %dma_start3A_730 = tpu.memref_slice %arg13[%dma_start3A_729] : memref<2048xf32, #tpu.memory_space<vmem>> -> memref<128xf32, #tpu.memory_space<vmem>>
      %dma_start3A_731 = tpu.memref_slice %arg14[%add3A_725] : memref<65536xf32, #tpu.memory_space<vmem_shared>> -> memref<128xf32, #tpu.memory_space<vmem_shared>>
      tpu.enqueue_dma source(%dma_start3A_731 : memref<128xf32, #tpu.memory_space<vmem_shared>>) target(%dma_start3A_730 : memref<128xf32, #tpu.memory_space<vmem>>) target_semaphore(%arg21 : memref<!tpu.dma_semaphore, #tpu.memory_space<semaphore_mem>>)
      %add3A_732 = arith.constant 26624 : i32
      %add3A_733 = arith.addi %add3A_732, %add3A_627 : i32
      %dma_start3A_734 = arith.constant 1664 : i32
      %dma_start3A_735 = tpu.memref_slice %arg13[%dma_start3A_734] : memref<2048xf32, #tpu.memory_space<vmem>> -> memref<128xf32, #tpu.memory_space<vmem>>
      %dma_start3A_736 = tpu.memref_slice %arg14[%add3A_733] : memref<65536xf32, #tpu.memory_space<vmem_shared>> -> memref<128xf32, #tpu.memory_space<vmem_shared>>
      %dma_start3A_737 = arith.constant 1664 : i32
      %dma_start3A_738 = tpu.memref_slice %arg13[%dma_start3A_737] : memref<2048xf32, #tpu.memory_space<vmem>> -> memref<128xf32, #tpu.memory_space<vmem>>
      %dma_start3A_739 = tpu.memref_slice %arg14[%add3A_733] : memref<65536xf32, #tpu.memory_space<vmem_shared>> -> memref<128xf32, #tpu.memory_space<vmem_shared>>
      tpu.enqueue_dma source(%dma_start3A_739 : memref<128xf32, #tpu.memory_space<vmem_shared>>) target(%dma_start3A_738 : memref<128xf32, #tpu.memory_space<vmem>>) target_semaphore(%arg21 : memref<!tpu.dma_semaphore, #tpu.memory_space<semaphore_mem>>)
      %add3A_740 = arith.constant 28672 : i32
      %add3A_741 = arith.addi %add3A_740, %add3A_627 : i32
      %dma_start3A_742 = arith.constant 1792 : i32
      %dma_start3A_743 = tpu.memref_slice %arg13[%dma_start3A_742] : memref<2048xf32, #tpu.memory_space<vmem>> -> memref<128xf32, #tpu.memory_space<vmem>>
      %dma_start3A_744 = tpu.memref_slice %arg14[%add3A_741] : memref<65536xf32, #tpu.memory_space<vmem_shared>> -> memref<128xf32, #tpu.memory_space<vmem_shared>>
      %dma_start3A_745 = arith.constant 1792 : i32
      %dma_start3A_746 = tpu.memref_slice %arg13[%dma_start3A_745] : memref<2048xf32, #tpu.memory_space<vmem>> -> memref<128xf32, #tpu.memory_space<vmem>>
      %dma_start3A_747 = tpu.memref_slice %arg14[%add3A_741] : memref<65536xf32, #tpu.memory_space<vmem_shared>> -> memref<128xf32, #tpu.memory_space<vmem_shared>>
      tpu.enqueue_dma source(%dma_start3A_747 : memref<128xf32, #tpu.memory_space<vmem_shared>>) target(%dma_start3A_746 : memref<128xf32, #tpu.memory_space<vmem>>) target_semaphore(%arg21 : memref<!tpu.dma_semaphore, #tpu.memory_space<semaphore_mem>>)
      %add3A_748 = arith.constant 30720 : i32
      %add3A_749 = arith.addi %add3A_748, %add3A_627 : i32
      %dma_start3A_750 = arith.constant 1920 : i32
      %dma_start3A_751 = tpu.memref_slice %arg13[%dma_start3A_750] : memref<2048xf32, #tpu.memory_space<vmem>> -> memref<128xf32, #tpu.memory_space<vmem>>
      %dma_start3A_752 = tpu.memref_slice %arg14[%add3A_749] : memref<65536xf32, #tpu.memory_space<vmem_shared>> -> memref<128xf32, #tpu.memory_space<vmem_shared>>
      %dma_start3A_753 = arith.constant 1920 : i32
      %dma_start3A_754 = tpu.memref_slice %arg13[%dma_start3A_753] : memref<2048xf32, #tpu.memory_space<vmem>> -> memref<128xf32, #tpu.memory_space<vmem>>
      %dma_start3A_755 = tpu.memref_slice %arg14[%add3A_749] : memref<65536xf32, #tpu.memory_space<vmem_shared>> -> memref<128xf32, #tpu.memory_space<vmem_shared>>
      tpu.enqueue_dma source(%dma_start3A_755 : memref<128xf32, #tpu.memory_space<vmem_shared>>) target(%dma_start3A_754 : memref<128xf32, #tpu.memory_space<vmem>>) target_semaphore(%arg21 : memref<!tpu.dma_semaphore, #tpu.memory_space<semaphore_mem>>)
      %add3A_756 = arith.constant 0 : i32
      %add3A_757 = arith.addi %add3A_756, %add3A_627 : i32
      %dma_wait3A_758 = arith.constant 0 : i32
      %dma_wait3A_759 = tpu.memref_slice %arg13[%dma_wait3A_758] : memref<2048xf32, #tpu.memory_space<vmem>> -> memref<128xf32, #tpu.memory_space<vmem>>
      %dma_wait3A_760 = tpu.memref_slice %arg14[%add3A_757] : memref<65536xf32, #tpu.memory_space<vmem_shared>> -> memref<128xf32, #tpu.memory_space<vmem_shared>>
      %dma_wait3A_761 = arith.constant 0 : i32
      %dma_wait3A_762 = tpu.memref_slice %arg13[%dma_wait3A_761] : memref<2048xf32, #tpu.memory_space<vmem>> -> memref<128xf32, #tpu.memory_space<vmem>>
      %dma_wait3A_763 = tpu.memref_slice %arg14[%add3A_757] : memref<65536xf32, #tpu.memory_space<vmem_shared>> -> memref<128xf32, #tpu.memory_space<vmem_shared>>
      tpu.wait_dma2 semaphore(%arg21 : memref<!tpu.dma_semaphore, #tpu.memory_space<semaphore_mem>>) src(%dma_wait3A_763 : memref<128xf32, #tpu.memory_space<vmem_shared>>) dst(%dma_wait3A_762 : memref<128xf32, #tpu.memory_space<vmem>>)
      %add3A_764 = arith.constant 2048 : i32
      %add3A_765 = arith.addi %add3A_764, %add3A_627 : i32
      %dma_wait3A_766 = arith.constant 128 : i32
      %dma_wait3A_767 = tpu.memref_slice %arg13[%dma_wait3A_766] : memref<2048xf32, #tpu.memory_space<vmem>> -> memref<128xf32, #tpu.memory_space<vmem>>
      %dma_wait3A_768 = tpu.memref_slice %arg14[%add3A_765] : memref<65536xf32, #tpu.memory_space<vmem_shared>> -> memref<128xf32, #tpu.memory_space<vmem_shared>>
      %dma_wait3A_769 = arith.constant 128 : i32
      %dma_wait3A_770 = tpu.memref_slice %arg13[%dma_wait3A_769] : memref<2048xf32, #tpu.memory_space<vmem>> -> memref<128xf32, #tpu.memory_space<vmem>>
      %dma_wait3A_771 = tpu.memref_slice %arg14[%add3A_765] : memref<65536xf32, #tpu.memory_space<vmem_shared>> -> memref<128xf32, #tpu.memory_space<vmem_shared>>
      tpu.wait_dma2 semaphore(%arg21 : memref<!tpu.dma_semaphore, #tpu.memory_space<semaphore_mem>>) src(%dma_wait3A_771 : memref<128xf32, #tpu.memory_space<vmem_shared>>) dst(%dma_wait3A_770 : memref<128xf32, #tpu.memory_space<vmem>>)
      %add3A_772 = arith.constant 4096 : i32
      %add3A_773 = arith.addi %add3A_772, %add3A_627 : i32
      %dma_wait3A_774 = arith.constant 256 : i32
      %dma_wait3A_775 = tpu.memref_slice %arg13[%dma_wait3A_774] : memref<2048xf32, #tpu.memory_space<vmem>> -> memref<128xf32, #tpu.memory_space<vmem>>
      %dma_wait3A_776 = tpu.memref_slice %arg14[%add3A_773] : memref<65536xf32, #tpu.memory_space<vmem_shared>> -> memref<128xf32, #tpu.memory_space<vmem_shared>>
      %dma_wait3A_777 = arith.constant 256 : i32
      %dma_wait3A_778 = tpu.memref_slice %arg13[%dma_wait3A_777] : memref<2048xf32, #tpu.memory_space<vmem>> -> memref<128xf32, #tpu.memory_space<vmem>>
      %dma_wait3A_779 = tpu.memref_slice %arg14[%add3A_773] : memref<65536xf32, #tpu.memory_space<vmem_shared>> -> memref<128xf32, #tpu.memory_space<vmem_shared>>
      tpu.wait_dma2 semaphore(%arg21 : memref<!tpu.dma_semaphore, #tpu.memory_space<semaphore_mem>>) src(%dma_wait3A_779 : memref<128xf32, #tpu.memory_space<vmem_shared>>) dst(%dma_wait3A_778 : memref<128xf32, #tpu.memory_space<vmem>>)
      %add3A_780 = arith.constant 6144 : i32
      %add3A_781 = arith.addi %add3A_780, %add3A_627 : i32
      %dma_wait3A_782 = arith.constant 384 : i32
      %dma_wait3A_783 = tpu.memref_slice %arg13[%dma_wait3A_782] : memref<2048xf32, #tpu.memory_space<vmem>> -> memref<128xf32, #tpu.memory_space<vmem>>
      %dma_wait3A_784 = tpu.memref_slice %arg14[%add3A_781] : memref<65536xf32, #tpu.memory_space<vmem_shared>> -> memref<128xf32, #tpu.memory_space<vmem_shared>>
      %dma_wait3A_785 = arith.constant 384 : i32
      %dma_wait3A_786 = tpu.memref_slice %arg13[%dma_wait3A_785] : memref<2048xf32, #tpu.memory_space<vmem>> -> memref<128xf32, #tpu.memory_space<vmem>>
      %dma_wait3A_787 = tpu.memref_slice %arg14[%add3A_781] : memref<65536xf32, #tpu.memory_space<vmem_shared>> -> memref<128xf32, #tpu.memory_space<vmem_shared>>
      tpu.wait_dma2 semaphore(%arg21 : memref<!tpu.dma_semaphore, #tpu.memory_space<semaphore_mem>>) src(%dma_wait3A_787 : memref<128xf32, #tpu.memory_space<vmem_shared>>) dst(%dma_wait3A_786 : memref<128xf32, #tpu.memory_space<vmem>>)
      %add3A_788 = arith.constant 8192 : i32
      %add3A_789 = arith.addi %add3A_788, %add3A_627 : i32
      %dma_wait3A_790 = arith.constant 512 : i32
      %dma_wait3A_791 = tpu.memref_slice %arg13[%dma_wait3A_790] : memref<2048xf32, #tpu.memory_space<vmem>> -> memref<128xf32, #tpu.memory_space<vmem>>
      %dma_wait3A_792 = tpu.memref_slice %arg14[%add3A_789] : memref<65536xf32, #tpu.memory_space<vmem_shared>> -> memref<128xf32, #tpu.memory_space<vmem_shared>>
      %dma_wait3A_793 = arith.constant 512 : i32
      %dma_wait3A_794 = tpu.memref_slice %arg13[%dma_wait3A_793] : memref<2048xf32, #tpu.memory_space<vmem>> -> memref<128xf32, #tpu.memory_space<vmem>>
      %dma_wait3A_795 = tpu.memref_slice %arg14[%add3A_789] : memref<65536xf32, #tpu.memory_space<vmem_shared>> -> memref<128xf32, #tpu.memory_space<vmem_shared>>
      tpu.wait_dma2 semaphore(%arg21 : memref<!tpu.dma_semaphore, #tpu.memory_space<semaphore_mem>>) src(%dma_wait3A_795 : memref<128xf32, #tpu.memory_space<vmem_shared>>) dst(%dma_wait3A_794 : memref<128xf32, #tpu.memory_space<vmem>>)
      %add3A_796 = arith.constant 10240 : i32
      %add3A_797 = arith.addi %add3A_796, %add3A_627 : i32
      %dma_wait3A_798 = arith.constant 640 : i32
      %dma_wait3A_799 = tpu.memref_slice %arg13[%dma_wait3A_798] : memref<2048xf32, #tpu.memory_space<vmem>> -> memref<128xf32, #tpu.memory_space<vmem>>
      %dma_wait3A_800 = tpu.memref_slice %arg14[%add3A_797] : memref<65536xf32, #tpu.memory_space<vmem_shared>> -> memref<128xf32, #tpu.memory_space<vmem_shared>>
      %dma_wait3A_801 = arith.constant 640 : i32
      %dma_wait3A_802 = tpu.memref_slice %arg13[%dma_wait3A_801] : memref<2048xf32, #tpu.memory_space<vmem>> -> memref<128xf32, #tpu.memory_space<vmem>>
      %dma_wait3A_803 = tpu.memref_slice %arg14[%add3A_797] : memref<65536xf32, #tpu.memory_space<vmem_shared>> -> memref<128xf32, #tpu.memory_space<vmem_shared>>
      tpu.wait_dma2 semaphore(%arg21 : memref<!tpu.dma_semaphore, #tpu.memory_space<semaphore_mem>>) src(%dma_wait3A_803 : memref<128xf32, #tpu.memory_space<vmem_shared>>) dst(%dma_wait3A_802 : memref<128xf32, #tpu.memory_space<vmem>>)
      %add3A_804 = arith.constant 12288 : i32
      %add3A_805 = arith.addi %add3A_804, %add3A_627 : i32
      %dma_wait3A_806 = arith.constant 768 : i32
      %dma_wait3A_807 = tpu.memref_slice %arg13[%dma_wait3A_806] : memref<2048xf32, #tpu.memory_space<vmem>> -> memref<128xf32, #tpu.memory_space<vmem>>
      %dma_wait3A_808 = tpu.memref_slice %arg14[%add3A_805] : memref<65536xf32, #tpu.memory_space<vmem_shared>> -> memref<128xf32, #tpu.memory_space<vmem_shared>>
      %dma_wait3A_809 = arith.constant 768 : i32
      %dma_wait3A_810 = tpu.memref_slice %arg13[%dma_wait3A_809] : memref<2048xf32, #tpu.memory_space<vmem>> -> memref<128xf32, #tpu.memory_space<vmem>>
      %dma_wait3A_811 = tpu.memref_slice %arg14[%add3A_805] : memref<65536xf32, #tpu.memory_space<vmem_shared>> -> memref<128xf32, #tpu.memory_space<vmem_shared>>
      tpu.wait_dma2 semaphore(%arg21 : memref<!tpu.dma_semaphore, #tpu.memory_space<semaphore_mem>>) src(%dma_wait3A_811 : memref<128xf32, #tpu.memory_space<vmem_shared>>) dst(%dma_wait3A_810 : memref<128xf32, #tpu.memory_space<vmem>>)
      %add3A_812 = arith.constant 14336 : i32
      %add3A_813 = arith.addi %add3A_812, %add3A_627 : i32
      %dma_wait3A_814 = arith.constant 896 : i32
      %dma_wait3A_815 = tpu.memref_slice %arg13[%dma_wait3A_814] : memref<2048xf32, #tpu.memory_space<vmem>> -> memref<128xf32, #tpu.memory_space<vmem>>
      %dma_wait3A_816 = tpu.memref_slice %arg14[%add3A_813] : memref<65536xf32, #tpu.memory_space<vmem_shared>> -> memref<128xf32, #tpu.memory_space<vmem_shared>>
      %dma_wait3A_817 = arith.constant 896 : i32
      %dma_wait3A_818 = tpu.memref_slice %arg13[%dma_wait3A_817] : memref<2048xf32, #tpu.memory_space<vmem>> -> memref<128xf32, #tpu.memory_space<vmem>>
      %dma_wait3A_819 = tpu.memref_slice %arg14[%add3A_813] : memref<65536xf32, #tpu.memory_space<vmem_shared>> -> memref<128xf32, #tpu.memory_space<vmem_shared>>
      tpu.wait_dma2 semaphore(%arg21 : memref<!tpu.dma_semaphore, #tpu.memory_space<semaphore_mem>>) src(%dma_wait3A_819 : memref<128xf32, #tpu.memory_space<vmem_shared>>) dst(%dma_wait3A_818 : memref<128xf32, #tpu.memory_space<vmem>>)
      %add3A_820 = arith.constant 16384 : i32
      %add3A_821 = arith.addi %add3A_820, %add3A_627 : i32
      %dma_wait3A_822 = arith.constant 1024 : i32
      %dma_wait3A_823 = tpu.memref_slice %arg13[%dma_wait3A_822] : memref<2048xf32, #tpu.memory_space<vmem>> -> memref<128xf32, #tpu.memory_space<vmem>>
      %dma_wait3A_824 = tpu.memref_slice %arg14[%add3A_821] : memref<65536xf32, #tpu.memory_space<vmem_shared>> -> memref<128xf32, #tpu.memory_space<vmem_shared>>
      %dma_wait3A_825 = arith.constant 1024 : i32
      %dma_wait3A_826 = tpu.memref_slice %arg13[%dma_wait3A_825] : memref<2048xf32, #tpu.memory_space<vmem>> -> memref<128xf32, #tpu.memory_space<vmem>>
      %dma_wait3A_827 = tpu.memref_slice %arg14[%add3A_821] : memref<65536xf32, #tpu.memory_space<vmem_shared>> -> memref<128xf32, #tpu.memory_space<vmem_shared>>
      tpu.wait_dma2 semaphore(%arg21 : memref<!tpu.dma_semaphore, #tpu.memory_space<semaphore_mem>>) src(%dma_wait3A_827 : memref<128xf32, #tpu.memory_space<vmem_shared>>) dst(%dma_wait3A_826 : memref<128xf32, #tpu.memory_space<vmem>>)
      %add3A_828 = arith.constant 18432 : i32
      %add3A_829 = arith.addi %add3A_828, %add3A_627 : i32
      %dma_wait3A_830 = arith.constant 1152 : i32
      %dma_wait3A_831 = tpu.memref_slice %arg13[%dma_wait3A_830] : memref<2048xf32, #tpu.memory_space<vmem>> -> memref<128xf32, #tpu.memory_space<vmem>>
      %dma_wait3A_832 = tpu.memref_slice %arg14[%add3A_829] : memref<65536xf32, #tpu.memory_space<vmem_shared>> -> memref<128xf32, #tpu.memory_space<vmem_shared>>
      %dma_wait3A_833 = arith.constant 1152 : i32
      %dma_wait3A_834 = tpu.memref_slice %arg13[%dma_wait3A_833] : memref<2048xf32, #tpu.memory_space<vmem>> -> memref<128xf32, #tpu.memory_space<vmem>>
      %dma_wait3A_835 = tpu.memref_slice %arg14[%add3A_829] : memref<65536xf32, #tpu.memory_space<vmem_shared>> -> memref<128xf32, #tpu.memory_space<vmem_shared>>
      tpu.wait_dma2 semaphore(%arg21 : memref<!tpu.dma_semaphore, #tpu.memory_space<semaphore_mem>>) src(%dma_wait3A_835 : memref<128xf32, #tpu.memory_space<vmem_shared>>) dst(%dma_wait3A_834 : memref<128xf32, #tpu.memory_space<vmem>>)
      %add3A_836 = arith.constant 20480 : i32
      %add3A_837 = arith.addi %add3A_836, %add3A_627 : i32
      %dma_wait3A_838 = arith.constant 1280 : i32
      %dma_wait3A_839 = tpu.memref_slice %arg13[%dma_wait3A_838] : memref<2048xf32, #tpu.memory_space<vmem>> -> memref<128xf32, #tpu.memory_space<vmem>>
      %dma_wait3A_840 = tpu.memref_slice %arg14[%add3A_837] : memref<65536xf32, #tpu.memory_space<vmem_shared>> -> memref<128xf32, #tpu.memory_space<vmem_shared>>
      %dma_wait3A_841 = arith.constant 1280 : i32
      %dma_wait3A_842 = tpu.memref_slice %arg13[%dma_wait3A_841] : memref<2048xf32, #tpu.memory_space<vmem>> -> memref<128xf32, #tpu.memory_space<vmem>>
      %dma_wait3A_843 = tpu.memref_slice %arg14[%add3A_837] : memref<65536xf32, #tpu.memory_space<vmem_shared>> -> memref<128xf32, #tpu.memory_space<vmem_shared>>
      tpu.wait_dma2 semaphore(%arg21 : memref<!tpu.dma_semaphore, #tpu.memory_space<semaphore_mem>>) src(%dma_wait3A_843 : memref<128xf32, #tpu.memory_space<vmem_shared>>) dst(%dma_wait3A_842 : memref<128xf32, #tpu.memory_space<vmem>>)
      %add3A_844 = arith.constant 22528 : i32
      %add3A_845 = arith.addi %add3A_844, %add3A_627 : i32
      %dma_wait3A_846 = arith.constant 1408 : i32
      %dma_wait3A_847 = tpu.memref_slice %arg13[%dma_wait3A_846] : memref<2048xf32, #tpu.memory_space<vmem>> -> memref<128xf32, #tpu.memory_space<vmem>>
      %dma_wait3A_848 = tpu.memref_slice %arg14[%add3A_845] : memref<65536xf32, #tpu.memory_space<vmem_shared>> -> memref<128xf32, #tpu.memory_space<vmem_shared>>
      %dma_wait3A_849 = arith.constant 1408 : i32
      %dma_wait3A_850 = tpu.memref_slice %arg13[%dma_wait3A_849] : memref<2048xf32, #tpu.memory_space<vmem>> -> memref<128xf32, #tpu.memory_space<vmem>>
      %dma_wait3A_851 = tpu.memref_slice %arg14[%add3A_845] : memref<65536xf32, #tpu.memory_space<vmem_shared>> -> memref<128xf32, #tpu.memory_space<vmem_shared>>
      tpu.wait_dma2 semaphore(%arg21 : memref<!tpu.dma_semaphore, #tpu.memory_space<semaphore_mem>>) src(%dma_wait3A_851 : memref<128xf32, #tpu.memory_space<vmem_shared>>) dst(%dma_wait3A_850 : memref<128xf32, #tpu.memory_space<vmem>>)
      %add3A_852 = arith.constant 24576 : i32
      %add3A_853 = arith.addi %add3A_852, %add3A_627 : i32
      %dma_wait3A_854 = arith.constant 1536 : i32
      %dma_wait3A_855 = tpu.memref_slice %arg13[%dma_wait3A_854] : memref<2048xf32, #tpu.memory_space<vmem>> -> memref<128xf32, #tpu.memory_space<vmem>>
      %dma_wait3A_856 = tpu.memref_slice %arg14[%add3A_853] : memref<65536xf32, #tpu.memory_space<vmem_shared>> -> memref<128xf32, #tpu.memory_space<vmem_shared>>
      %dma_wait3A_857 = arith.constant 1536 : i32
      %dma_wait3A_858 = tpu.memref_slice %arg13[%dma_wait3A_857] : memref<2048xf32, #tpu.memory_space<vmem>> -> memref<128xf32, #tpu.memory_space<vmem>>
      %dma_wait3A_859 = tpu.memref_slice %arg14[%add3A_853] : memref<65536xf32, #tpu.memory_space<vmem_shared>> -> memref<128xf32, #tpu.memory_space<vmem_shared>>
      tpu.wait_dma2 semaphore(%arg21 : memref<!tpu.dma_semaphore, #tpu.memory_space<semaphore_mem>>) src(%dma_wait3A_859 : memref<128xf32, #tpu.memory_space<vmem_shared>>) dst(%dma_wait3A_858 : memref<128xf32, #tpu.memory_space<vmem>>)
      %add3A_860 = arith.constant 26624 : i32
      %add3A_861 = arith.addi %add3A_860, %add3A_627 : i32
      %dma_wait3A_862 = arith.constant 1664 : i32
      %dma_wait3A_863 = tpu.memref_slice %arg13[%dma_wait3A_862] : memref<2048xf32, #tpu.memory_space<vmem>> -> memref<128xf32, #tpu.memory_space<vmem>>
      %dma_wait3A_864 = tpu.memref_slice %arg14[%add3A_861] : memref<65536xf32, #tpu.memory_space<vmem_shared>> -> memref<128xf32, #tpu.memory_space<vmem_shared>>
      %dma_wait3A_865 = arith.constant 1664 : i32
      %dma_wait3A_866 = tpu.memref_slice %arg13[%dma_wait3A_865] : memref<2048xf32, #tpu.memory_space<vmem>> -> memref<128xf32, #tpu.memory_space<vmem>>
      %dma_wait3A_867 = tpu.memref_slice %arg14[%add3A_861] : memref<65536xf32, #tpu.memory_space<vmem_shared>> -> memref<128xf32, #tpu.memory_space<vmem_shared>>
      tpu.wait_dma2 semaphore(%arg21 : memref<!tpu.dma_semaphore, #tpu.memory_space<semaphore_mem>>) src(%dma_wait3A_867 : memref<128xf32, #tpu.memory_space<vmem_shared>>) dst(%dma_wait3A_866 : memref<128xf32, #tpu.memory_space<vmem>>)
      %add3A_868 = arith.constant 28672 : i32
      %add3A_869 = arith.addi %add3A_868, %add3A_627 : i32
      %dma_wait3A_870 = arith.constant 1792 : i32
      %dma_wait3A_871 = tpu.memref_slice %arg13[%dma_wait3A_870] : memref<2048xf32, #tpu.memory_space<vmem>> -> memref<128xf32, #tpu.memory_space<vmem>>
      %dma_wait3A_872 = tpu.memref_slice %arg14[%add3A_869] : memref<65536xf32, #tpu.memory_space<vmem_shared>> -> memref<128xf32, #tpu.memory_space<vmem_shared>>
      %dma_wait3A_873 = arith.constant 1792 : i32
      %dma_wait3A_874 = tpu.memref_slice %arg13[%dma_wait3A_873] : memref<2048xf32, #tpu.memory_space<vmem>> -> memref<128xf32, #tpu.memory_space<vmem>>
      %dma_wait3A_875 = tpu.memref_slice %arg14[%add3A_869] : memref<65536xf32, #tpu.memory_space<vmem_shared>> -> memref<128xf32, #tpu.memory_space<vmem_shared>>
      tpu.wait_dma2 semaphore(%arg21 : memref<!tpu.dma_semaphore, #tpu.memory_space<semaphore_mem>>) src(%dma_wait3A_875 : memref<128xf32, #tpu.memory_space<vmem_shared>>) dst(%dma_wait3A_874 : memref<128xf32, #tpu.memory_space<vmem>>)
      %add3A_876 = arith.constant 30720 : i32
      %add3A_877 = arith.addi %add3A_876, %add3A_627 : i32
      %dma_wait3A_878 = arith.constant 1920 : i32
      %dma_wait3A_879 = tpu.memref_slice %arg13[%dma_wait3A_878] : memref<2048xf32, #tpu.memory_space<vmem>> -> memref<128xf32, #tpu.memory_space<vmem>>
      %dma_wait3A_880 = tpu.memref_slice %arg14[%add3A_877] : memref<65536xf32, #tpu.memory_space<vmem_shared>> -> memref<128xf32, #tpu.memory_space<vmem_shared>>
      %dma_wait3A_881 = arith.constant 1920 : i32
      %dma_wait3A_882 = tpu.memref_slice %arg13[%dma_wait3A_881] : memref<2048xf32, #tpu.memory_space<vmem>> -> memref<128xf32, #tpu.memory_space<vmem>>
      %dma_wait3A_883 = tpu.memref_slice %arg14[%add3A_877] : memref<65536xf32, #tpu.memory_space<vmem_shared>> -> memref<128xf32, #tpu.memory_space<vmem_shared>>
      tpu.wait_dma2 semaphore(%arg21 : memref<!tpu.dma_semaphore, #tpu.memory_space<semaphore_mem>>) src(%dma_wait3A_883 : memref<128xf32, #tpu.memory_space<vmem_shared>>) dst(%dma_wait3A_882 : memref<128xf32, #tpu.memory_space<vmem>>)
      %parallel_loop3A_884 = arith.constant 0 : i32
      %parallel_loop3A_885 = arith.constant 128 : i32
      %parallel_loop3A_886 = arith.constant 16 : i32
      scf.for %parallel_loop3A_896 = %parallel_loop3A_884 to %parallel_loop3A_885 step %parallel_loop3A_886  : i32 {
        %parallel_loop3A_897 = arith.index_cast %parallel_loop3A_896 : i32 to index
        %parallel_loop3A_898 = tpu.vector_load %arg13[%parallel_loop3A_897] {strides = array<i32>} : memref<2048xf32, #tpu.memory_space<vmem>>, vector<16xf32>,
        %parallel_loop3A_899 = arith.constant 128 : i32
        %parallel_loop3A_900 = arith.addi %parallel_loop3A_899, %parallel_loop3A_896 : i32
        %parallel_loop3A_901 = arith.index_cast %parallel_loop3A_900 : i32 to index
        %parallel_loop3A_902 = tpu.vector_load %arg13[%parallel_loop3A_901] {strides = array<i32>} : memref<2048xf32, #tpu.memory_space<vmem>>, vector<16xf32>,
        %parallel_loop3A_903 = arith.addf %parallel_loop3A_898, %parallel_loop3A_902 : vector<16xf32>
        %parallel_loop3A_904 = arith.constant 256 : i32
        %parallel_loop3A_905 = arith.addi %parallel_loop3A_904, %parallel_loop3A_896 : i32
        %parallel_loop3A_906 = arith.index_cast %parallel_loop3A_905 : i32 to index
        %parallel_loop3A_907 = tpu.vector_load %arg13[%parallel_loop3A_906] {strides = array<i32>} : memref<2048xf32, #tpu.memory_space<vmem>>, vector<16xf32>,
        %parallel_loop3A_908 = arith.addf %parallel_loop3A_903, %parallel_loop3A_907 : vector<16xf32>
        %parallel_loop3A_909 = arith.constant 384 : i32
        %parallel_loop3A_910 = arith.addi %parallel_loop3A_909, %parallel_loop3A_896 : i32
        %parallel_loop3A_911 = arith.index_cast %parallel_loop3A_910 : i32 to index
        %parallel_loop3A_912 = tpu.vector_load %arg13[%parallel_loop3A_911] {strides = array<i32>} : memref<2048xf32, #tpu.memory_space<vmem>>, vector<16xf32>,
        %parallel_loop3A_913 = arith.addf %parallel_loop3A_908, %parallel_loop3A_912 : vector<16xf32>
        %parallel_loop3A_914 = arith.constant 512 : i32
        %parallel_loop3A_915 = arith.addi %parallel_loop3A_914, %parallel_loop3A_896 : i32
        %parallel_loop3A_916 = arith.index_cast %parallel_loop3A_915 : i32 to index
        %parallel_loop3A_917 = tpu.vector_load %arg13[%parallel_loop3A_916] {strides = array<i32>} : memref<2048xf32, #tpu.memory_space<vmem>>, vector<16xf32>,
        %parallel_loop3A_918 = arith.addf %parallel_loop3A_913, %parallel_loop3A_917 : vector<16xf32>
        %parallel_loop3A_919 = arith.constant 640 : i32
        %parallel_loop3A_920 = arith.addi %parallel_loop3A_919, %parallel_loop3A_896 : i32
        %parallel_loop3A_921 = arith.index_cast %parallel_loop3A_920 : i32 to index
        %parallel_loop3A_922 = tpu.vector_load %arg13[%parallel_loop3A_921] {strides = array<i32>} : memref<2048xf32, #tpu.memory_space<vmem>>, vector<16xf32>,
        %parallel_loop3A_923 = arith.addf %parallel_loop3A_918, %parallel_loop3A_922 : vector<16xf32>
        %parallel_loop3A_924 = arith.constant 768 : i32
        %parallel_loop3A_925 = arith.addi %parallel_loop3A_924, %parallel_loop3A_896 : i32
        %parallel_loop3A_926 = arith.index_cast %parallel_loop3A_925 : i32 to index
        %parallel_loop3A_927 = tpu.vector_load %arg13[%parallel_loop3A_926] {strides = array<i32>} : memref<2048xf32, #tpu.memory_space<vmem>>, vector<16xf32>,
        %parallel_loop3A_928 = arith.addf %parallel_loop3A_923, %parallel_loop3A_927 : vector<16xf32>
        %parallel_loop3A_929 = arith.constant 896 : i32
        %parallel_loop3A_930 = arith.addi %parallel_loop3A_929, %parallel_loop3A_896 : i32
        %parallel_loop3A_931 = arith.index_cast %parallel_loop3A_930 : i32 to index
        %parallel_loop3A_932 = tpu.vector_load %arg13[%parallel_loop3A_931] {strides = array<i32>} : memref<2048xf32, #tpu.memory_space<vmem>>, vector<16xf32>,
        %parallel_loop3A_933 = arith.addf %parallel_loop3A_928, %parallel_loop3A_932 : vector<16xf32>
        %parallel_loop3A_934 = arith.constant 1024 : i32
        %parallel_loop3A_935 = arith.addi %parallel_loop3A_934, %parallel_loop3A_896 : i32
        %parallel_loop3A_936 = arith.index_cast %parallel_loop3A_935 : i32 to index
        %parallel_loop3A_937 = tpu.vector_load %arg13[%parallel_loop3A_936] {strides = array<i32>} : memref<2048xf32, #tpu.memory_space<vmem>>, vector<16xf32>,
        %parallel_loop3A_938 = arith.addf %parallel_loop3A_933, %parallel_loop3A_937 : vector<16xf32>
        %parallel_loop3A_939 = arith.constant 1152 : i32
        %parallel_loop3A_940 = arith.addi %parallel_loop3A_939, %parallel_loop3A_896 : i32
        %parallel_loop3A_941 = arith.index_cast %parallel_loop3A_940 : i32 to index
        %parallel_loop3A_942 = tpu.vector_load %arg13[%parallel_loop3A_941] {strides = array<i32>} : memref<2048xf32, #tpu.memory_space<vmem>>, vector<16xf32>,
        %parallel_loop3A_943 = arith.addf %parallel_loop3A_938, %parallel_loop3A_942 : vector<16xf32>
        %parallel_loop3A_944 = arith.constant 1280 : i32
        %parallel_loop3A_945 = arith.addi %parallel_loop3A_944, %parallel_loop3A_896 : i32
        %parallel_loop3A_946 = arith.index_cast %parallel_loop3A_945 : i32 to index
        %parallel_loop3A_947 = tpu.vector_load %arg13[%parallel_loop3A_946] {strides = array<i32>} : memref<2048xf32, #tpu.memory_space<vmem>>, vector<16xf32>,
        %parallel_loop3A_948 = arith.addf %parallel_loop3A_943, %parallel_loop3A_947 : vector<16xf32>
        %parallel_loop3A_949 = arith.constant 1408 : i32
        %parallel_loop3A_950 = arith.addi %parallel_loop3A_949, %parallel_loop3A_896 : i32
        %parallel_loop3A_951 = arith.index_cast %parallel_loop3A_950 : i32 to index
        %parallel_loop3A_952 = tpu.vector_load %arg13[%parallel_loop3A_951] {strides = array<i32>} : memref<2048xf32, #tpu.memory_space<vmem>>, vector<16xf32>,
        %parallel_loop3A_953 = arith.addf %parallel_loop3A_948, %parallel_loop3A_952 : vector<16xf32>
        %parallel_loop3A_954 = arith.constant 1536 : i32
        %parallel_loop3A_955 = arith.addi %parallel_loop3A_954, %parallel_loop3A_896 : i32
        %parallel_loop3A_956 = arith.index_cast %parallel_loop3A_955 : i32 to index
        %parallel_loop3A_957 = tpu.vector_load %arg13[%parallel_loop3A_956] {strides = array<i32>} : memref<2048xf32, #tpu.memory_space<vmem>>, vector<16xf32>,
        %parallel_loop3A_958 = arith.addf %parallel_loop3A_953, %parallel_loop3A_957 : vector<16xf32>
        %parallel_loop3A_959 = arith.constant 1664 : i32
        %parallel_loop3A_960 = arith.addi %parallel_loop3A_959, %parallel_loop3A_896 : i32
        %parallel_loop3A_961 = arith.index_cast %parallel_loop3A_960 : i32 to index
        %parallel_loop3A_962 = tpu.vector_load %arg13[%parallel_loop3A_961] {strides = array<i32>} : memref<2048xf32, #tpu.memory_space<vmem>>, vector<16xf32>,
        %parallel_loop3A_963 = arith.addf %parallel_loop3A_958, %parallel_loop3A_962 : vector<16xf32>
        %parallel_loop3A_964 = arith.constant 1792 : i32
        %parallel_loop3A_965 = arith.addi %parallel_loop3A_964, %parallel_loop3A_896 : i32
        %parallel_loop3A_966 = arith.index_cast %parallel_loop3A_965 : i32 to index
        %parallel_loop3A_967 = tpu.vector_load %arg13[%parallel_loop3A_966] {strides = array<i32>} : memref<2048xf32, #tpu.memory_space<vmem>>, vector<16xf32>,
        %parallel_loop3A_968 = arith.addf %parallel_loop3A_963, %parallel_loop3A_967 : vector<16xf32>
        %parallel_loop3A_969 = arith.constant 1920 : i32
        %parallel_loop3A_970 = arith.addi %parallel_loop3A_969, %parallel_loop3A_896 : i32
        %parallel_loop3A_971 = arith.index_cast %parallel_loop3A_970 : i32 to index
        %parallel_loop3A_972 = tpu.vector_load %arg13[%parallel_loop3A_971] {strides = array<i32>} : memref<2048xf32, #tpu.memory_space<vmem>>, vector<16xf32>,
        %parallel_loop3A_973 = arith.addf %parallel_loop3A_968, %parallel_loop3A_972 : vector<16xf32>
        %parallel_loop3A_974 = arith.index_cast %parallel_loop3A_896 : i32 to index
        %parallel_loop3A_975 = tpu.vector_load %arg13[%parallel_loop3A_974] {strides = array<i32>} : memref<2048xf32, #tpu.memory_space<vmem>>, vector<16xf32>,
        tpu.vector_store %arg13[%parallel_loop3A_974], %parallel_loop3A_973 {strides = array<i32>} : memref<2048xf32, #tpu.memory_space<vmem>>, vector<16xf32>,
      } {sc.loop_unroll_factor = 2 : i64, sc.parallel_access}
      %mul3A_887 = arith.constant 100352 : i32
      %mul3A_888 = arith.muli %arg0, %mul3A_887 : i32
      %mul3A_889 = arith.constant 2048 : i32
      %mul3A_890 = arith.muli %add3A_605, %mul3A_889 : i32
      %add3A_891 = arith.addi %mul3A_888, %mul3A_890 : i32
      %mul3A_892 = arith.constant 128 : i32
      %mul3A_893 = arith.muli %arg1, %mul3A_892 : i32
      %add3A_894 = arith.addi %add3A_891, %mul3A_893 : i32
      "tpu.region"() ({
        %run_scoped3A = tpu.sem_alloc : memref<!tpu.dma_semaphore, #tpu.memory_space<semaphore_mem>>
        %dma_start3A_896 = arith.constant 0 : i32
        %dma_start3A_897 = tpu.memref_slice %arg13[%dma_start3A_896] : memref<2048xf32, #tpu.memory_space<vmem>> -> memref<128xf32, #tpu.memory_space<vmem>>
        %dma_start3A_898 = tpu.memref_slice %arg5[%add3A_894] : memref<200704xf32, #tpu.memory_space<hbm>> -> memref<128xf32, #tpu.memory_space<hbm>>
        %dma_start3A_899 = tpu.memref_slice %arg5[%add3A_894] : memref<200704xf32, #tpu.memory_space<hbm>> -> memref<128xf32, #tpu.memory_space<hbm>>
        %dma_start3A_900 = arith.constant 0 : i32
        %dma_start3A_901 = tpu.memref_slice %arg13[%dma_start3A_900] : memref<2048xf32, #tpu.memory_space<vmem>> -> memref<128xf32, #tpu.memory_space<vmem>>
        tpu.enqueue_dma source(%dma_start3A_901 : memref<128xf32, #tpu.memory_space<vmem>>) target(%dma_start3A_899 : memref<128xf32, #tpu.memory_space<hbm>>) target_semaphore(%run_scoped3A : memref<!tpu.dma_semaphore, #tpu.memory_space<semaphore_mem>>)
        %dma_wait3A_902 = arith.constant 0 : i32
        %dma_wait3A_903 = tpu.memref_slice %arg13[%dma_wait3A_902] : memref<2048xf32, #tpu.memory_space<vmem>> -> memref<128xf32, #tpu.memory_space<vmem>>
        %dma_wait3A_904 = tpu.memref_slice %arg5[%add3A_894] : memref<200704xf32, #tpu.memory_space<hbm>> -> memref<128xf32, #tpu.memory_space<hbm>>
        %dma_wait3A_905 = tpu.memref_slice %arg5[%add3A_894] : memref<200704xf32, #tpu.memory_space<hbm>> -> memref<128xf32, #tpu.memory_space<hbm>>
        %dma_wait3A_906 = arith.constant 0 : i32
        %dma_wait3A_907 = tpu.memref_slice %arg13[%dma_wait3A_906] : memref<2048xf32, #tpu.memory_space<vmem>> -> memref<128xf32, #tpu.memory_space<vmem>>
        tpu.wait_dma2 semaphore(%run_scoped3A : memref<!tpu.dma_semaphore, #tpu.memory_space<semaphore_mem>>) src(%dma_wait3A_907 : memref<128xf32, #tpu.memory_space<vmem>>) dst(%dma_wait3A_905 : memref<128xf32, #tpu.memory_space<hbm>>)
        tpu.yield
      }) : () -> ()
      %barrier3A_895 = arith.constant 0 : index
      tpu.barrier barrier_id(%barrier3A_895)
    }
    %scan3A_27 = arith.constant 24 : i32
    %mul3A_28 = arith.constant 2048 : i32
    %mul3A_29 = arith.muli %arg1, %mul3A_28 : i32
    %add3A_30 = arith.constant 0 : i32
    %add3A_31 = arith.addi %add3A_30, %mul3A_29 : i32
    %dma_wait3A = arith.constant 98304 : i32
    %dma_wait3A_32 = tpu.memref_slice %arg12[%dma_wait3A] : memref<100352xf32, #tpu.memory_space<vmem>> -> memref<2048xf32, #tpu.memory_space<vmem>>
    %dma_wait3A_33 = tpu.memref_slice %arg14[%add3A_31] : memref<65536xf32, #tpu.memory_space<vmem_shared>> -> memref<2048xf32, #tpu.memory_space<vmem_shared>>
    %dma_wait3A_34 = tpu.memref_slice %arg14[%add3A_31] : memref<65536xf32, #tpu.memory_space<vmem_shared>> -> memref<2048xf32, #tpu.memory_space<vmem_shared>>
    %dma_wait3A_35 = arith.constant 98304 : i32
    %dma_wait3A_36 = tpu.memref_slice %arg12[%dma_wait3A_35] : memref<100352xf32, #tpu.memory_space<vmem>> -> memref<2048xf32, #tpu.memory_space<vmem>>
    tpu.wait_dma2 semaphore(%arg22 : memref<!tpu.dma_semaphore, #tpu.memory_space<semaphore_mem>>) src(%dma_wait3A_36 : memref<2048xf32, #tpu.memory_space<vmem>>) dst(%dma_wait3A_34 : memref<2048xf32, #tpu.memory_space<vmem_shared>>)
    %barrier3A = arith.constant 0 : index
    tpu.barrier barrier_id(%barrier3A)
    %mul3A_37 = arith.constant 128 : i32
    %mul3A_38 = arith.muli %arg1, %mul3A_37 : i32
    %add3A_39 = arith.constant 0 : i32
    %add3A_40 = arith.addi %add3A_39, %mul3A_38 : i32
    %add3A_41 = arith.constant 0 : i32
    %add3A_42 = arith.addi %add3A_41, %add3A_40 : i32
    %dma_start3A_43 = arith.constant 0 : i32
    %dma_start3A_44 = tpu.memref_slice %arg13[%dma_start3A_43] : memref<2048xf32, #tpu.memory_space<vmem>> -> memref<128xf32, #tpu.memory_space<vmem>>
    %dma_start3A_45 = tpu.memref_slice %arg14[%add3A_42] : memref<65536xf32, #tpu.memory_space<vmem_shared>> -> memref<128xf32, #tpu.memory_space<vmem_shared>>
    %dma_start3A_46 = arith.constant 0 : i32
    %dma_start3A_47 = tpu.memref_slice %arg13[%dma_start3A_46] : memref<2048xf32, #tpu.memory_space<vmem>> -> memref<128xf32, #tpu.memory_space<vmem>>
    %dma_start3A_48 = tpu.memref_slice %arg14[%add3A_42] : memref<65536xf32, #tpu.memory_space<vmem_shared>> -> memref<128xf32, #tpu.memory_space<vmem_shared>>
    tpu.enqueue_dma source(%dma_start3A_48 : memref<128xf32, #tpu.memory_space<vmem_shared>>) target(%dma_start3A_47 : memref<128xf32, #tpu.memory_space<vmem>>) target_semaphore(%arg21 : memref<!tpu.dma_semaphore, #tpu.memory_space<semaphore_mem>>)
    %add3A_49 = arith.constant 2048 : i32
    %add3A_50 = arith.addi %add3A_49, %add3A_40 : i32
    %dma_start3A_51 = arith.constant 128 : i32
    %dma_start3A_52 = tpu.memref_slice %arg13[%dma_start3A_51] : memref<2048xf32, #tpu.memory_space<vmem>> -> memref<128xf32, #tpu.memory_space<vmem>>
    %dma_start3A_53 = tpu.memref_slice %arg14[%add3A_50] : memref<65536xf32, #tpu.memory_space<vmem_shared>> -> memref<128xf32, #tpu.memory_space<vmem_shared>>
    %dma_start3A_54 = arith.constant 128 : i32
    %dma_start3A_55 = tpu.memref_slice %arg13[%dma_start3A_54] : memref<2048xf32, #tpu.memory_space<vmem>> -> memref<128xf32, #tpu.memory_space<vmem>>
    %dma_start3A_56 = tpu.memref_slice %arg14[%add3A_50] : memref<65536xf32, #tpu.memory_space<vmem_shared>> -> memref<128xf32, #tpu.memory_space<vmem_shared>>
    tpu.enqueue_dma source(%dma_start3A_56 : memref<128xf32, #tpu.memory_space<vmem_shared>>) target(%dma_start3A_55 : memref<128xf32, #tpu.memory_space<vmem>>) target_semaphore(%arg21 : memref<!tpu.dma_semaphore, #tpu.memory_space<semaphore_mem>>)
    %add3A_57 = arith.constant 4096 : i32
    %add3A_58 = arith.addi %add3A_57, %add3A_40 : i32
    %dma_start3A_59 = arith.constant 256 : i32
    %dma_start3A_60 = tpu.memref_slice %arg13[%dma_start3A_59] : memref<2048xf32, #tpu.memory_space<vmem>> -> memref<128xf32, #tpu.memory_space<vmem>>
    %dma_start3A_61 = tpu.memref_slice %arg14[%add3A_58] : memref<65536xf32, #tpu.memory_space<vmem_shared>> -> memref<128xf32, #tpu.memory_space<vmem_shared>>
    %dma_start3A_62 = arith.constant 256 : i32
    %dma_start3A_63 = tpu.memref_slice %arg13[%dma_start3A_62] : memref<2048xf32, #tpu.memory_space<vmem>> -> memref<128xf32, #tpu.memory_space<vmem>>
    %dma_start3A_64 = tpu.memref_slice %arg14[%add3A_58] : memref<65536xf32, #tpu.memory_space<vmem_shared>> -> memref<128xf32, #tpu.memory_space<vmem_shared>>
    tpu.enqueue_dma source(%dma_start3A_64 : memref<128xf32, #tpu.memory_space<vmem_shared>>) target(%dma_start3A_63 : memref<128xf32, #tpu.memory_space<vmem>>) target_semaphore(%arg21 : memref<!tpu.dma_semaphore, #tpu.memory_space<semaphore_mem>>)
    %add3A_65 = arith.constant 6144 : i32
    %add3A_66 = arith.addi %add3A_65, %add3A_40 : i32
    %dma_start3A_67 = arith.constant 384 : i32
    %dma_start3A_68 = tpu.memref_slice %arg13[%dma_start3A_67] : memref<2048xf32, #tpu.memory_space<vmem>> -> memref<128xf32, #tpu.memory_space<vmem>>
    %dma_start3A_69 = tpu.memref_slice %arg14[%add3A_66] : memref<65536xf32, #tpu.memory_space<vmem_shared>> -> memref<128xf32, #tpu.memory_space<vmem_shared>>
    %dma_start3A_70 = arith.constant 384 : i32
    %dma_start3A_71 = tpu.memref_slice %arg13[%dma_start3A_70] : memref<2048xf32, #tpu.memory_space<vmem>> -> memref<128xf32, #tpu.memory_space<vmem>>
    %dma_start3A_72 = tpu.memref_slice %arg14[%add3A_66] : memref<65536xf32, #tpu.memory_space<vmem_shared>> -> memref<128xf32, #tpu.memory_space<vmem_shared>>
    tpu.enqueue_dma source(%dma_start3A_72 : memref<128xf32, #tpu.memory_space<vmem_shared>>) target(%dma_start3A_71 : memref<128xf32, #tpu.memory_space<vmem>>) target_semaphore(%arg21 : memref<!tpu.dma_semaphore, #tpu.memory_space<semaphore_mem>>)
    %add3A_73 = arith.constant 8192 : i32
    %add3A_74 = arith.addi %add3A_73, %add3A_40 : i32
    %dma_start3A_75 = arith.constant 512 : i32
    %dma_start3A_76 = tpu.memref_slice %arg13[%dma_start3A_75] : memref<2048xf32, #tpu.memory_space<vmem>> -> memref<128xf32, #tpu.memory_space<vmem>>
    %dma_start3A_77 = tpu.memref_slice %arg14[%add3A_74] : memref<65536xf32, #tpu.memory_space<vmem_shared>> -> memref<128xf32, #tpu.memory_space<vmem_shared>>
    %dma_start3A_78 = arith.constant 512 : i32
    %dma_start3A_79 = tpu.memref_slice %arg13[%dma_start3A_78] : memref<2048xf32, #tpu.memory_space<vmem>> -> memref<128xf32, #tpu.memory_space<vmem>>
    %dma_start3A_80 = tpu.memref_slice %arg14[%add3A_74] : memref<65536xf32, #tpu.memory_space<vmem_shared>> -> memref<128xf32, #tpu.memory_space<vmem_shared>>
    tpu.enqueue_dma source(%dma_start3A_80 : memref<128xf32, #tpu.memory_space<vmem_shared>>) target(%dma_start3A_79 : memref<128xf32, #tpu.memory_space<vmem>>) target_semaphore(%arg21 : memref<!tpu.dma_semaphore, #tpu.memory_space<semaphore_mem>>)
    %add3A_81 = arith.constant 10240 : i32
    %add3A_82 = arith.addi %add3A_81, %add3A_40 : i32
    %dma_start3A_83 = arith.constant 640 : i32
    %dma_start3A_84 = tpu.memref_slice %arg13[%dma_start3A_83] : memref<2048xf32, #tpu.memory_space<vmem>> -> memref<128xf32, #tpu.memory_space<vmem>>
    %dma_start3A_85 = tpu.memref_slice %arg14[%add3A_82] : memref<65536xf32, #tpu.memory_space<vmem_shared>> -> memref<128xf32, #tpu.memory_space<vmem_shared>>
    %dma_start3A_86 = arith.constant 640 : i32
    %dma_start3A_87 = tpu.memref_slice %arg13[%dma_start3A_86] : memref<2048xf32, #tpu.memory_space<vmem>> -> memref<128xf32, #tpu.memory_space<vmem>>
    %dma_start3A_88 = tpu.memref_slice %arg14[%add3A_82] : memref<65536xf32, #tpu.memory_space<vmem_shared>> -> memref<128xf32, #tpu.memory_space<vmem_shared>>
    tpu.enqueue_dma source(%dma_start3A_88 : memref<128xf32, #tpu.memory_space<vmem_shared>>) target(%dma_start3A_87 : memref<128xf32, #tpu.memory_space<vmem>>) target_semaphore(%arg21 : memref<!tpu.dma_semaphore, #tpu.memory_space<semaphore_mem>>)
    %add3A_89 = arith.constant 12288 : i32
    %add3A_90 = arith.addi %add3A_89, %add3A_40 : i32
    %dma_start3A_91 = arith.constant 768 : i32
    %dma_start3A_92 = tpu.memref_slice %arg13[%dma_start3A_91] : memref<2048xf32, #tpu.memory_space<vmem>> -> memref<128xf32, #tpu.memory_space<vmem>>
    %dma_start3A_93 = tpu.memref_slice %arg14[%add3A_90] : memref<65536xf32, #tpu.memory_space<vmem_shared>> -> memref<128xf32, #tpu.memory_space<vmem_shared>>
    %dma_start3A_94 = arith.constant 768 : i32
    %dma_start3A_95 = tpu.memref_slice %arg13[%dma_start3A_94] : memref<2048xf32, #tpu.memory_space<vmem>> -> memref<128xf32, #tpu.memory_space<vmem>>
    %dma_start3A_96 = tpu.memref_slice %arg14[%add3A_90] : memref<65536xf32, #tpu.memory_space<vmem_shared>> -> memref<128xf32, #tpu.memory_space<vmem_shared>>
    tpu.enqueue_dma source(%dma_start3A_96 : memref<128xf32, #tpu.memory_space<vmem_shared>>) target(%dma_start3A_95 : memref<128xf32, #tpu.memory_space<vmem>>) target_semaphore(%arg21 : memref<!tpu.dma_semaphore, #tpu.memory_space<semaphore_mem>>)
    %add3A_97 = arith.constant 14336 : i32
    %add3A_98 = arith.addi %add3A_97, %add3A_40 : i32
    %dma_start3A_99 = arith.constant 896 : i32
    %dma_start3A_100 = tpu.memref_slice %arg13[%dma_start3A_99] : memref<2048xf32, #tpu.memory_space<vmem>> -> memref<128xf32, #tpu.memory_space<vmem>>
    %dma_start3A_101 = tpu.memref_slice %arg14[%add3A_98] : memref<65536xf32, #tpu.memory_space<vmem_shared>> -> memref<128xf32, #tpu.memory_space<vmem_shared>>
    %dma_start3A_102 = arith.constant 896 : i32
    %dma_start3A_103 = tpu.memref_slice %arg13[%dma_start3A_102] : memref<2048xf32, #tpu.memory_space<vmem>> -> memref<128xf32, #tpu.memory_space<vmem>>
    %dma_start3A_104 = tpu.memref_slice %arg14[%add3A_98] : memref<65536xf32, #tpu.memory_space<vmem_shared>> -> memref<128xf32, #tpu.memory_space<vmem_shared>>
    tpu.enqueue_dma source(%dma_start3A_104 : memref<128xf32, #tpu.memory_space<vmem_shared>>) target(%dma_start3A_103 : memref<128xf32, #tpu.memory_space<vmem>>) target_semaphore(%arg21 : memref<!tpu.dma_semaphore, #tpu.memory_space<semaphore_mem>>)
    %add3A_105 = arith.constant 16384 : i32
    %add3A_106 = arith.addi %add3A_105, %add3A_40 : i32
    %dma_start3A_107 = arith.constant 1024 : i32
    %dma_start3A_108 = tpu.memref_slice %arg13[%dma_start3A_107] : memref<2048xf32, #tpu.memory_space<vmem>> -> memref<128xf32, #tpu.memory_space<vmem>>
    %dma_start3A_109 = tpu.memref_slice %arg14[%add3A_106] : memref<65536xf32, #tpu.memory_space<vmem_shared>> -> memref<128xf32, #tpu.memory_space<vmem_shared>>
    %dma_start3A_110 = arith.constant 1024 : i32
    %dma_start3A_111 = tpu.memref_slice %arg13[%dma_start3A_110] : memref<2048xf32, #tpu.memory_space<vmem>> -> memref<128xf32, #tpu.memory_space<vmem>>
    %dma_start3A_112 = tpu.memref_slice %arg14[%add3A_106] : memref<65536xf32, #tpu.memory_space<vmem_shared>> -> memref<128xf32, #tpu.memory_space<vmem_shared>>
    tpu.enqueue_dma source(%dma_start3A_112 : memref<128xf32, #tpu.memory_space<vmem_shared>>) target(%dma_start3A_111 : memref<128xf32, #tpu.memory_space<vmem>>) target_semaphore(%arg21 : memref<!tpu.dma_semaphore, #tpu.memory_space<semaphore_mem>>)
    %add3A_113 = arith.constant 18432 : i32
    %add3A_114 = arith.addi %add3A_113, %add3A_40 : i32
    %dma_start3A_115 = arith.constant 1152 : i32
    %dma_start3A_116 = tpu.memref_slice %arg13[%dma_start3A_115] : memref<2048xf32, #tpu.memory_space<vmem>> -> memref<128xf32, #tpu.memory_space<vmem>>
    %dma_start3A_117 = tpu.memref_slice %arg14[%add3A_114] : memref<65536xf32, #tpu.memory_space<vmem_shared>> -> memref<128xf32, #tpu.memory_space<vmem_shared>>
    %dma_start3A_118 = arith.constant 1152 : i32
    %dma_start3A_119 = tpu.memref_slice %arg13[%dma_start3A_118] : memref<2048xf32, #tpu.memory_space<vmem>> -> memref<128xf32, #tpu.memory_space<vmem>>
    %dma_start3A_120 = tpu.memref_slice %arg14[%add3A_114] : memref<65536xf32, #tpu.memory_space<vmem_shared>> -> memref<128xf32, #tpu.memory_space<vmem_shared>>
    tpu.enqueue_dma source(%dma_start3A_120 : memref<128xf32, #tpu.memory_space<vmem_shared>>) target(%dma_start3A_119 : memref<128xf32, #tpu.memory_space<vmem>>) target_semaphore(%arg21 : memref<!tpu.dma_semaphore, #tpu.memory_space<semaphore_mem>>)
    %add3A_121 = arith.constant 20480 : i32
    %add3A_122 = arith.addi %add3A_121, %add3A_40 : i32
    %dma_start3A_123 = arith.constant 1280 : i32
    %dma_start3A_124 = tpu.memref_slice %arg13[%dma_start3A_123] : memref<2048xf32, #tpu.memory_space<vmem>> -> memref<128xf32, #tpu.memory_space<vmem>>
    %dma_start3A_125 = tpu.memref_slice %arg14[%add3A_122] : memref<65536xf32, #tpu.memory_space<vmem_shared>> -> memref<128xf32, #tpu.memory_space<vmem_shared>>
    %dma_start3A_126 = arith.constant 1280 : i32
    %dma_start3A_127 = tpu.memref_slice %arg13[%dma_start3A_126] : memref<2048xf32, #tpu.memory_space<vmem>> -> memref<128xf32, #tpu.memory_space<vmem>>
    %dma_start3A_128 = tpu.memref_slice %arg14[%add3A_122] : memref<65536xf32, #tpu.memory_space<vmem_shared>> -> memref<128xf32, #tpu.memory_space<vmem_shared>>
    tpu.enqueue_dma source(%dma_start3A_128 : memref<128xf32, #tpu.memory_space<vmem_shared>>) target(%dma_start3A_127 : memref<128xf32, #tpu.memory_space<vmem>>) target_semaphore(%arg21 : memref<!tpu.dma_semaphore, #tpu.memory_space<semaphore_mem>>)
    %add3A_129 = arith.constant 22528 : i32
    %add3A_130 = arith.addi %add3A_129, %add3A_40 : i32
    %dma_start3A_131 = arith.constant 1408 : i32
    %dma_start3A_132 = tpu.memref_slice %arg13[%dma_start3A_131] : memref<2048xf32, #tpu.memory_space<vmem>> -> memref<128xf32, #tpu.memory_space<vmem>>
    %dma_start3A_133 = tpu.memref_slice %arg14[%add3A_130] : memref<65536xf32, #tpu.memory_space<vmem_shared>> -> memref<128xf32, #tpu.memory_space<vmem_shared>>
    %dma_start3A_134 = arith.constant 1408 : i32
    %dma_start3A_135 = tpu.memref_slice %arg13[%dma_start3A_134] : memref<2048xf32, #tpu.memory_space<vmem>> -> memref<128xf32, #tpu.memory_space<vmem>>
    %dma_start3A_136 = tpu.memref_slice %arg14[%add3A_130] : memref<65536xf32, #tpu.memory_space<vmem_shared>> -> memref<128xf32, #tpu.memory_space<vmem_shared>>
    tpu.enqueue_dma source(%dma_start3A_136 : memref<128xf32, #tpu.memory_space<vmem_shared>>) target(%dma_start3A_135 : memref<128xf32, #tpu.memory_space<vmem>>) target_semaphore(%arg21 : memref<!tpu.dma_semaphore, #tpu.memory_space<semaphore_mem>>)
    %add3A_137 = arith.constant 24576 : i32
    %add3A_138 = arith.addi %add3A_137, %add3A_40 : i32
    %dma_start3A_139 = arith.constant 1536 : i32
    %dma_start3A_140 = tpu.memref_slice %arg13[%dma_start3A_139] : memref<2048xf32, #tpu.memory_space<vmem>> -> memref<128xf32, #tpu.memory_space<vmem>>
    %dma_start3A_141 = tpu.memref_slice %arg14[%add3A_138] : memref<65536xf32, #tpu.memory_space<vmem_shared>> -> memref<128xf32, #tpu.memory_space<vmem_shared>>
    %dma_start3A_142 = arith.constant 1536 : i32
    %dma_start3A_143 = tpu.memref_slice %arg13[%dma_start3A_142] : memref<2048xf32, #tpu.memory_space<vmem>> -> memref<128xf32, #tpu.memory_space<vmem>>
    %dma_start3A_144 = tpu.memref_slice %arg14[%add3A_138] : memref<65536xf32, #tpu.memory_space<vmem_shared>> -> memref<128xf32, #tpu.memory_space<vmem_shared>>
    tpu.enqueue_dma source(%dma_start3A_144 : memref<128xf32, #tpu.memory_space<vmem_shared>>) target(%dma_start3A_143 : memref<128xf32, #tpu.memory_space<vmem>>) target_semaphore(%arg21 : memref<!tpu.dma_semaphore, #tpu.memory_space<semaphore_mem>>)
    %add3A_145 = arith.constant 26624 : i32
    %add3A_146 = arith.addi %add3A_145, %add3A_40 : i32
    %dma_start3A_147 = arith.constant 1664 : i32
    %dma_start3A_148 = tpu.memref_slice %arg13[%dma_start3A_147] : memref<2048xf32, #tpu.memory_space<vmem>> -> memref<128xf32, #tpu.memory_space<vmem>>
    %dma_start3A_149 = tpu.memref_slice %arg14[%add3A_146] : memref<65536xf32, #tpu.memory_space<vmem_shared>> -> memref<128xf32, #tpu.memory_space<vmem_shared>>
    %dma_start3A_150 = arith.constant 1664 : i32
    %dma_start3A_151 = tpu.memref_slice %arg13[%dma_start3A_150] : memref<2048xf32, #tpu.memory_space<vmem>> -> memref<128xf32, #tpu.memory_space<vmem>>
    %dma_start3A_152 = tpu.memref_slice %arg14[%add3A_146] : memref<65536xf32, #tpu.memory_space<vmem_shared>> -> memref<128xf32, #tpu.memory_space<vmem_shared>>
    tpu.enqueue_dma source(%dma_start3A_152 : memref<128xf32, #tpu.memory_space<vmem_shared>>) target(%dma_start3A_151 : memref<128xf32, #tpu.memory_space<vmem>>) target_semaphore(%arg21 : memref<!tpu.dma_semaphore, #tpu.memory_space<semaphore_mem>>)
    %add3A_153 = arith.constant 28672 : i32
    %add3A_154 = arith.addi %add3A_153, %add3A_40 : i32
    %dma_start3A_155 = arith.constant 1792 : i32
    %dma_start3A_156 = tpu.memref_slice %arg13[%dma_start3A_155] : memref<2048xf32, #tpu.memory_space<vmem>> -> memref<128xf32, #tpu.memory_space<vmem>>
    %dma_start3A_157 = tpu.memref_slice %arg14[%add3A_154] : memref<65536xf32, #tpu.memory_space<vmem_shared>> -> memref<128xf32, #tpu.memory_space<vmem_shared>>
    %dma_start3A_158 = arith.constant 1792 : i32
    %dma_start3A_159 = tpu.memref_slice %arg13[%dma_start3A_158] : memref<2048xf32, #tpu.memory_space<vmem>> -> memref<128xf32, #tpu.memory_space<vmem>>
    %dma_start3A_160 = tpu.memref_slice %arg14[%add3A_154] : memref<65536xf32, #tpu.memory_space<vmem_shared>> -> memref<128xf32, #tpu.memory_space<vmem_shared>>
    tpu.enqueue_dma source(%dma_start3A_160 : memref<128xf32, #tpu.memory_space<vmem_shared>>) target(%dma_start3A_159 : memref<128xf32, #tpu.memory_space<vmem>>) target_semaphore(%arg21 : memref<!tpu.dma_semaphore, #tpu.memory_space<semaphore_mem>>)
    %add3A_161 = arith.constant 30720 : i32
    %add3A_162 = arith.addi %add3A_161, %add3A_40 : i32
    %dma_start3A_163 = arith.constant 1920 : i32
    %dma_start3A_164 = tpu.memref_slice %arg13[%dma_start3A_163] : memref<2048xf32, #tpu.memory_space<vmem>> -> memref<128xf32, #tpu.memory_space<vmem>>
    %dma_start3A_165 = tpu.memref_slice %arg14[%add3A_162] : memref<65536xf32, #tpu.memory_space<vmem_shared>> -> memref<128xf32, #tpu.memory_space<vmem_shared>>
    %dma_start3A_166 = arith.constant 1920 : i32
    %dma_start3A_167 = tpu.memref_slice %arg13[%dma_start3A_166] : memref<2048xf32, #tpu.memory_space<vmem>> -> memref<128xf32, #tpu.memory_space<vmem>>
    %dma_start3A_168 = tpu.memref_slice %arg14[%add3A_162] : memref<65536xf32, #tpu.memory_space<vmem_shared>> -> memref<128xf32, #tpu.memory_space<vmem_shared>>
    tpu.enqueue_dma source(%dma_start3A_168 : memref<128xf32, #tpu.memory_space<vmem_shared>>) target(%dma_start3A_167 : memref<128xf32, #tpu.memory_space<vmem>>) target_semaphore(%arg21 : memref<!tpu.dma_semaphore, #tpu.memory_space<semaphore_mem>>)
    %add3A_169 = arith.constant 0 : i32
    %add3A_170 = arith.addi %add3A_169, %add3A_40 : i32
    %dma_wait3A_171 = arith.constant 0 : i32
    %dma_wait3A_172 = tpu.memref_slice %arg13[%dma_wait3A_171] : memref<2048xf32, #tpu.memory_space<vmem>> -> memref<128xf32, #tpu.memory_space<vmem>>
    %dma_wait3A_173 = tpu.memref_slice %arg14[%add3A_170] : memref<65536xf32, #tpu.memory_space<vmem_shared>> -> memref<128xf32, #tpu.memory_space<vmem_shared>>
    %dma_wait3A_174 = arith.constant 0 : i32
    %dma_wait3A_175 = tpu.memref_slice %arg13[%dma_wait3A_174] : memref<2048xf32, #tpu.memory_space<vmem>> -> memref<128xf32, #tpu.memory_space<vmem>>
    %dma_wait3A_176 = tpu.memref_slice %arg14[%add3A_170] : memref<65536xf32, #tpu.memory_space<vmem_shared>> -> memref<128xf32, #tpu.memory_space<vmem_shared>>
    tpu.wait_dma2 semaphore(%arg21 : memref<!tpu.dma_semaphore, #tpu.memory_space<semaphore_mem>>) src(%dma_wait3A_176 : memref<128xf32, #tpu.memory_space<vmem_shared>>) dst(%dma_wait3A_175 : memref<128xf32, #tpu.memory_space<vmem>>)
    %add3A_177 = arith.constant 2048 : i32
    %add3A_178 = arith.addi %add3A_177, %add3A_40 : i32
    %dma_wait3A_179 = arith.constant 128 : i32
    %dma_wait3A_180 = tpu.memref_slice %arg13[%dma_wait3A_179] : memref<2048xf32, #tpu.memory_space<vmem>> -> memref<128xf32, #tpu.memory_space<vmem>>
    %dma_wait3A_181 = tpu.memref_slice %arg14[%add3A_178] : memref<65536xf32, #tpu.memory_space<vmem_shared>> -> memref<128xf32, #tpu.memory_space<vmem_shared>>
    %dma_wait3A_182 = arith.constant 128 : i32
    %dma_wait3A_183 = tpu.memref_slice %arg13[%dma_wait3A_182] : memref<2048xf32, #tpu.memory_space<vmem>> -> memref<128xf32, #tpu.memory_space<vmem>>
    %dma_wait3A_184 = tpu.memref_slice %arg14[%add3A_178] : memref<65536xf32, #tpu.memory_space<vmem_shared>> -> memref<128xf32, #tpu.memory_space<vmem_shared>>
    tpu.wait_dma2 semaphore(%arg21 : memref<!tpu.dma_semaphore, #tpu.memory_space<semaphore_mem>>) src(%dma_wait3A_184 : memref<128xf32, #tpu.memory_space<vmem_shared>>) dst(%dma_wait3A_183 : memref<128xf32, #tpu.memory_space<vmem>>)
    %add3A_185 = arith.constant 4096 : i32
    %add3A_186 = arith.addi %add3A_185, %add3A_40 : i32
    %dma_wait3A_187 = arith.constant 256 : i32
    %dma_wait3A_188 = tpu.memref_slice %arg13[%dma_wait3A_187] : memref<2048xf32, #tpu.memory_space<vmem>> -> memref<128xf32, #tpu.memory_space<vmem>>
    %dma_wait3A_189 = tpu.memref_slice %arg14[%add3A_186] : memref<65536xf32, #tpu.memory_space<vmem_shared>> -> memref<128xf32, #tpu.memory_space<vmem_shared>>
    %dma_wait3A_190 = arith.constant 256 : i32
    %dma_wait3A_191 = tpu.memref_slice %arg13[%dma_wait3A_190] : memref<2048xf32, #tpu.memory_space<vmem>> -> memref<128xf32, #tpu.memory_space<vmem>>
    %dma_wait3A_192 = tpu.memref_slice %arg14[%add3A_186] : memref<65536xf32, #tpu.memory_space<vmem_shared>> -> memref<128xf32, #tpu.memory_space<vmem_shared>>
    tpu.wait_dma2 semaphore(%arg21 : memref<!tpu.dma_semaphore, #tpu.memory_space<semaphore_mem>>) src(%dma_wait3A_192 : memref<128xf32, #tpu.memory_space<vmem_shared>>) dst(%dma_wait3A_191 : memref<128xf32, #tpu.memory_space<vmem>>)
    %add3A_193 = arith.constant 6144 : i32
    %add3A_194 = arith.addi %add3A_193, %add3A_40 : i32
    %dma_wait3A_195 = arith.constant 384 : i32
    %dma_wait3A_196 = tpu.memref_slice %arg13[%dma_wait3A_195] : memref<2048xf32, #tpu.memory_space<vmem>> -> memref<128xf32, #tpu.memory_space<vmem>>
    %dma_wait3A_197 = tpu.memref_slice %arg14[%add3A_194] : memref<65536xf32, #tpu.memory_space<vmem_shared>> -> memref<128xf32, #tpu.memory_space<vmem_shared>>
    %dma_wait3A_198 = arith.constant 384 : i32
    %dma_wait3A_199 = tpu.memref_slice %arg13[%dma_wait3A_198] : memref<2048xf32, #tpu.memory_space<vmem>> -> memref<128xf32, #tpu.memory_space<vmem>>
    %dma_wait3A_200 = tpu.memref_slice %arg14[%add3A_194] : memref<65536xf32, #tpu.memory_space<vmem_shared>> -> memref<128xf32, #tpu.memory_space<vmem_shared>>
    tpu.wait_dma2 semaphore(%arg21 : memref<!tpu.dma_semaphore, #tpu.memory_space<semaphore_mem>>) src(%dma_wait3A_200 : memref<128xf32, #tpu.memory_space<vmem_shared>>) dst(%dma_wait3A_199 : memref<128xf32, #tpu.memory_space<vmem>>)
    %add3A_201 = arith.constant 8192 : i32
    %add3A_202 = arith.addi %add3A_201, %add3A_40 : i32
    %dma_wait3A_203 = arith.constant 512 : i32
    %dma_wait3A_204 = tpu.memref_slice %arg13[%dma_wait3A_203] : memref<2048xf32, #tpu.memory_space<vmem>> -> memref<128xf32, #tpu.memory_space<vmem>>
    %dma_wait3A_205 = tpu.memref_slice %arg14[%add3A_202] : memref<65536xf32, #tpu.memory_space<vmem_shared>> -> memref<128xf32, #tpu.memory_space<vmem_shared>>
    %dma_wait3A_206 = arith.constant 512 : i32
    %dma_wait3A_207 = tpu.memref_slice %arg13[%dma_wait3A_206] : memref<2048xf32, #tpu.memory_space<vmem>> -> memref<128xf32, #tpu.memory_space<vmem>>
    %dma_wait3A_208 = tpu.memref_slice %arg14[%add3A_202] : memref<65536xf32, #tpu.memory_space<vmem_shared>> -> memref<128xf32, #tpu.memory_space<vmem_shared>>
    tpu.wait_dma2 semaphore(%arg21 : memref<!tpu.dma_semaphore, #tpu.memory_space<semaphore_mem>>) src(%dma_wait3A_208 : memref<128xf32, #tpu.memory_space<vmem_shared>>) dst(%dma_wait3A_207 : memref<128xf32, #tpu.memory_space<vmem>>)
    %add3A_209 = arith.constant 10240 : i32
    %add3A_210 = arith.addi %add3A_209, %add3A_40 : i32
    %dma_wait3A_211 = arith.constant 640 : i32
    %dma_wait3A_212 = tpu.memref_slice %arg13[%dma_wait3A_211] : memref<2048xf32, #tpu.memory_space<vmem>> -> memref<128xf32, #tpu.memory_space<vmem>>
    %dma_wait3A_213 = tpu.memref_slice %arg14[%add3A_210] : memref<65536xf32, #tpu.memory_space<vmem_shared>> -> memref<128xf32, #tpu.memory_space<vmem_shared>>
    %dma_wait3A_214 = arith.constant 640 : i32
    %dma_wait3A_215 = tpu.memref_slice %arg13[%dma_wait3A_214] : memref<2048xf32, #tpu.memory_space<vmem>> -> memref<128xf32, #tpu.memory_space<vmem>>
    %dma_wait3A_216 = tpu.memref_slice %arg14[%add3A_210] : memref<65536xf32, #tpu.memory_space<vmem_shared>> -> memref<128xf32, #tpu.memory_space<vmem_shared>>
    tpu.wait_dma2 semaphore(%arg21 : memref<!tpu.dma_semaphore, #tpu.memory_space<semaphore_mem>>) src(%dma_wait3A_216 : memref<128xf32, #tpu.memory_space<vmem_shared>>) dst(%dma_wait3A_215 : memref<128xf32, #tpu.memory_space<vmem>>)
    %add3A_217 = arith.constant 12288 : i32
    %add3A_218 = arith.addi %add3A_217, %add3A_40 : i32
    %dma_wait3A_219 = arith.constant 768 : i32
    %dma_wait3A_220 = tpu.memref_slice %arg13[%dma_wait3A_219] : memref<2048xf32, #tpu.memory_space<vmem>> -> memref<128xf32, #tpu.memory_space<vmem>>
    %dma_wait3A_221 = tpu.memref_slice %arg14[%add3A_218] : memref<65536xf32, #tpu.memory_space<vmem_shared>> -> memref<128xf32, #tpu.memory_space<vmem_shared>>
    %dma_wait3A_222 = arith.constant 768 : i32
    %dma_wait3A_223 = tpu.memref_slice %arg13[%dma_wait3A_222] : memref<2048xf32, #tpu.memory_space<vmem>> -> memref<128xf32, #tpu.memory_space<vmem>>
    %dma_wait3A_224 = tpu.memref_slice %arg14[%add3A_218] : memref<65536xf32, #tpu.memory_space<vmem_shared>> -> memref<128xf32, #tpu.memory_space<vmem_shared>>
    tpu.wait_dma2 semaphore(%arg21 : memref<!tpu.dma_semaphore, #tpu.memory_space<semaphore_mem>>) src(%dma_wait3A_224 : memref<128xf32, #tpu.memory_space<vmem_shared>>) dst(%dma_wait3A_223 : memref<128xf32, #tpu.memory_space<vmem>>)
    %add3A_225 = arith.constant 14336 : i32
    %add3A_226 = arith.addi %add3A_225, %add3A_40 : i32
    %dma_wait3A_227 = arith.constant 896 : i32
    %dma_wait3A_228 = tpu.memref_slice %arg13[%dma_wait3A_227] : memref<2048xf32, #tpu.memory_space<vmem>> -> memref<128xf32, #tpu.memory_space<vmem>>
    %dma_wait3A_229 = tpu.memref_slice %arg14[%add3A_226] : memref<65536xf32, #tpu.memory_space<vmem_shared>> -> memref<128xf32, #tpu.memory_space<vmem_shared>>
    %dma_wait3A_230 = arith.constant 896 : i32
    %dma_wait3A_231 = tpu.memref_slice %arg13[%dma_wait3A_230] : memref<2048xf32, #tpu.memory_space<vmem>> -> memref<128xf32, #tpu.memory_space<vmem>>
    %dma_wait3A_232 = tpu.memref_slice %arg14[%add3A_226] : memref<65536xf32, #tpu.memory_space<vmem_shared>> -> memref<128xf32, #tpu.memory_space<vmem_shared>>
    tpu.wait_dma2 semaphore(%arg21 : memref<!tpu.dma_semaphore, #tpu.memory_space<semaphore_mem>>) src(%dma_wait3A_232 : memref<128xf32, #tpu.memory_space<vmem_shared>>) dst(%dma_wait3A_231 : memref<128xf32, #tpu.memory_space<vmem>>)
    %add3A_233 = arith.constant 16384 : i32
    %add3A_234 = arith.addi %add3A_233, %add3A_40 : i32
    %dma_wait3A_235 = arith.constant 1024 : i32
    %dma_wait3A_236 = tpu.memref_slice %arg13[%dma_wait3A_235] : memref<2048xf32, #tpu.memory_space<vmem>> -> memref<128xf32, #tpu.memory_space<vmem>>
    %dma_wait3A_237 = tpu.memref_slice %arg14[%add3A_234] : memref<65536xf32, #tpu.memory_space<vmem_shared>> -> memref<128xf32, #tpu.memory_space<vmem_shared>>
    %dma_wait3A_238 = arith.constant 1024 : i32
    %dma_wait3A_239 = tpu.memref_slice %arg13[%dma_wait3A_238] : memref<2048xf32, #tpu.memory_space<vmem>> -> memref<128xf32, #tpu.memory_space<vmem>>
    %dma_wait3A_240 = tpu.memref_slice %arg14[%add3A_234] : memref<65536xf32, #tpu.memory_space<vmem_shared>> -> memref<128xf32, #tpu.memory_space<vmem_shared>>
    tpu.wait_dma2 semaphore(%arg21 : memref<!tpu.dma_semaphore, #tpu.memory_space<semaphore_mem>>) src(%dma_wait3A_240 : memref<128xf32, #tpu.memory_space<vmem_shared>>) dst(%dma_wait3A_239 : memref<128xf32, #tpu.memory_space<vmem>>)
    %add3A_241 = arith.constant 18432 : i32
    %add3A_242 = arith.addi %add3A_241, %add3A_40 : i32
    %dma_wait3A_243 = arith.constant 1152 : i32
    %dma_wait3A_244 = tpu.memref_slice %arg13[%dma_wait3A_243] : memref<2048xf32, #tpu.memory_space<vmem>> -> memref<128xf32, #tpu.memory_space<vmem>>
    %dma_wait3A_245 = tpu.memref_slice %arg14[%add3A_242] : memref<65536xf32, #tpu.memory_space<vmem_shared>> -> memref<128xf32, #tpu.memory_space<vmem_shared>>
    %dma_wait3A_246 = arith.constant 1152 : i32
    %dma_wait3A_247 = tpu.memref_slice %arg13[%dma_wait3A_246] : memref<2048xf32, #tpu.memory_space<vmem>> -> memref<128xf32, #tpu.memory_space<vmem>>
    %dma_wait3A_248 = tpu.memref_slice %arg14[%add3A_242] : memref<65536xf32, #tpu.memory_space<vmem_shared>> -> memref<128xf32, #tpu.memory_space<vmem_shared>>
    tpu.wait_dma2 semaphore(%arg21 : memref<!tpu.dma_semaphore, #tpu.memory_space<semaphore_mem>>) src(%dma_wait3A_248 : memref<128xf32, #tpu.memory_space<vmem_shared>>) dst(%dma_wait3A_247 : memref<128xf32, #tpu.memory_space<vmem>>)
    %add3A_249 = arith.constant 20480 : i32
    %add3A_250 = arith.addi %add3A_249, %add3A_40 : i32
    %dma_wait3A_251 = arith.constant 1280 : i32
    %dma_wait3A_252 = tpu.memref_slice %arg13[%dma_wait3A_251] : memref<2048xf32, #tpu.memory_space<vmem>> -> memref<128xf32, #tpu.memory_space<vmem>>
    %dma_wait3A_253 = tpu.memref_slice %arg14[%add3A_250] : memref<65536xf32, #tpu.memory_space<vmem_shared>> -> memref<128xf32, #tpu.memory_space<vmem_shared>>
    %dma_wait3A_254 = arith.constant 1280 : i32
    %dma_wait3A_255 = tpu.memref_slice %arg13[%dma_wait3A_254] : memref<2048xf32, #tpu.memory_space<vmem>> -> memref<128xf32, #tpu.memory_space<vmem>>
    %dma_wait3A_256 = tpu.memref_slice %arg14[%add3A_250] : memref<65536xf32, #tpu.memory_space<vmem_shared>> -> memref<128xf32, #tpu.memory_space<vmem_shared>>
    tpu.wait_dma2 semaphore(%arg21 : memref<!tpu.dma_semaphore, #tpu.memory_space<semaphore_mem>>) src(%dma_wait3A_256 : memref<128xf32, #tpu.memory_space<vmem_shared>>) dst(%dma_wait3A_255 : memref<128xf32, #tpu.memory_space<vmem>>)
    %add3A_257 = arith.constant 22528 : i32
    %add3A_258 = arith.addi %add3A_257, %add3A_40 : i32
    %dma_wait3A_259 = arith.constant 1408 : i32
    %dma_wait3A_260 = tpu.memref_slice %arg13[%dma_wait3A_259] : memref<2048xf32, #tpu.memory_space<vmem>> -> memref<128xf32, #tpu.memory_space<vmem>>
    %dma_wait3A_261 = tpu.memref_slice %arg14[%add3A_258] : memref<65536xf32, #tpu.memory_space<vmem_shared>> -> memref<128xf32, #tpu.memory_space<vmem_shared>>
    %dma_wait3A_262 = arith.constant 1408 : i32
    %dma_wait3A_263 = tpu.memref_slice %arg13[%dma_wait3A_262] : memref<2048xf32, #tpu.memory_space<vmem>> -> memref<128xf32, #tpu.memory_space<vmem>>
    %dma_wait3A_264 = tpu.memref_slice %arg14[%add3A_258] : memref<65536xf32, #tpu.memory_space<vmem_shared>> -> memref<128xf32, #tpu.memory_space<vmem_shared>>
    tpu.wait_dma2 semaphore(%arg21 : memref<!tpu.dma_semaphore, #tpu.memory_space<semaphore_mem>>) src(%dma_wait3A_264 : memref<128xf32, #tpu.memory_space<vmem_shared>>) dst(%dma_wait3A_263 : memref<128xf32, #tpu.memory_space<vmem>>)
    %add3A_265 = arith.constant 24576 : i32
    %add3A_266 = arith.addi %add3A_265, %add3A_40 : i32
    %dma_wait3A_267 = arith.constant 1536 : i32
    %dma_wait3A_268 = tpu.memref_slice %arg13[%dma_wait3A_267] : memref<2048xf32, #tpu.memory_space<vmem>> -> memref<128xf32, #tpu.memory_space<vmem>>
    %dma_wait3A_269 = tpu.memref_slice %arg14[%add3A_266] : memref<65536xf32, #tpu.memory_space<vmem_shared>> -> memref<128xf32, #tpu.memory_space<vmem_shared>>
    %dma_wait3A_270 = arith.constant 1536 : i32
    %dma_wait3A_271 = tpu.memref_slice %arg13[%dma_wait3A_270] : memref<2048xf32, #tpu.memory_space<vmem>> -> memref<128xf32, #tpu.memory_space<vmem>>
    %dma_wait3A_272 = tpu.memref_slice %arg14[%add3A_266] : memref<65536xf32, #tpu.memory_space<vmem_shared>> -> memref<128xf32, #tpu.memory_space<vmem_shared>>
    tpu.wait_dma2 semaphore(%arg21 : memref<!tpu.dma_semaphore, #tpu.memory_space<semaphore_mem>>) src(%dma_wait3A_272 : memref<128xf32, #tpu.memory_space<vmem_shared>>) dst(%dma_wait3A_271 : memref<128xf32, #tpu.memory_space<vmem>>)
    %add3A_273 = arith.constant 26624 : i32
    %add3A_274 = arith.addi %add3A_273, %add3A_40 : i32
    %dma_wait3A_275 = arith.constant 1664 : i32
    %dma_wait3A_276 = tpu.memref_slice %arg13[%dma_wait3A_275] : memref<2048xf32, #tpu.memory_space<vmem>> -> memref<128xf32, #tpu.memory_space<vmem>>
    %dma_wait3A_277 = tpu.memref_slice %arg14[%add3A_274] : memref<65536xf32, #tpu.memory_space<vmem_shared>> -> memref<128xf32, #tpu.memory_space<vmem_shared>>
    %dma_wait3A_278 = arith.constant 1664 : i32
    %dma_wait3A_279 = tpu.memref_slice %arg13[%dma_wait3A_278] : memref<2048xf32, #tpu.memory_space<vmem>> -> memref<128xf32, #tpu.memory_space<vmem>>
    %dma_wait3A_280 = tpu.memref_slice %arg14[%add3A_274] : memref<65536xf32, #tpu.memory_space<vmem_shared>> -> memref<128xf32, #tpu.memory_space<vmem_shared>>
    tpu.wait_dma2 semaphore(%arg21 : memref<!tpu.dma_semaphore, #tpu.memory_space<semaphore_mem>>) src(%dma_wait3A_280 : memref<128xf32, #tpu.memory_space<vmem_shared>>) dst(%dma_wait3A_279 : memref<128xf32, #tpu.memory_space<vmem>>)
    %add3A_281 = arith.constant 28672 : i32
    %add3A_282 = arith.addi %add3A_281, %add3A_40 : i32
    %dma_wait3A_283 = arith.constant 1792 : i32
    %dma_wait3A_284 = tpu.memref_slice %arg13[%dma_wait3A_283] : memref<2048xf32, #tpu.memory_space<vmem>> -> memref<128xf32, #tpu.memory_space<vmem>>
    %dma_wait3A_285 = tpu.memref_slice %arg14[%add3A_282] : memref<65536xf32, #tpu.memory_space<vmem_shared>> -> memref<128xf32, #tpu.memory_space<vmem_shared>>
    %dma_wait3A_286 = arith.constant 1792 : i32
    %dma_wait3A_287 = tpu.memref_slice %arg13[%dma_wait3A_286] : memref<2048xf32, #tpu.memory_space<vmem>> -> memref<128xf32, #tpu.memory_space<vmem>>
    %dma_wait3A_288 = tpu.memref_slice %arg14[%add3A_282] : memref<65536xf32, #tpu.memory_space<vmem_shared>> -> memref<128xf32, #tpu.memory_space<vmem_shared>>
    tpu.wait_dma2 semaphore(%arg21 : memref<!tpu.dma_semaphore, #tpu.memory_space<semaphore_mem>>) src(%dma_wait3A_288 : memref<128xf32, #tpu.memory_space<vmem_shared>>) dst(%dma_wait3A_287 : memref<128xf32, #tpu.memory_space<vmem>>)
    %add3A_289 = arith.constant 30720 : i32
    %add3A_290 = arith.addi %add3A_289, %add3A_40 : i32
    %dma_wait3A_291 = arith.constant 1920 : i32
    %dma_wait3A_292 = tpu.memref_slice %arg13[%dma_wait3A_291] : memref<2048xf32, #tpu.memory_space<vmem>> -> memref<128xf32, #tpu.memory_space<vmem>>
    %dma_wait3A_293 = tpu.memref_slice %arg14[%add3A_290] : memref<65536xf32, #tpu.memory_space<vmem_shared>> -> memref<128xf32, #tpu.memory_space<vmem_shared>>
    %dma_wait3A_294 = arith.constant 1920 : i32
    %dma_wait3A_295 = tpu.memref_slice %arg13[%dma_wait3A_294] : memref<2048xf32, #tpu.memory_space<vmem>> -> memref<128xf32, #tpu.memory_space<vmem>>
    %dma_wait3A_296 = tpu.memref_slice %arg14[%add3A_290] : memref<65536xf32, #tpu.memory_space<vmem_shared>> -> memref<128xf32, #tpu.memory_space<vmem_shared>>
    tpu.wait_dma2 semaphore(%arg21 : memref<!tpu.dma_semaphore, #tpu.memory_space<semaphore_mem>>) src(%dma_wait3A_296 : memref<128xf32, #tpu.memory_space<vmem_shared>>) dst(%dma_wait3A_295 : memref<128xf32, #tpu.memory_space<vmem>>)
    %parallel_loop3A_297 = arith.constant 0 : i32
    %parallel_loop3A_298 = arith.constant 128 : i32
    %parallel_loop3A_299 = arith.constant 16 : i32
    scf.for %parallel_loop3A_307 = %parallel_loop3A_297 to %parallel_loop3A_298 step %parallel_loop3A_299  : i32 {
      %parallel_loop3A_308 = arith.index_cast %parallel_loop3A_307 : i32 to index
      %parallel_loop3A_309 = tpu.vector_load %arg13[%parallel_loop3A_308] {strides = array<i32>} : memref<2048xf32, #tpu.memory_space<vmem>>, vector<16xf32>,
      %parallel_loop3A_310 = arith.constant 128 : i32
      %parallel_loop3A_311 = arith.addi %parallel_loop3A_310, %parallel_loop3A_307 : i32
      %parallel_loop3A_312 = arith.index_cast %parallel_loop3A_311 : i32 to index
      %parallel_loop3A_313 = tpu.vector_load %arg13[%parallel_loop3A_312] {strides = array<i32>} : memref<2048xf32, #tpu.memory_space<vmem>>, vector<16xf32>,
      %parallel_loop3A_314 = arith.addf %parallel_loop3A_309, %parallel_loop3A_313 : vector<16xf32>
      %parallel_loop3A_315 = arith.constant 256 : i32
      %parallel_loop3A_316 = arith.addi %parallel_loop3A_315, %parallel_loop3A_307 : i32
      %parallel_loop3A_317 = arith.index_cast %parallel_loop3A_316 : i32 to index
      %parallel_loop3A_318 = tpu.vector_load %arg13[%parallel_loop3A_317] {strides = array<i32>} : memref<2048xf32, #tpu.memory_space<vmem>>, vector<16xf32>,
      %parallel_loop3A_319 = arith.addf %parallel_loop3A_314, %parallel_loop3A_318 : vector<16xf32>
      %parallel_loop3A_320 = arith.constant 384 : i32
      %parallel_loop3A_321 = arith.addi %parallel_loop3A_320, %parallel_loop3A_307 : i32
      %parallel_loop3A_322 = arith.index_cast %parallel_loop3A_321 : i32 to index
      %parallel_loop3A_323 = tpu.vector_load %arg13[%parallel_loop3A_322] {strides = array<i32>} : memref<2048xf32, #tpu.memory_space<vmem>>, vector<16xf32>,
      %parallel_loop3A_324 = arith.addf %parallel_loop3A_319, %parallel_loop3A_323 : vector<16xf32>
      %parallel_loop3A_325 = arith.constant 512 : i32
      %parallel_loop3A_326 = arith.addi %parallel_loop3A_325, %parallel_loop3A_307 : i32
      %parallel_loop3A_327 = arith.index_cast %parallel_loop3A_326 : i32 to index
      %parallel_loop3A_328 = tpu.vector_load %arg13[%parallel_loop3A_327] {strides = array<i32>} : memref<2048xf32, #tpu.memory_space<vmem>>, vector<16xf32>,
      %parallel_loop3A_329 = arith.addf %parallel_loop3A_324, %parallel_loop3A_328 : vector<16xf32>
      %parallel_loop3A_330 = arith.constant 640 : i32
      %parallel_loop3A_331 = arith.addi %parallel_loop3A_330, %parallel_loop3A_307 : i32
      %parallel_loop3A_332 = arith.index_cast %parallel_loop3A_331 : i32 to index
      %parallel_loop3A_333 = tpu.vector_load %arg13[%parallel_loop3A_332] {strides = array<i32>} : memref<2048xf32, #tpu.memory_space<vmem>>, vector<16xf32>,
      %parallel_loop3A_334 = arith.addf %parallel_loop3A_329, %parallel_loop3A_333 : vector<16xf32>
      %parallel_loop3A_335 = arith.constant 768 : i32
      %parallel_loop3A_336 = arith.addi %parallel_loop3A_335, %parallel_loop3A_307 : i32
      %parallel_loop3A_337 = arith.index_cast %parallel_loop3A_336 : i32 to index
      %parallel_loop3A_338 = tpu.vector_load %arg13[%parallel_loop3A_337] {strides = array<i32>} : memref<2048xf32, #tpu.memory_space<vmem>>, vector<16xf32>,
      %parallel_loop3A_339 = arith.addf %parallel_loop3A_334, %parallel_loop3A_338 : vector<16xf32>
      %parallel_loop3A_340 = arith.constant 896 : i32
      %parallel_loop3A_341 = arith.addi %parallel_loop3A_340, %parallel_loop3A_307 : i32
      %parallel_loop3A_342 = arith.index_cast %parallel_loop3A_341 : i32 to index
      %parallel_loop3A_343 = tpu.vector_load %arg13[%parallel_loop3A_342] {strides = array<i32>} : memref<2048xf32, #tpu.memory_space<vmem>>, vector<16xf32>,
      %parallel_loop3A_344 = arith.addf %parallel_loop3A_339, %parallel_loop3A_343 : vector<16xf32>
      %parallel_loop3A_345 = arith.constant 1024 : i32
      %parallel_loop3A_346 = arith.addi %parallel_loop3A_345, %parallel_loop3A_307 : i32
      %parallel_loop3A_347 = arith.index_cast %parallel_loop3A_346 : i32 to index
      %parallel_loop3A_348 = tpu.vector_load %arg13[%parallel_loop3A_347] {strides = array<i32>} : memref<2048xf32, #tpu.memory_space<vmem>>, vector<16xf32>,
      %parallel_loop3A_349 = arith.addf %parallel_loop3A_344, %parallel_loop3A_348 : vector<16xf32>
      %parallel_loop3A_350 = arith.constant 1152 : i32
      %parallel_loop3A_351 = arith.addi %parallel_loop3A_350, %parallel_loop3A_307 : i32
      %parallel_loop3A_352 = arith.index_cast %parallel_loop3A_351 : i32 to index
      %parallel_loop3A_353 = tpu.vector_load %arg13[%parallel_loop3A_352] {strides = array<i32>} : memref<2048xf32, #tpu.memory_space<vmem>>, vector<16xf32>,
      %parallel_loop3A_354 = arith.addf %parallel_loop3A_349, %parallel_loop3A_353 : vector<16xf32>
      %parallel_loop3A_355 = arith.constant 1280 : i32
      %parallel_loop3A_356 = arith.addi %parallel_loop3A_355, %parallel_loop3A_307 : i32
      %parallel_loop3A_357 = arith.index_cast %parallel_loop3A_356 : i32 to index
      %parallel_loop3A_358 = tpu.vector_load %arg13[%parallel_loop3A_357] {strides = array<i32>} : memref<2048xf32, #tpu.memory_space<vmem>>, vector<16xf32>,
      %parallel_loop3A_359 = arith.addf %parallel_loop3A_354, %parallel_loop3A_358 : vector<16xf32>
      %parallel_loop3A_360 = arith.constant 1408 : i32
      %parallel_loop3A_361 = arith.addi %parallel_loop3A_360, %parallel_loop3A_307 : i32
      %parallel_loop3A_362 = arith.index_cast %parallel_loop3A_361 : i32 to index
      %parallel_loop3A_363 = tpu.vector_load %arg13[%parallel_loop3A_362] {strides = array<i32>} : memref<2048xf32, #tpu.memory_space<vmem>>, vector<16xf32>,
      %parallel_loop3A_364 = arith.addf %parallel_loop3A_359, %parallel_loop3A_363 : vector<16xf32>
      %parallel_loop3A_365 = arith.constant 1536 : i32
      %parallel_loop3A_366 = arith.addi %parallel_loop3A_365, %parallel_loop3A_307 : i32
      %parallel_loop3A_367 = arith.index_cast %parallel_loop3A_366 : i32 to index
      %parallel_loop3A_368 = tpu.vector_load %arg13[%parallel_loop3A_367] {strides = array<i32>} : memref<2048xf32, #tpu.memory_space<vmem>>, vector<16xf32>,
      %parallel_loop3A_369 = arith.addf %parallel_loop3A_364, %parallel_loop3A_368 : vector<16xf32>
      %parallel_loop3A_370 = arith.constant 1664 : i32
      %parallel_loop3A_371 = arith.addi %parallel_loop3A_370, %parallel_loop3A_307 : i32
      %parallel_loop3A_372 = arith.index_cast %parallel_loop3A_371 : i32 to index
      %parallel_loop3A_373 = tpu.vector_load %arg13[%parallel_loop3A_372] {strides = array<i32>} : memref<2048xf32, #tpu.memory_space<vmem>>, vector<16xf32>,
      %parallel_loop3A_374 = arith.addf %parallel_loop3A_369, %parallel_loop3A_373 : vector<16xf32>
      %parallel_loop3A_375 = arith.constant 1792 : i32
      %parallel_loop3A_376 = arith.addi %parallel_loop3A_375, %parallel_loop3A_307 : i32
      %parallel_loop3A_377 = arith.index_cast %parallel_loop3A_376 : i32 to index
      %parallel_loop3A_378 = tpu.vector_load %arg13[%parallel_loop3A_377] {strides = array<i32>} : memref<2048xf32, #tpu.memory_space<vmem>>, vector<16xf32>,
      %parallel_loop3A_379 = arith.addf %parallel_loop3A_374, %parallel_loop3A_378 : vector<16xf32>
      %parallel_loop3A_380 = arith.constant 1920 : i32
      %parallel_loop3A_381 = arith.addi %parallel_loop3A_380, %parallel_loop3A_307 : i32
      %parallel_loop3A_382 = arith.index_cast %parallel_loop3A_381 : i32 to index
      %parallel_loop3A_383 = tpu.vector_load %arg13[%parallel_loop3A_382] {strides = array<i32>} : memref<2048xf32, #tpu.memory_space<vmem>>, vector<16xf32>,
      %parallel_loop3A_384 = arith.addf %parallel_loop3A_379, %parallel_loop3A_383 : vector<16xf32>
      %parallel_loop3A_385 = arith.index_cast %parallel_loop3A_307 : i32 to index
      %parallel_loop3A_386 = tpu.vector_load %arg13[%parallel_loop3A_385] {strides = array<i32>} : memref<2048xf32, #tpu.memory_space<vmem>>, vector<16xf32>,
      tpu.vector_store %arg13[%parallel_loop3A_385], %parallel_loop3A_384 {strides = array<i32>} : memref<2048xf32, #tpu.memory_space<vmem>>, vector<16xf32>,
    } {sc.loop_unroll_factor = 2 : i64, sc.parallel_access}
    %mul3A_300 = arith.constant 100352 : i32
    %mul3A_301 = arith.muli %arg0, %mul3A_300 : i32
    %add3A_302 = arith.constant 98304 : i32
    %add3A_303 = arith.addi %mul3A_301, %add3A_302 : i32
    %mul3A_304 = arith.constant 128 : i32
    %mul3A_305 = arith.muli %arg1, %mul3A_304 : i32
    %add3A_306 = arith.addi %add3A_303, %mul3A_305 : i32
    "tpu.region"() ({
      %run_scoped3A = tpu.sem_alloc : memref<!tpu.dma_semaphore, #tpu.memory_space<semaphore_mem>>
      %dma_start3A_307 = arith.constant 0 : i32
      %dma_start3A_308 = tpu.memref_slice %arg13[%dma_start3A_307] : memref<2048xf32, #tpu.memory_space<vmem>> -> memref<128xf32, #tpu.memory_space<vmem>>
      %dma_start3A_309 = tpu.memref_slice %arg5[%add3A_306] : memref<200704xf32, #tpu.memory_space<hbm>> -> memref<128xf32, #tpu.memory_space<hbm>>
      %dma_start3A_310 = tpu.memref_slice %arg5[%add3A_306] : memref<200704xf32, #tpu.memory_space<hbm>> -> memref<128xf32, #tpu.memory_space<hbm>>
      %dma_start3A_311 = arith.constant 0 : i32
      %dma_start3A_312 = tpu.memref_slice %arg13[%dma_start3A_311] : memref<2048xf32, #tpu.memory_space<vmem>> -> memref<128xf32, #tpu.memory_space<vmem>>
      tpu.enqueue_dma source(%dma_start3A_312 : memref<128xf32, #tpu.memory_space<vmem>>) target(%dma_start3A_310 : memref<128xf32, #tpu.memory_space<hbm>>) target_semaphore(%run_scoped3A : memref<!tpu.dma_semaphore, #tpu.memory_space<semaphore_mem>>)
      %dma_wait3A_313 = arith.constant 0 : i32
      %dma_wait3A_314 = tpu.memref_slice %arg13[%dma_wait3A_313] : memref<2048xf32, #tpu.memory_space<vmem>> -> memref<128xf32, #tpu.memory_space<vmem>>
      %dma_wait3A_315 = tpu.memref_slice %arg5[%add3A_306] : memref<200704xf32, #tpu.memory_space<hbm>> -> memref<128xf32, #tpu.memory_space<hbm>>
      %dma_wait3A_316 = tpu.memref_slice %arg5[%add3A_306] : memref<200704xf32, #tpu.memory_space<hbm>> -> memref<128xf32, #tpu.memory_space<hbm>>
      %dma_wait3A_317 = arith.constant 0 : i32
      %dma_wait3A_318 = tpu.memref_slice %arg13[%dma_wait3A_317] : memref<2048xf32, #tpu.memory_space<vmem>> -> memref<128xf32, #tpu.memory_space<vmem>>
      tpu.wait_dma2 semaphore(%run_scoped3A : memref<!tpu.dma_semaphore, #tpu.memory_space<semaphore_mem>>) src(%dma_wait3A_318 : memref<128xf32, #tpu.memory_space<vmem>>) dst(%dma_wait3A_316 : memref<128xf32, #tpu.memory_space<hbm>>)
      tpu.yield
    }) : () -> ()
    return
  }
}

</mosaic_0001>

<sc_bundles>
// kernel: kernel.3.cloned.1.call-start
scs
__scs_entry_jumppad:
0x0: {  	(pc) =	sbr.rel $0x88, $3  }
0x1: {  	(tag) =	ssettag $0x0;
	lr =	simm.s32 $0x1  }
0x2: {  	[smem:$0x3F9E] =	sst lr;
	_ =	strace $0xD0000000  }
0x3: {  	_ = 	snop  }
0x4: {  	_ = 	snop  }
0x5: {  	_ = 	snop  }
0x6: {  	_ = 	snop  }
0x7: {  	_ = 	snop  }
__scs_overlays_trampoline_lowered:
0x8: {  	[smem:$0x3FAD] =	sst s0  }
0x9: {  	[smem:$0x3FAE] =	sst s1  }
0xa: {  	[smem:$0x3FAF] =	sst s2  }
0xb: {  	[smem:$0x3FB0] =	sst s3  }
0xc: {  	[smem:$0x3FB1] =	sst s4  }
0xd: {  	[smem:$0x3FB2] =	sst s5  }
0xe: {  	[smem:$0x3FB3] =	sst s6  }
0xf: {  	[smem:$0x3FB4] =	sst s7  }
0x10: {  	[smem:$0x3FB5] =	sst s8  }
0x11: {  	[smem:$0x3FB6] =	sst s9;
	s0 =	simm.s32 @!p0 $0x0  }
0x12: {  	s1 =	sld [smem:$0x3F9C];
	s0 =	simm.s32 @p0 $0x1  }
0x13: {  	[smem:$0x3FB7] =	sst s0;
	s0 =	simm.s32 @!p1 $0x0  }
0x14: {  	s2 =	sld [smem:$0x3F9B];
	s0 =	simm.s32 @p1 $0x1  }
0x15: {  	[smem:$0x3FB8] =	sst s0;
	s0 =	simm.s32 @!p2 $0x0  }
0x16: {  	s3 =	sld [smem:$0x3FDB];
	s0 =	simm.s32 @p2 $0x1  }
0x17: {  	s4 =	simm.s32 $0x1BF5;
	[smem:$0x3FBA] =	sst s0  }
0x18: {  	s0 =	sld [smem:$0x3F9D];
	_ =	swait.ge [sflag:s4], $0x0  }
0x19: {  	s7 =	sld [smem:$0x3F9E]  }
0x1a: {  	s8 =	sadd.s32 $0xFFFFE003, lr  }
0x1b: {  	s9 =	sadd.s32 $0xFFFFFEF7, lr;
	s5 =	simm.s32 $0xFFFFFFFF;
	p2 =	slt.u32 s8, $0xFFFFF086  }
0x1c: {  	p1 =	slt.u32 s9, $0xF7A;
	s5 =	simm.s32 @!p2 $0x0  }
0x1d: {  	s5 =	simm.s32 @p1 $0x1;
	p0 =	seq.s32 s7, s2  }
0x1e: {  	s7 =	smul.u32 @!p0 $0xF7A, s2;
	p2 =	seq.s32 @!p0 s5, $0x0  }
0x1f: {  	s9 =	smul.u32 $0xF7A, s1;
	s8 =	simm.s32 @!p0 $0x1BF5;
	p2 =	por !p2, p0  }
0x20: {  	[sflag:s8] =	ssyncset.s32 @!p0 $0xFFFFF086;
	s6 =	sadd.s32 @!p0 s3, s7;
	s7 =	simm.s32 @!p0 $0x108  }
0x21: {  	s3 =	sadd.s32 s3, s9;
	s6 =	sadd.s32 @!p0 $0x88, s6;
	s7 =	simm.s32 @p2 $0x1082  }
0x22: {  	[simem:s7], [sflag:s8] =	dma.local @!p0 [hbm:s6], $0xF7A  }
0x23: {  	s9 =	sor.u32 $0xD0000000, s2;
	s6 =	simm.s32 $0x108;
	_ =	swait.ge @!p0 [sflag:s8], $0x0  }
0x24: {  	s3 =	sadd.s32 $0x88, s3;
	s6 =	simm.s32 @!p1 $0x1082;
	[sflag:s4] =	ssyncset.s32 $0xFFFFF086  }
0x25: {  	[simem:s6], [sflag:s4] =	dma.local [hbm:s3], $0xF7A  }
0x26: {  	[smem:$0x3F9E] =	sst s1;
	(tag) =	ssettag s2;
	_ =	strace s9  }
0x27: {  	s1 =	sld [smem:$0x3FAE]  }
0x28: {  	s2 =	sld [smem:$0x3FAF]  }
0x29: {  	s4 =	sld [smem:$0x3FB1]  }
0x2a: {  	p0 =	seq.s32 s5, $0x0;
	s5 =	sld [smem:$0x3FB2]  }
0x2b: {  	s6 =	sld [smem:$0x3FB3]  }
0x2c: {  	s7 =	sld [smem:$0x3FB4]  }
0x2d: {  	s3 =	simm.s32 $0x108;
	s8 =	sld [smem:$0x3FB5]  }
0x2e: {  	s3 =	simm.s32 @!p0 $0x1082;
	s9 =	sld [smem:$0x3FB6]  }
0x2f: {  	lr =	sadd.s32 s0, s3;
	s0 =	sld [smem:$0x3FAD]  }
0x30: {  	s3 =	sld [smem:$0x3FB0]  }
0x31: {  	[smem:$0x3FB9] =	sst s10  }
0x32: {  	s10 =	sld [smem:$0x3FB7];
	_ =	sdelay $0x3  }
0x33: {  	p0 =	seq.s32 s10, $0x1;
	s10 =	sld [smem:$0x3FB9];
	_ =	sdelay $0x3  }
0x34: {  	[smem:$0x3FB9] =	sst s10  }
0x35: {  	s10 =	sld [smem:$0x3FB8];
	_ =	sdelay $0x3  }
0x36: {  	p1 =	seq.s32 s10, $0x1;
	s10 =	sld [smem:$0x3FB9];
	_ =	sdelay $0x3  }
0x37: {  	[smem:$0x3FB9] =	sst s10  }
0x38: {  	s10 =	sld [smem:$0x3FBA]  }
0x39: {  	_ = 	snop;
	(pc) =	sbr.ind lr, $3  }
0x3a: {  	_ = 	snop  }
0x3b: {  	_ = 	snop  }
0x3c: {  	p2 =	seq.s32 s10, $0x1;
	s10 =	sld [smem:$0x3FB9]  }
0x3d: {  	_ =	shalt  }
0x3e: {  	_ =	shalt  }
0x3f: {  	_ =	shalt  }
0x40: {  	_ =	shalt  }
0x41: {  	_ =	shalt  }
0x42: {  	_ =	shalt  }
0x43: {  	_ =	shalt  }
0x44: {  	_ =	shalt  }
0x45: {  	_ =	shalt  }
0x46: {  	_ =	shalt  }
0x47: {  	_ =	shalt  }
0x48: {  	_ =	shalt  }
0x49: {  	_ =	shalt  }
0x4a: {  	_ =	shalt  }
0x4b: {  	_ =	shalt  }
0x4c: {  	_ =	shalt  }
0x4d: {  	_ =	shalt  }
0x4e: {  	_ =	shalt  }
0x4f: {  	_ =	shalt  }
0x50: {  	_ =	shalt  }
0x51: {  	_ =	shalt  }
0x52: {  	_ =	shalt  }
0x53: {  	_ =	shalt  }
0x54: {  	_ =	shalt  }
0x55: {  	_ =	shalt  }
0x56: {  	_ =	shalt  }
0x57: {  	_ =	shalt  }
0x58: {  	_ =	shalt  }
0x59: {  	_ =	shalt  }
0x5a: {  	_ =	shalt  }
0x5b: {  	_ =	shalt  }
0x5c: {  	_ =	shalt  }
0x5d: {  	_ =	shalt  }
0x5e: {  	_ =	shalt  }
0x5f: {  	_ =	shalt  }
0x60: {  	_ =	shalt  }
0x61: {  	_ =	shalt  }
0x62: {  	_ =	shalt  }
0x63: {  	_ =	shalt  }
0x64: {  	_ =	shalt  }
0x65: {  	_ =	shalt  }
0x66: {  	_ =	shalt  }
0x67: {  	_ =	shalt  }
0x68: {  	_ =	shalt  }
0x69: {  	_ =	shalt  }
0x6a: {  	_ =	shalt  }
0x6b: {  	_ =	shalt  }
0x6c: {  	_ =	shalt  }
0x6d: {  	_ =	shalt  }
0x6e: {  	_ =	shalt  }
0x6f: {  	_ =	shalt  }
0x70: {  	_ =	shalt  }
0x71: {  	_ =	shalt  }
0x72: {  	_ =	shalt  }
0x73: {  	_ =	shalt  }
0x74: {  	_ =	shalt  }
0x75: {  	_ =	shalt  }
0x76: {  	_ =	shalt  }
0x77: {  	_ =	shalt  }
0x78: {  	_ =	shalt  }
0x79: {  	_ =	shalt  }
0x7a: {  	_ =	shalt  }
0x7b: {  	_ =	shalt  }
0x7c: {  	_ =	shalt  }
0x7d: {  	_ =	shalt  }
0x7e: {  	_ =	shalt  }
0x7f: {  	_ =	shalt  }
0x80: {  	_ =	shalt  }
0x81: {  	_ =	shalt  }
0x82: {  	_ =	shalt  }
0x83: {  	_ =	shalt  }
0x84: {  	_ =	shalt  }
0x85: {  	_ =	shalt  }
0x86: {  	_ =	shalt  }
0x87: {  	_ =	shalt  }
.Lfunc_end0:
.L_simem_size_0:
called_computation_lowered:
.L_overlay_start_0:
0x88: {  	s2 =	sld [smem:$0x3FD9]  }
0x89: {  	s3 =	sld [smem:$0x3FFE];
	_ =	sdelay $0x1  }
0x8a: {  	s1 =	srdreg.scid  }
0x8b: {  	s0 =	sand.u32 $0x1, s1  }
0x8c: {  	s17 =	sshll.u32 s0, $0xA;
	s2 =	sadd.s32 s3, s2  }
0x8d: {  	s2 =	sadd.s32 s2, s17  }
0x8e: {  	[smem:$0x3FC5] =	sst s2  }
0x8f: {  	_ = 	snop  }
0x90: {  	s2 =	sld [smem:$0x3FC9]  }
0x91: {  	s18 =	sld [smem:$0x3FC8]  }
0x92: {  	s4 =	sld [smem:$0x3FC7];
	(tm) =	ssettm $0x1  }
0x93: {  	s5 =	sld [smem:$0x3FFB];
	_ =	sdelay $0x3  }
0x94: {  	_ =	strace s5  }
0x95: {  	s5 =	sld [smem:$0x3FFC];
	_ =	sdelay $0x3  }
0x96: {  	_ =	strace s5  }
0x97: {  	s5 =	sld [smem:$0x3FFD];
	_ =	sdelay $0x3  }
0x98: {  	_ =	strace s5  }
0x99: {  	_ =	strace $0x8FFFFFFF  }
0x9a: {  	s19 =	sld [smem:$0x3FDB];
	_ =	sdelay $0x1  }
0x9b: {  	s6 =	simm.s32 $_scs_section_size  }
0x9c: {  	s7 =	simm.s32 $_size__tile_overlayer_lowered;
	s8 =	simm.s32 $_tile_overlayer_lowered  }
0x9d: {  	s22 =	simm.s32 $0x1BFF;
	s21 =	sshll.u32 s8, $0x1;
	s5 =	sadd.s32 s6, s19  }
0x9e: {  	s9 =	simm.s32 $0x0;
	s20 =	sshll.u32 s7, $0x1;
	s7 =	sadd.s32 s21, s5  }
0x9f: {  	[timem:s9], [sflag:s22] =	dma.local [hbm:s7], s20  }
0xa0: {  	_ =	swait.ge [sflag:s22], s20  }
0xa1: {  	s6 =	ssub.s32 $0x0, s20;
	[sflag:s22] =	ssyncset.done $0x0  }
0xa2: {  	[sflag:s22] =	ssyncadd.s32 s6;
	_ =	sdelay $0x1  }
0xa3: {  	s23 =	simm.s32 $0x1B8B  }
0xa4: {  	_ =	swait.ge [sflag:s23], $0x1  }
0xa5: {  	[sflag:s23] =	ssyncset.done $0x0  }
0xa6: {  	s25 =	simm.s32 $0x1B8E;
	s24 =	sld [smem:$0x3FFE];
	[sflag:s23] =	ssyncadd.s32 $0xFFFFFFFF  }
0xa7: {  	s26 =	simm.s32 $execute0_lowered;
	[smem:$0x3FD2] =	sst s25  }
0xa8: {  	s7 =	sshll.u32 s26, $0x1;
	_ =	strace $0x80000046;
	[dreg:$0x1] =	wrdreg $0xFFFFFFFF  }
0xa9: {  	s28 =	simm.s32 $_size_execute0_lowered;
	s5 =	sadd.s32 s5, s7;
	[dreg:$0x0] =	wrdreg $0x0  }
0xaa: {  	s7 =	sshll.u32 s28, $0x1;
	[dreg:$0x2] =	wrdreg s5  }
0xab: {  	[dreg:$0x3] =	wrdreg s7  }
0xac: {  	[dreg:$0x4] =	wrdreg $0xC0  }
0xad: {  	_ =	task [dreg:s9], $0x5FFFF  }
0xae: {  	[dreg:$0x1] =	wrdreg $0xFFFFFFFF  }
0xaf: {  	[dreg:$0x0] =	wrdreg $0x60  }
0xb0: {  	[dreg:$0x2] =	wrdreg s2  }
0xb1: {  	[dreg:$0x3] =	wrdreg s18  }
0xb2: {  	[dreg:$0x4] =	wrdreg s4  }
0xb3: {  	[dreg:$0x5] =	wrdreg s24  }
0xb4: {  	[dreg:$0x6] =	wrdreg $0x1F0000  }
0xb5: {  	[dreg:$0x7] =	wrdreg $0x9  }
0xb6: {  	_ =	task.clear_ibuf [dreg:s9], $0x8FFFF;
	_ =	strace $0x90000046  }
0xb7: {  	s29 =	simm.s32 $0x9;
	_ =	strace $0x80000048  }
0xb8: {  	_ =	swait.ge [sflag:s29], $0x1  }
0xb9: {  	[sflag:s29] =	ssyncadd.s32 $0xFFFFFFFF  }
0xba: {  	_ =	strace $0x90000048  }
0xbb: {  	_ =	sfence  }
0xbc: {  	s30 =	sld [smem:$0x0];
	_ =	sdelay $0x2  }
0xbd: {  	s31 =	sshll.u32 s1, $0xD;
	s1 =	sshrl.u32 s1, $0x2  }
0xbe: {  	s3 =	sand.u32 $0x4000, s31;
	s1 =	sadd.s32 s1, s30  }
0xbf: {  	s0 =	sor.u32 s3, s0;
	s1 =	sshll.u32 s1, $0x11  }
0xc0: {  	s0 =	sor.u32 s1, s0  }
0xc1: {  	s0 =	sadd.s32 $0x8F2B, s0  }
0xc2: {  	[sflag:s0] =	ssyncadd.remote.s32 $0x1  }
0xc3: {  	_ =	sfence.sel $0xFFFF  }
0xc4: {  	[dreg:$0x0] =	wrdreg $0xFFFFFFFF;
	(pc) =	sbr.abs _section_cstart, $3  }
0xc5: {  	[dreg:$0x1] =	wrdreg $0xFFFFFFFF  }
0xc6: {  	_ =	task.clear_ibuf [dreg:s9], $0x2FFFF;
	_ =	strace $0x9FFFFFFF  }
0xc7: {  	(tm) =	ssettm $0x7FFFFFFF  }
tec
execute0_lowered:
.L_overlay_start_1:
0x0: {  	(tag) =	ssettag $0x1  }
0x1: {  	s5 =	rddreg [dreg:$0x0]  }
0x2: {  	s8 =	rddreg [dreg:$0x1]  }
0x3: {  	s9 =	rddreg [dreg:$0x2]  }
0x4: {  	s0 =	rddreg [dreg:$0x3]  }
0x5: {  	s1 =	rddreg [dreg:$0x4]  }
0x6: {  	s2 =	srdreg.scid;
	s10 =	stileid.u32  }
0x7: {  	s11 =	simm.s32 $0x0;
	s2 =	sand.u32 $0x1, s2;
	s4 =	sshll.u32 s10, $0x1  }
0x8: {  	[smem:$0x7FF] =	sst s11;
	s30 =	sshll.u32 s10, $0xB;
	s4 =	sor.u32 s2, s4  }
0x9: {  	s31 =	sshll.u32 s10, $0x7;
	_ =	strace $0x80000047;
	s29 =	sor.u32 $0x40, s4  }
0xa: {  	s12 =	sadd.s32 s31, s1;
	s10 =	sor.u32 $0x20, s4;
	[dreg:$0x9] =	wrdreg s29  }
0xb: {  	s13 =	sadd.s32 $0x5000, s12;
	[dreg:$0x16] =	wrdreg s10  }
0xc: {  	s25 =	sshll.u32 s4, $0x8;
	s22 =	sadd.s32 $0x5800, s12;
	[dreg:$0x18] =	wrdreg s13  }
0xd: {  	s7 =	sshll.u32 s4, $0xA;
	s4 =	sadd.s32 $0xA800, s12;
	[dreg:$0x19] =	wrdreg s22  }
0xe: {  	s14 =	sadd.s32 $0x1000, s12;
	[smem:$0x7F3] =	sst s4  }
0xf: {  	s15 =	sadd.s32 $0x1800, s12;
	[dreg:$0xd] =	wrdreg s14  }
0x10: {  	s16 =	sadd.s32 $0x2000, s12;
	[dreg:$0xe] =	wrdreg s15  }
0x11: {  	s17 =	sadd.s32 $0x2800, s12;
	[dreg:$0xf] =	wrdreg s16  }
0x12: {  	s19 =	sadd.s32 $0x3000, s12;
	[dreg:$0x10] =	wrdreg s17  }
0x13: {  	s20 =	sadd.s32 $0x3800, s12;
	[dreg:$0x11] =	wrdreg s19  }
0x14: {  	s21 =	sadd.s32 $0x4000, s12;
	[dreg:$0x12] =	wrdreg s20  }
0x15: {  	s6 =	sadd.s32 $0x400, s0;
	s23 =	sadd.s32 $0x4800, s12;
	[dreg:$0x13] =	wrdreg s21  }
0x16: {  	s3 =	ssub.s32 $0x2, s2;
	s5 =	sadd.s32 s5, s7;
	[dreg:$0x17] =	wrdreg s23  }
0x17: {  	s24 =	sshrl.u32 s3, $0x1;
	s26 =	sadd.s32 s8, s25;
	[dreg:$0x6] =	wrdreg s5  }
0x18: {  	s0 =	ssub.s32 s3, s24;
	s3 =	sadd.s32 s9, s25;
	[dreg:$0x7] =	wrdreg s26  }
0x19: {  	s24 =	sadd.s32 $0x6000, s12;
	[dreg:$0x8] =	wrdreg s3  }
0x1a: {  	s25 =	sadd.s32 $0x6800, s12;
	[dreg:$0x1a] =	wrdreg s24  }
0x1b: {  	s29 =	sadd.s32 $0x7800, s12;
	[dreg:$0x1b] =	wrdreg s25  }
0x1c: {  	s7 =	sadd.s32 $0xB000, s12;
	[dreg:$0x1d] =	wrdreg s29  }
0x1d: {  	s10 =	sadd.s32 $0xB800, s12;
	[smem:$0x7F4] =	sst s7  }
0x1e: {  	s13 =	sadd.s32 $0xC000, s12;
	[smem:$0x7F5] =	sst s10  }
0x1f: {  	s22 =	sadd.s32 $0xC800, s12;
	[smem:$0x7F6] =	sst s13  }
0x20: {  	s9 =	sadd.s32 $0x800, s12;
	[smem:$0x7F7] =	sst s22  }
0x21: {  	s0 =	smax.u32 s0, $0x1;
	[dreg:$0xc] =	wrdreg s9  }
0x22: {  	s26 =	sadd.s32 $0x7000, s12;
	[dreg:$0x15] =	wrdreg s0  }
0x23: {  	s5 =	sadd.s32 s30, s1;
	s30 =	sadd.s32 $0x8000, s12;
	[dreg:$0x1c] =	wrdreg s26  }
0x24: {  	s3 =	smul.u32 $0x18800, s2;
	s2 =	sadd.s32 $0x9800, s12;
	[dreg:$0x1e] =	wrdreg s30  }
0x25: {  	s24 =	sadd.s32 $0xD000, s12;
	[smem:$0x7F1] =	sst s2  }
0x26: {  	s25 =	sadd.s32 $0xD800, s12;
	[smem:$0x7F8] =	sst s24  }
0x27: {  	s28 =	simm.s32 $0x9;
	s29 =	sadd.s32 $0xE800, s12;
	[smem:$0x7F9] =	sst s25  }
0x28: {  	s4 =	simm.s32 $0x0;
	s10 =	simm.s32 $0x6000;
	[smem:$0x7FB] =	sst s29  }
0x29: {  	s13 =	simm.s32 $0x8;
	s26 =	sadd.s32 $0xE000, s12;
	[dreg:$0xa] =	wrdreg s5  }
0x2a: {  	s22 =	simm.s32 $0x1EF80;
	s30 =	sadd.s32 $0xF000, s12;
	[smem:$0x7FA] =	sst s26  }
0x2b: {  	s8 =	sadd.s32 $0x8000, s5;
	s2 =	simm.s32 $0x3;
	[smem:$0x7FC] =	sst s30  }
0x2c: {  	s18 =	sor.u32 s31, s3;
	s31 =	sadd.s32 $0x8800, s12;
	[dreg:$0xb] =	wrdreg s8  }
0x2d: {  	s3 =	sadd.s32 $0xA000, s12;
	s1 =	sadd.s32 $0x18000, s18;
	[dreg:$0x1f] =	wrdreg s31  }
0x2e: {  	[smem:$0x7F2] =	sst s3;
	s31 =	sadd.s32 $0xF800, s12;
	s1 =	sshrl.u32 s1, $0x3  }
0x2f: {  	s25 =	simm.s32 $0x1E800;
	[smem:$0x7FD] =	sst s31;
	s1 =	sadd.s32 s6, s1  }
0x30: {  	s26 =	simm.s32 $0x7;
	[dreg:$0x14] =	wrdreg s1;
	s1 =	sadd.s32 $0x9000, s12  }
0x31: {  	v0 =	vimm.f32 $0.0e+00;
	s3 =	simm.s32 $0x5;
	[smem:$0x7F0] =	sst s1;
	s1 =	simm.s32 $0x1  }
.LBB2_1:
0x32: {  	[smem:$0x7EF] =	sst s4  }
0x33: {  	s0 =	rddreg [dreg:$0x6]  }
0x34: {  	[tilespmem:s11], [sflag:$0x1] =	stream.linear.gather [hbm4b:s0+s11], $0x2000, $0x38;
	v63 =	vld [tilespmem:$0x0]  }
0x35: {  	s24 =	rddreg [dreg:$0x7];
	s29 =	simm.s32 $0x4000  }
0x36: {  	[tilespmem:s29], [sflag:$0x3] =	stream.linear.gather [hbm4b:s24+s11], $0x800, $0x38;
	v63 =	vld [tilespmem:$0x0]  }
0x37: {  	s30 =	rddreg [dreg:$0x8];
	s31 =	simm.s32 $0x5000;
	s0 =	simm.s32 $0x6040  }
0x38: {  	[tilespmem:s31], [sflag:$0x5] =	stream.linear.gather [hbm4b:s30+s11], $0x800, $0x38;
	v63 =	vld [tilespmem:$0x0]  }
0x39: {  	[tilespmem:s0+$0xFFFFFFC0] =	vst v0  }
0x3a: {  	[tilespmem:s0+$0x30] =	vst v0  }
0x3b: {  	[tilespmem:s0+$0x20] =	vst v0  }
0x3c: {  	[tilespmem:s0+$0x10] =	vst v0  }
0x3d: {  	[tilespmem:s0+$0x0] =	vst v0  }
0x3e: {  	[tilespmem:s0+$0xFFFFFFF0] =	vst v0  }
0x3f: {  	s4 =	simm.s32 $0x0;
	[tilespmem:s0+$0xFFFFFFE0] =	vst v0  }
.LBB2_2:
0x40: {  	s4 =	sadd.s32 $0x80, s4;
	[tilespmem:s0+$0xFFFFFFD0] =	vst v0;
	s0 =	sadd.s32 $0x80, s0  }
0x41: {  	[tilespmem:s0+$0xFFFFFFC0] =	vst v0;
	p0 =	slt.u32 s4, $0x18780  }
0x42: {  	[tilespmem:s0+$0x30] =	vst v0  }
.Ltmp0:
0x43: {  	[tilespmem:s0+$0x20] =	vst v0;
	(pc) =	sbr.rel @p0 .LBB2_2-.Ltmp0, $4  }
0x44: {  	[tilespmem:s0+$0x10] =	vst v0  }
0x45: {  	[tilespmem:s0+$0x0] =	vst v0  }
0x46: {  	[tilespmem:s0+$0xFFFFFFF0] =	vst v0  }
0x47: {  	[tilespmem:s0+$0xFFFFFFE0] =	vst v0  }
.Ltmp1:
0x48: {  	(pc) =	sbr.rel .LBB2_4-.Ltmp1, $2  }
0x49: {  	_ =	sdelay $0x2  }
0x4a: {  	[tilespmem:s0+$0xFFFFFFD0] =	vst v0;
	s29 =	simm.s32 $0x0  }
.LBB2_10:
0x4b: {  	s29 =	sadd.s32 $0x1, s29  }
0x4c: {  	p0 =	sne.s32 s29, $0x31  }
.Ltmp2:
0x4d: {  	_ = 	snop;
	(pc) =	sbr.rel @!p0 .LBB2_11-.Ltmp2, $1  }
0x4e: {  	_ =	sdelay $0x3  }
.LBB2_4:
0x4f: {  	s30 =	sshll.u32 s29, $0x6;
	s0 =	rddreg [dreg:$0x16]  }
0x50: {  	s0 =	sor.u32 s0, s30  }
0x51: {  	p0 =	sgt.u32 s0, $0xC34  }
0x52: {  	s5 =	rddreg [dreg:$0x0];
	s4 =	sshll.u32 @!p0 s0, $0x8;
	s0 =	sshll.u32 @!p0 s0, $0xA  }
0x53: {  	s7 =	simm.s32 @!p0 $0x0;
	s8 =	simm.s32 @!p0 $0x2000;
	s0 =	sadd.s32 @!p0 s5, s0  }
0x54: {  	[tilespmem:s8], [sflag:$0x2] =	stream.linear.gather @!p0 [hbm4b:s0+s7], $0x2000, $0x38;
	v63 =	vld [tilespmem:$0x0]  }
0x55: {  	s0 =	rddreg [dreg:$0x1]  }
0x56: {  	s8 =	simm.s32 @!p0 $0x4800;
	s0 =	sadd.s32 @!p0 s0, s4  }
0x57: {  	[tilespmem:s8], [sflag:$0x4] =	stream.linear.gather @!p0 [hbm4b:s0+s7], $0x800, $0x38;
	v63 =	vld [tilespmem:$0x0]  }
0x58: {  	s0 =	rddreg [dreg:$0x2]  }
0x59: {  	s0 =	sadd.s32 @!p0 s0, s4;
	s4 =	simm.s32 @!p0 $0x5800  }
0x5a: {  	[tilespmem:s4], [sflag:$0x6] =	stream.linear.gather @!p0 [hbm4b:s0+s7], $0x800, $0x38;
	v63 =	vld [tilespmem:$0x0]  }
0x5b: {  	_ =	swait.ge [sflag:s1], $0x2000  }
0x5c: {  	[sflag:s1] =	ssyncset.done $0x0  }
0x5d: {  	[sflag:s1] =	ssyncadd.s32 $0xFFFFE000  }
0x5e: {  	_ =	swait.ge [sflag:s2], $0x800  }
0x5f: {  	[sflag:s2] =	ssyncset.done $0x0  }
0x60: {  	s15 =	simm.s32 $0x0;
	[sflag:s2] =	ssyncadd.s32 $0xFFFFF800  }
0x61: {  	s17 =	simm.s32 $0x0;
	s16 =	sand.u32 $0x40, s15;
	_ =	swait.ge [sflag:s3], $0x800  }
0x62: {  	s9 =	sand.u32 $0x1E00, s17;
	s11 =	sor.u32 $0x30, s16;
	[sflag:s3] =	ssyncset.done $0x0  }
0x63: {  	s4 =	sor.u32 s11, s9;
	[sflag:s3] =	ssyncadd.s32 $0xFFFFF800  }
0x64: {  	v1 =	vld [tilespmem:s4+$0x0]  }
0x65: {  	v2 =	vld [tilespmem:s4+$0x80];
	_ =	sdelay $0x1  }
0x66: {  	v3 =	vld [tilespmem:s4+$0x100];
	_ =	sdelay $0x2  }
0x67: {  	v1 =	vmul.f32 v1, v1;
	v2 =	vmul.f32 v2, v2  }
0x68: {  	s8 =	sor.u32 $0x10, s16  }
0x69: {  	s23 =	sor.u32 s8, s9;
	v1 =	vadd.f32 v2, v1;
	v2 =	vmul.f32 v3, v3  }
0x6a: {  	s0 =	sor.u32 s16, s9;
	s4 =	sor.u32 $0x20, s16;
	v4 =	vld [tilespmem:s23+$0x80]  }
0x6b: {  	v6 =	vld [tilespmem:s0+$0x80];
	s24 =	sor.u32 s4, s9;
	v1 =	vadd.f32 v2, v1  }
0x6c: {  	v5 =	vld [tilespmem:s24+$0x80]  }
0x6d: {  	v3 =	vld [tilespmem:s23+$0x0];
	(erf) = vrcp.f32 v1  }
0x6e: {  	v2 =	vld [tilespmem:s24+$0x0]  }
0x6f: {  	v1 =	vld [tilespmem:s0+$0x0]  }
0x70: {  	v7 =	vld [tilespmem:s23+$0x100]  }
0x71: {  	v8 =	vld [tilespmem:s24+$0x100]  }
0x72: {  	v9 =	vld [tilespmem:s0+$0x100];
	v4 =	vmul.f32 v4, v4;
	v6 =	vmul.f32 v6, v6  }
0x73: {  	v5 =	vmul.f32 v5, v5;
	v3 =	vmul.f32 v3, v3  }
0x74: {  	v2 =	vmul.f32 v2, v2;
	v1 =	vmul.f32 v1, v1  }
0x75: {  	v3 =	vadd.f32 v4, v3;
	v4 =	vmul.f32 v7, v7  }
0x76: {  	v2 =	vadd.f32 v5, v2;
	v5 =	vmul.f32 v8, v8;
	v1 =	vadd.f32 v6, v1;
	v6 =	vpop (erf)  }
0x77: {  	v7 =	vmul.f32 v9, v9;
	v3 =	vadd.f32 v4, v3;
	v4 =	vmul.f32 v6, v6  }
0x78: {  	s0 =	simm.s32 $0x40;
	v2 =	vadd.f32 v5, v2  }
0x79: {  	s19 =	simm.s32 $0x100;
	s31 =	sand.u32 $0x40, s0;
	v1 =	vadd.f32 v7, v1;
	(erf) = vrcp.f32 v3;
	v3 =	vmul.f32 v4, v6  }
0x7a: {  	s24 =	sand.u32 $0x780, s15;
	s15 =	sand.u32 $0x1E00, s19;
	s20 =	sor.u32 $0x30, s31;
	(erf) = vrcp.f32 v2  }
0x7b: {  	s21 =	sor.u32 s20, s15;
	(erf) = vrcp.f32 v1;
	v1 =	vmul.f32 v3, v3  }
0x7c: {  	v4 =	vld [tilespmem:s21+$0x0]  }
0x7d: {  	s14 =	sor.u32 s24, s11;
	v1 =	vsub.f32 v1, v3;
	v3 =	vld [tilespmem:s21+$0x80]  }
0x7e: {  	s9 =	sor.u32 $0x20, s31;
	v2 =	vld [tilespmem:s14+$0x4000]  }
0x7f: {  	s17 =	sor.u32 s9, s15;
	v6 =	vld [tilespmem:s21+$0x100]  }
0x80: {  	s23 =	sor.u32 $0x10, s31;
	v10 =	vld [tilespmem:s17+$0x0]  }
0x81: {  	s16 =	sor.u32 s23, s15;
	s15 =	sor.u32 s31, s15;
	v14 =	vld [tilespmem:s17+$0x80];
	v4 =	vmul.f32 v4, v4  }
0x82: {  	v42 =	vld [tilespmem:s15+$0x80];
	v1 =	vmul.f32 $2.000000030e-01, v1;
	v9 =	vpop (erf);
	v3 =	vmul.f32 v3, v3  }
0x83: {  	v16 =	vld [tilespmem:s16+$0x100];
	v11 =	vpop (erf)  }
0x84: {  	v8 =	vld [tilespmem:s16+$0x80];
	v1 =	vadd.f32 $1.279918070e-05, v1;
	v12 =	vpop (erf);
	v3 =	vadd.f32 v3, v4;
	v4 =	vmul.f32 v6, v6  }
0x85: {  	v7 =	vld [tilespmem:s16+$0x0];
	v10 =	vmul.f32 v10, v10;
	v6 =	vmul.f32 v12, v12  }
0x86: {  	[tilespmem:v2+s10+$0x0] =	vst.idx.add.f32.msk $0xffff, v1;
	v2 =	vmul.f32 v9, v9;
	v3 =	vadd.f32 v4, v3  }
0x87: {  	v13 =	vld [tilespmem:s14+$0x5000];
	v4 =	vmul.f32 v11, v11;
	v6 =	vmul.f32 v6, v12  }
0x88: {  	s5 =	simm.s32 $0x0;
	v2 =	vmul.f32 v2, v9;
	v9 =	vld [tilespmem:s15+$0x0];
	(erf) = vrcp.f32 v3  }
0x89: {  	v5 =	vld [tilespmem:s5+$0x4000];
	v3 =	vmul.f32 v4, v11;
	v4 =	vmul.f32 v6, v6  }
0x8a: {  	s8 =	sor.u32 s24, s8;
	s31 =	simm.s32 $0x80;
	v8 =	vmul.f32 v8, v8;
	v7 =	vmul.f32 v7, v7;
	v11 =	vld [tilespmem:s17+$0x100]  }
0x8b: {  	s11 =	sand.u32 $0x780, s0;
	s0 =	simm.s32 $0x200;
	v43 =	vld [tilespmem:s15+$0x100];
	v14 =	vmul.f32 v14, v14;
	v16 =	vmul.f32 v16, v16;
	s15 =	sand.u32 $0x40, s31;
	v4 =	vsub.f32 v4, v6  }
0x8c: {  	s16 =	sor.u32 s24, s4;
	v7 =	vadd.f32 v8, v7;
	s21 =	sand.u32 $0x1E00, s0;
	s7 =	sor.u32 $0x20, s15;
	v15 =	vmul.f32 v2, v2;
	v17 =	vmul.f32 v3, v3;
	v6 =	vld [tilespmem:s8+$0x4000]  }
0x8d: {  	v10 =	vadd.f32 v14, v10;
	s17 =	sor.u32 s11, s20;
	s20 =	sor.u32 s7, s21;
	v8 =	vmul.f32 v9, v9;
	v9 =	vld [tilespmem:s16+$0x4000];
	v4 =	vmul.f32 $2.000000030e-01, v4  }
0x8e: {  	v7 =	vadd.f32 v16, v7;
	v12 =	vmul.f32 v42, v42;
	v2 =	vsub.f32 v15, v2;
	v18 =	vld [tilespmem:s20+$0x0]  }
0x8f: {  	v3 =	vsub.f32 v17, v3;
	[tilespmem:v13+s10+$0x0] =	vst.idx.add.f32.msk $0xffff, v1;
	v11 =	vmul.f32 v11, v11;
	v1 =	vadd.f32 $1.279918070e-05, v4  }
0x90: {  	v44 =	vmul.f32 v43, v43;
	v22 =	vld [tilespmem:s20+$0x80];
	v2 =	vmul.f32 $2.000000030e-01, v2;
	v4 =	vadd.f32 v12, v8  }
0x91: {  	(erf) = vrcp.f32 v7;
	v3 =	vmul.f32 $2.000000030e-01, v3;
	v10 =	vadd.f32 v11, v10;
	[tilespmem:v5+s10+$0x0] =	vst.idx.add.f32.msk $0xffff, v1;
	v5 =	vpop (erf)  }
0x92: {  	v54 =	vld [tilespmem:s20+$0x100];
	v45 =	vadd.f32 $1.279918070e-05, v2;
	v4 =	vadd.f32 v44, v4;
	v7 =	vmul.f32 v5, v5  }
0x93: {  	v11 =	vadd.f32 $1.279918070e-05, v3;
	v2 =	vld [tilespmem:s5+$0x5000];
	(erf) = vrcp.f32 v10  }
0x94: {  	[tilespmem:v6+s10+$0x0] =	vst.idx.add.f32.msk $0xffff, v45;
	(erf) = vrcp.f32 v4;
	v4 =	vmul.f32 v7, v5  }
0x95: {  	s4 =	sor.u32 $0x30, s15;
	[tilespmem:v9+s10+$0x0] =	vst.idx.add.f32.msk $0xffff, v11  }
0x96: {  	s5 =	sor.u32 s4, s21;
	v6 =	vld [tilespmem:s17+$0x4000];
	v5 =	vmul.f32 v4, v4  }
0x97: {  	v47 =	vld [tilespmem:s5+$0x100]  }
0x98: {  	v7 =	vld [tilespmem:s5+$0x0];
	v4 =	vsub.f32 v5, v4  }
0x99: {  	v5 =	vld [tilespmem:s5+$0x80]  }
0x9a: {  	v3 =	vld [tilespmem:s8+$0x5000];
	v4 =	vmul.f32 $2.000000030e-01, v4  }
0x9b: {  	v10 =	vld [tilespmem:s16+$0x5000];
	s8 =	sor.u32 $0x10, s15;
	s15 =	sor.u32 s15, s21  }
0x9c: {  	v46 =	vpop (erf);
	v51 =	vld [tilespmem:s15+$0x0];
	v4 =	vadd.f32 $1.279918070e-05, v4  }
0x9d: {  	v20 =	vmul.f32 v46, v46;
	v52 =	vld [tilespmem:s15+$0x80];
	v48 =	vpop (erf)  }
0x9e: {  	s19 =	sor.u32 s8, s21;
	v50 =	vpop (erf);
	v5 =	vmul.f32 v5, v5;
	[tilespmem:v6+s10+$0x0] =	vst.idx.add.f32.msk $0xffff, v4;
	v6 =	vmul.f32 v7, v7  }
0x9f: {  	v18 =	vmul.f32 v18, v18;
	v9 =	vld [tilespmem:s19+$0x0];
	v19 =	vmul.f32 v50, v50  }
0xa0: {  	v49 =	vld [tilespmem:s19+$0x80];
	v12 =	vmul.f32 v20, v46;
	v5 =	vadd.f32 v5, v6;
	v6 =	vmul.f32 v47, v47  }
0xa1: {  	v22 =	vmul.f32 v22, v22;
	v53 =	vld [tilespmem:s19+$0x100];
	v17 =	vmul.f32 v19, v50  }
0xa2: {  	v60 =	vmul.f32 v54, v54;
	s21 =	sor.u32 s11, s23;
	v23 =	vmul.f32 v12, v12;
	v7 =	vld [tilespmem:s17+$0x5000];
	v5 =	vadd.f32 v6, v5  }
0xa3: {  	s24 =	simm.s32 $0x40;
	v24 =	vld [tilespmem:s21+$0x4000];
	v14 =	vmul.f32 v51, v51;
	v6 =	vmul.f32 v17, v17  }
0xa4: {  	v8 =	vld [tilespmem:s24+$0x4000];
	v12 =	vsub.f32 v23, v12;
	v21 =	vmul.f32 v48, v48;
	(erf) = vrcp.f32 v5  }
0xa5: {  	v9 =	vmul.f32 v9, v9;
	v16 =	vmul.f32 v49, v49;
	v5 =	vsub.f32 v6, v17;
	v6 =	vld [tilespmem:s15+$0x100]  }
0xa6: {  	v57 =	vmul.f32 v52, v52;
	v15 =	vmul.f32 v21, v48  }
0xa7: {  	s23 =	sor.u32 s11, s9;
	v59 =	vmul.f32 v53, v53;
	v12 =	vmul.f32 $2.000000030e-01, v12;
	[tilespmem:v3+s10+$0x0] =	vst.idx.add.f32.msk $0xffff, v45;
	v16 =	vadd.f32 v16, v9  }
0xa8: {  	v58 =	vadd.f32 v22, v18;
	v14 =	vadd.f32 v57, v14;
	v9 =	vld [tilespmem:s23+$0x4000];
	v55 =	vmul.f32 v15, v15  }
0xa9: {  	[tilespmem:v10+s10+$0x0] =	vst.idx.add.f32.msk $0xffff, v11;
	v3 =	vadd.f32 $1.279918070e-05, v12;
	v61 =	vadd.f32 v59, v16;
	v56 =	vmul.f32 $2.000000030e-01, v5  }
0xaa: {  	[tilespmem:v7+s10+$0x0] =	vst.idx.add.f32.msk $0xffff, v4;
	v4 =	vsub.f32 v55, v15;
	v6 =	vmul.f32 v6, v6  }
0xab: {  	v62 =	vadd.f32 v60, v58;
	s9 =	simm.s32 $0x80;
	[tilespmem:v24+s10+$0x0] =	vst.idx.add.f32.msk $0xffff, v3;
	v7 =	vadd.f32 $1.279918070e-05, v56  }
0xac: {  	(erf) = vrcp.f32 v61;
	v5 =	vld [tilespmem:s9+$0x4000];
	v4 =	vmul.f32 $2.000000030e-01, v4;
	v6 =	vadd.f32 v6, v14  }
0xad: {  	(erf) = vrcp.f32 v62;
	[tilespmem:v8+s10+$0x0] =	vst.idx.add.f32.msk $0xffff, v7;
	v10 =	vpop (erf)  }
0xae: {  	v8 =	vld [tilespmem:s24+$0x5000];
	v4 =	vadd.f32 $1.279918070e-05, v4;
	(erf) = vrcp.f32 v6;
	v11 =	vmul.f32 v10, v10  }
0xaf: {  	v6 =	vld [tilespmem:s21+$0x5000]  }
.LBB2_5:
0xb0: {  	s5 =	sand.u32 $0x780, s31;
	s31 =	sadd.s32 $0x40, s31;
	v10 =	vmul.f32 v11, v10;
	[tilespmem:v9+s10+$0x0] =	vst.idx.add.f32.msk $0xffff, v4  }
0xb1: {  	s0 =	sadd.s32 $0x100, s0;
	s11 =	sand.u32 $0x40, s31;
	s14 =	sor.u32 s5, s4;
	v11 =	vld [tilespmem:s23+$0x5000]  }
0xb2: {  	s15 =	sand.u32 $0x1E00, s0;
	s16 =	sor.u32 $0x10, s11;
	s4 =	sor.u32 $0x30, s11;
	v9 =	vmul.f32 v10, v10;
	v12 =	vld [tilespmem:s14+$0x4000]  }
0xb3: {  	s19 =	sor.u32 $0x20, s11;
	s17 =	sor.u32 s16, s15;
	s20 =	sor.u32 s4, s15;
	[tilespmem:v2+s10+$0x0] =	vst.idx.add.f32.msk $0xffff, v1;
	v1 =	vmov v7;
	v2 =	vmov v8  }
0xb4: {  	s24 =	sor.u32 s5, s8;
	s21 =	sor.u32 s11, s15;
	s15 =	sor.u32 s19, s15;
	v7 =	vld [tilespmem:s20+$0x0];
	v8 =	vsub.f32 v9, v10  }
0xb5: {  	p1 =	slt.u32 s31, $0x7C0;
	s23 =	sor.u32 s5, s7;
	s11 =	sshra.s32 s0, $0x2;
	v9 =	vld [tilespmem:s20+$0x80];
	v10 =	vpop (erf)  }
0xb6: {  	s8 =	smov.u32 s16;
	s7 =	smov.u32 s19;
	v13 =	vld [tilespmem:s17+$0x0];
	v14 =	vmul.f32 v10, v10;
	v8 =	vmul.f32 $2.000000030e-01, v8;
	v15 =	vpop (erf)  }
0xb7: {  	v16 =	vld [tilespmem:s20+$0x100];
	v17 =	vmul.f32 v15, v15;
	v18 =	vpop (erf)  }
0xb8: {  	v19 =	vld [tilespmem:s17+$0x80];
	v20 =	vmul.f32 v18, v18;
	v10 =	vmul.f32 v14, v10;
	v8 =	vadd.f32 $1.279918070e-05, v8  }
0xb9: {  	v14 =	vld [tilespmem:s15+$0x0];
	v15 =	vmul.f32 v17, v15  }
0xba: {  	v7 =	vmul.f32 v7, v7;
	v9 =	vmul.f32 v9, v9;
	[tilespmem:v12+s10+$0x0] =	vst.idx.add.f32.msk $0xffff, v8  }
0xbb: {  	v12 =	vmul.f32 v13, v13;
	v13 =	vmul.f32 v20, v18;
	v17 =	vld [tilespmem:s14+$0x5000]  }
0xbc: {  	v18 =	vld [tilespmem:s15+$0x80];
	v7 =	vadd.f32 v9, v7;
	v9 =	vmul.f32 v16, v16;
	v16 =	vmul.f32 v10, v10  }
0xbd: {  	v21 =	vmul.f32 v15, v15;
	v20 =	vld [tilespmem:s21+$0x0];
	v19 =	vmul.f32 v19, v19  }
0xbe: {  	v22 =	vld [tilespmem:s21+$0x80];
	v14 =	vmul.f32 v14, v14;
	v7 =	vadd.f32 v9, v7;
	v9 =	vmul.f32 v13, v13  }
0xbf: {  	v10 =	vsub.f32 v16, v10;
	v23 =	vld [tilespmem:s17+$0x100];
	v12 =	vadd.f32 v19, v12  }
0xc0: {  	v16 =	vld [tilespmem:s15+$0x100];
	(erf) = vrcp.f32 v7;
	v7 =	vsub.f32 v9, v13;
	v9 =	vsub.f32 v21, v15  }
0xc1: {  	v10 =	vmul.f32 $2.000000030e-01, v10;
	v13 =	vld [tilespmem:s21+$0x100];
	v15 =	vmul.f32 v18, v18  }
0xc2: {  	v18 =	vmul.f32 v20, v20;
	v19 =	vld [tilespmem:s24+$0x4000];
	v9 =	vmul.f32 $2.000000030e-01, v9  }
0xc3: {  	v7 =	vmul.f32 $2.000000030e-01, v7;
	v20 =	vmul.f32 v22, v22;
	v14 =	vadd.f32 v15, v14;
	[tilespmem:v17+s10+$0x0] =	vst.idx.add.f32.msk $0xffff, v8  }
0xc4: {  	v10 =	vadd.f32 $1.279918070e-05, v10;
	v8 =	vmul.f32 v23, v23;
	v15 =	vadd.f32 $1.279918070e-05, v9;
	v9 =	vld [tilespmem:s23+$0x4000]  }
0xc5: {  	v7 =	vadd.f32 $1.279918070e-05, v7;
	v17 =	vadd.f32 v20, v18;
	v18 =	vld [tilespmem:s11+$0x4000];
	v16 =	vmul.f32 v16, v16  }
0xc6: {  	v13 =	vmul.f32 v13, v13;
	v8 =	vadd.f32 v8, v12;
	[tilespmem:v6+s10+$0x0] =	vst.idx.add.f32.msk $0xffff, v3;
	v3 =	vmov v10  }
.Ltmp3:
0xc7: {  	v6 =	vadd.f32 v16, v14;
	[tilespmem:v5+s10+$0x0] =	vst.idx.add.f32.msk $0xffff, v7;
	(pc) =	sbr.rel @p1 .LBB2_5-.Ltmp3, $4  }
0xc8: {  	v12 =	vadd.f32 v13, v17;
	(erf) = vrcp.f32 v8;
	v8 =	vld [tilespmem:s9+$0x5000];
	s9 =	smov.u32 s11  }
0xc9: {  	(erf) = vrcp.f32 v6;
	v10 =	vpop (erf);
	[tilespmem:v11+s10+$0x0] =	vst.idx.add.f32.msk $0xffff, v4;
	v4 =	vmov v15  }
0xca: {  	v11 =	vmul.f32 v10, v10;
	(erf) = vrcp.f32 v12;
	[tilespmem:v19+s10+$0x0] =	vst.idx.add.f32.msk $0xffff, v3;
	v5 =	vmov v18  }
0xcb: {  	v6 =	vld [tilespmem:s24+$0x5000]  }
0xcc: {  	_ =	sdelay $0x4  }
0xcd: {  	v10 =	vmul.f32 v11, v10;
	v12 =	vpop (erf)  }
0xce: {  	s0 =	sand.u32 $0x780, s31;
	v13 =	vpop (erf);
	v15 =	vmul.f32 v12, v12  }
0xcf: {  	s4 =	sor.u32 s0, s4;
	v16 =	vmul.f32 v10, v10;
	v14 =	vpop (erf)  }
0xd0: {  	v17 =	vld [tilespmem:s4+$0x4000];
	v48 =	vmul.f32 v14, v14;
	v12 =	vmul.f32 v15, v12  }
0xd1: {  	s5 =	sor.u32 s0, s8;
	v49 =	vmul.f32 v13, v13  }
0xd2: {  	v52 =	vld [tilespmem:s5+$0x4000];
	v10 =	vsub.f32 v16, v10;
	v11 =	vmul.f32 v48, v14;
	v51 =	vmul.f32 v12, v12  }
0xd3: {  	[tilespmem:v9+s10+$0x0] =	vst.idx.add.f32.msk $0xffff, v4;
	v13 =	vmul.f32 v49, v13  }
0xd4: {  	[tilespmem:v2+s10+$0x0] =	vst.idx.add.f32.msk $0xffff, v1;
	s0 =	sor.u32 s0, s7;
	v10 =	vmul.f32 $2.000000030e-01, v10;
	v50 =	vmul.f32 v11, v11;
	v12 =	vsub.f32 v51, v12  }
0xd5: {  	v54 =	vld [tilespmem:s0+$0x4000];
	v53 =	vmul.f32 v13, v13  }
0xd6: {  	v58 =	vld [tilespmem:s23+$0x5000];
	v55 =	vadd.f32 $1.279918070e-05, v10;
	v11 =	vsub.f32 v50, v11;
	v12 =	vmul.f32 $2.000000030e-01, v12  }
0xd7: {  	[tilespmem:v8+s10+$0x0] =	vst.idx.add.f32.msk $0xffff, v7;
	v57 =	vsub.f32 v53, v13  }
0xd8: {  	[tilespmem:v17+s10+$0x0] =	vst.idx.add.f32.msk $0xffff, v55;
	v56 =	vmul.f32 $2.000000030e-01, v11;
	v12 =	vadd.f32 $1.279918070e-05, v12  }
0xd9: {  	v59 =	vld [tilespmem:s4+$0x5000];
	v11 =	vmul.f32 $2.000000030e-01, v57  }
0xda: {  	v10 =	vadd.f32 $1.279918070e-05, v56;
	[tilespmem:v52+s10+$0x0] =	vst.idx.add.f32.msk $0xffff, v12  }
0xdb: {  	v60 =	vadd.f32 $1.279918070e-05, v11;
	v61 =	vld [tilespmem:s5+$0x5000]  }
0xdc: {  	[tilespmem:v5+s10+$0x0] =	vst.idx.add.f32.msk $0xffff, v10  }
0xdd: {  	[tilespmem:v54+s10+$0x0] =	vst.idx.add.f32.msk $0xffff, v60  }
0xde: {  	v14 =	vld [tilespmem:s0+$0x5000]  }
0xdf: {  	v62 =	vld [tilespmem:s9+$0x5000]  }
0xe0: {  	[tilespmem:v6+s10+$0x0] =	vst.idx.add.f32.msk $0xffff, v3  }
0xe1: {  	[tilespmem:v58+s10+$0x0] =	vst.idx.add.f32.msk $0xffff, v4  }
0xe2: {  	[tilespmem:v59+s10+$0x0] =	vst.idx.add.f32.msk $0xffff, v55  }
0xe3: {  	s31 =	rddreg [dreg:$0x9]  }
0xe4: {  	s0 =	sadd.s32 s31, s30  }
0xe5: {  	p1 =	sgt.u32 s0, $0xC34;
	[tilespmem:v61+s10+$0x0] =	vst.idx.add.f32.msk $0xffff, v12  }
0xe6: {  	s5 =	rddreg [dreg:$0x0];
	s4 =	sshll.u32 @!p1 s0, $0xA;
	[tilespmem:v14+s10+$0x0] =	vst.idx.add.f32.msk $0xffff, v60  }
0xe7: {  	s4 =	sadd.s32 @!p1 s5, s4;
	s5 =	simm.s32 @!p1 $0x0;
	[tilespmem:v62+s10+$0x0] =	vst.idx.add.f32.msk $0xffff, v10  }
0xe8: {  	[tilespmem:s5], [sflag:$0x1] =	stream.linear.gather @!p1 [hbm4b:s4+s5], $0x2000, $0x38;
	v63 =	vld [tilespmem:$0x0]  }
0xe9: {  	s0 =	sshll.u32 @!p1 s0, $0x8;
	s4 =	rddreg [dreg:$0x1]  }
.Ltmp4:
0xea: {  	s7 =	simm.s32 @!p1 $0x4000;
	s4 =	sadd.s32 @!p1 s4, s0;
	(pc) =	sbr.rel @p0 .LBB2_10-.Ltmp4, $4  }
0xeb: {  	[tilespmem:s7], [sflag:$0x3] =	stream.linear.gather @!p1 [hbm4b:s4+s5], $0x800, $0x38;
	v63 =	vld [tilespmem:$0x0]  }
0xec: {  	s4 =	rddreg [dreg:$0x2]  }
0xed: {  	s0 =	sadd.s32 @!p1 s4, s0;
	s4 =	simm.s32 @!p1 $0x5000  }
0xee: {  	[tilespmem:s4], [sflag:$0x5] =	stream.linear.gather @!p1 [hbm4b:s0+s5], $0x800, $0x38;
	v63 =	vld [tilespmem:$0x0]  }
0xef: {  	s0 =	simm.s32 $0x2  }
0xf0: {  	_ =	swait.ge [sflag:s0], $0x2000  }
0xf1: {  	[sflag:s0] =	ssyncset.done $0x0  }
0xf2: {  	s15 =	simm.s32 $0x4;
	[sflag:s0] =	ssyncadd.s32 $0xFFFFE000  }
0xf3: {  	_ =	swait.ge [sflag:s15], $0x800  }
0xf4: {  	s16 =	simm.s32 $0x0;
	[sflag:s15] =	ssyncset.done $0x0  }
0xf5: {  	s5 =	simm.s32 $0x0;
	s4 =	simm.s32 $0x6;
	[sflag:s15] =	ssyncadd.s32 $0xFFFFF800  }
0xf6: {  	s7 =	sand.u32 $0x40, s5;
	s0 =	sand.u32 $0x1E00, s16;
	_ =	swait.ge [sflag:s4], $0x800  }
0xf7: {  	s8 =	sor.u32 $0x30, s7;
	s0 =	sor.u32 $0x2000, s0;
	[sflag:s4] =	ssyncset.done $0x0  }
0xf8: {  	s17 =	sor.u32 s8, s0;
	[sflag:s4] =	ssyncadd.s32 $0xFFFFF800  }
0xf9: {  	v1 =	vld [tilespmem:s17+$0x0]  }
0xfa: {  	v2 =	vld [tilespmem:s17+$0x80];
	_ =	sdelay $0x1  }
0xfb: {  	v3 =	vld [tilespmem:s17+$0x100];
	_ =	sdelay $0x2  }
0xfc: {  	v1 =	vmul.f32 v1, v1;
	v2 =	vmul.f32 v2, v2  }
0xfd: {  	s11 =	sor.u32 $0x10, s7  }
0xfe: {  	s9 =	sor.u32 s11, s0;
	s4 =	sor.u32 $0x20, s7;
	v1 =	vadd.f32 v2, v1;
	v2 =	vmul.f32 v3, v3  }
0xff: {  	s14 =	sor.u32 s4, s0;
	v4 =	vld [tilespmem:s9+$0x80]  }
0x100: {  	s0 =	sor.u32 s7, s0;
	v5 =	vld [tilespmem:s14+$0x80];
	v1 =	vadd.f32 v2, v1  }
0x101: {  	v6 =	vld [tilespmem:s0+$0x80]  }
0x102: {  	v3 =	vld [tilespmem:s9+$0x0];
	(erf) = vrcp.f32 v1  }
0x103: {  	v2 =	vld [tilespmem:s14+$0x0]  }
0x104: {  	v1 =	vld [tilespmem:s0+$0x0]  }
0x105: {  	v7 =	vld [tilespmem:s9+$0x100]  }
0x106: {  	v8 =	vld [tilespmem:s14+$0x100]  }
0x107: {  	v9 =	vld [tilespmem:s0+$0x100];
	v4 =	vmul.f32 v4, v4;
	v6 =	vmul.f32 v6, v6  }
0x108: {  	v5 =	vmul.f32 v5, v5;
	v3 =	vmul.f32 v3, v3  }
0x109: {  	v2 =	vmul.f32 v2, v2;
	v1 =	vmul.f32 v1, v1  }
0x10a: {  	v3 =	vadd.f32 v4, v3;
	v4 =	vmul.f32 v7, v7  }
0x10b: {  	v2 =	vadd.f32 v5, v2;
	v5 =	vmul.f32 v8, v8;
	v1 =	vadd.f32 v6, v1;
	v6 =	vpop (erf)  }
0x10c: {  	v7 =	vmul.f32 v9, v9;
	v3 =	vadd.f32 v4, v3;
	v4 =	vmul.f32 v6, v6  }
0x10d: {  	s19 =	simm.s32 $0x100;
	s0 =	simm.s32 $0x40;
	v2 =	vadd.f32 v5, v2  }
0x10e: {  	s5 =	sand.u32 $0x780, s5;
	s7 =	sand.u32 $0x1E00, s19;
	s20 =	sand.u32 $0x40, s0;
	v1 =	vadd.f32 v7, v1;
	(erf) = vrcp.f32 v3;
	v3 =	vmul.f32 v4, v6  }
0x10f: {  	s15 =	sor.u32 s5, s8;
	s16 =	sor.u32 $0x2000, s7;
	s21 =	sor.u32 $0x30, s20;
	(erf) = vrcp.f32 v2  }
0x110: {  	s23 =	sor.u32 s21, s16;
	v2 =	vld [tilespmem:s15+$0x4800];
	(erf) = vrcp.f32 v1;
	v1 =	vmul.f32 v3, v3  }
0x111: {  	v4 =	vld [tilespmem:s23+$0x0]  }
0x112: {  	v1 =	vsub.f32 v1, v3;
	v3 =	vld [tilespmem:s23+$0x80];
	_ =	sdelay $0x1  }
0x113: {  	s8 =	sor.u32 $0x20, s20;
	s14 =	sor.u32 s20, s16;
	v6 =	vld [tilespmem:s23+$0x100];
	v1 =	vmul.f32 $2.000000030e-01, v1  }
0x114: {  	s19 =	sor.u32 s8, s16;
	v42 =	vld [tilespmem:s14+$0x80]  }
0x115: {  	v10 =	vld [tilespmem:s19+$0x0];
	v1 =	vadd.f32 $1.279918070e-05, v1  }
0x116: {  	s9 =	sor.u32 $0x10, s20;
	v14 =	vld [tilespmem:s19+$0x80];
	v4 =	vmul.f32 v4, v4;
	v9 =	vpop (erf);
	v3 =	vmul.f32 v3, v3  }
0x117: {  	s17 =	sor.u32 s9, s16;
	v11 =	vpop (erf);
	[tilespmem:v2+s10+$0x0] =	vst.idx.add.f32.msk $0xffff, v1  }
0x118: {  	v8 =	vld [tilespmem:s17+$0x80];
	v12 =	vpop (erf);
	v2 =	vmul.f32 v9, v9;
	v3 =	vadd.f32 v3, v4;
	v4 =	vmul.f32 v6, v6  }
0x119: {  	v7 =	vld [tilespmem:s17+$0x0];
	v6 =	vmul.f32 v12, v12  }
0x11a: {  	v13 =	vld [tilespmem:s15+$0x5800];
	v2 =	vmul.f32 v2, v9;
	v3 =	vadd.f32 v4, v3  }
0x11b: {  	v9 =	vld [tilespmem:s14+$0x0];
	v4 =	vmul.f32 v11, v11;
	v6 =	vmul.f32 v6, v12  }
0x11c: {  	s24 =	simm.s32 $0x0;
	v16 =	vld [tilespmem:s17+$0x100];
	v10 =	vmul.f32 v10, v10;
	(erf) = vrcp.f32 v3  }
0x11d: {  	v5 =	vld [tilespmem:s24+$0x4800];
	v3 =	vmul.f32 v4, v11;
	v4 =	vmul.f32 v6, v6  }
0x11e: {  	s11 =	sor.u32 s5, s11;
	v8 =	vmul.f32 v8, v8;
	v7 =	vmul.f32 v7, v7;
	v11 =	vld [tilespmem:s19+$0x100]  }
0x11f: {  	s4 =	sor.u32 s5, s4;
	v14 =	vmul.f32 v14, v14;
	v15 =	vmul.f32 v2, v2;
	v4 =	vsub.f32 v4, v6;
	v6 =	vld [tilespmem:s11+$0x4800]  }
0x120: {  	v7 =	vadd.f32 v8, v7;
	v17 =	vmul.f32 v3, v3;
	v8 =	vmul.f32 v9, v9;
	v9 =	vld [tilespmem:s4+$0x4800]  }
0x121: {  	v43 =	vld [tilespmem:s14+$0x100];
	v2 =	vsub.f32 v15, v2;
	v4 =	vmul.f32 $2.000000030e-01, v4  }
0x122: {  	v16 =	vmul.f32 v16, v16;
	v10 =	vadd.f32 v14, v10;
	v3 =	vsub.f32 v17, v3  }
0x123: {  	v12 =	vmul.f32 v42, v42;
	v2 =	vmul.f32 $2.000000030e-01, v2;
	[tilespmem:v13+s10+$0x0] =	vst.idx.add.f32.msk $0xffff, v1;
	v1 =	vadd.f32 $1.279918070e-05, v4  }
0x124: {  	v7 =	vadd.f32 v16, v7;
	v11 =	vmul.f32 v11, v11;
	v3 =	vmul.f32 $2.000000030e-01, v3  }
0x125: {  	v45 =	vadd.f32 $1.279918070e-05, v2;
	v4 =	vadd.f32 v12, v8;
	[tilespmem:v5+s10+$0x0] =	vst.idx.add.f32.msk $0xffff, v1  }
0x126: {  	v44 =	vmul.f32 v43, v43;
	v10 =	vadd.f32 v11, v10;
	v11 =	vadd.f32 $1.279918070e-05, v3;
	v2 =	vld [tilespmem:s24+$0x5800]  }
0x127: {  	s5 =	sand.u32 $0x780, s0;
	(erf) = vrcp.f32 v7;
	v5 =	vpop (erf);
	[tilespmem:v6+s10+$0x0] =	vst.idx.add.f32.msk $0xffff, v45  }
0x128: {  	s30 =	simm.s32 $0x80;
	s31 =	simm.s32 $0x200;
	s15 =	sor.u32 s5, s21;
	v4 =	vadd.f32 v44, v4;
	v7 =	vmul.f32 v5, v5;
	[tilespmem:v9+s10+$0x0] =	vst.idx.add.f32.msk $0xffff, v11  }
0x129: {  	s14 =	sand.u32 $0x1E00, s31;
	(erf) = vrcp.f32 v10;
	s24 =	sand.u32 $0x40, s30;
	v6 =	vld [tilespmem:s15+$0x4800]  }
0x12a: {  	s17 =	sor.u32 $0x2000, s14;
	(erf) = vrcp.f32 v4;
	s0 =	sor.u32 $0x30, s24;
	v3 =	vld [tilespmem:s11+$0x5800];
	v4 =	vmul.f32 v7, v5  }
0x12b: {  	s7 =	sor.u32 $0x10, s24;
	v10 =	vld [tilespmem:s4+$0x5800];
	s19 =	sor.u32 s0, s17  }
0x12c: {  	s20 =	sor.u32 s7, s17;
	v7 =	vld [tilespmem:s19+$0x0];
	v5 =	vmul.f32 v4, v4  }
0x12d: {  	v9 =	vld [tilespmem:s20+$0x0]  }
0x12e: {  	v47 =	vld [tilespmem:s19+$0x100];
	v4 =	vsub.f32 v5, v4  }
0x12f: {  	v5 =	vld [tilespmem:s19+$0x80]  }
0x130: {  	v46 =	vpop (erf);
	s11 =	sor.u32 s24, s17;
	v49 =	vld [tilespmem:s20+$0x80];
	v4 =	vmul.f32 $2.000000030e-01, v4  }
0x131: {  	v20 =	vmul.f32 v46, v46;
	v51 =	vld [tilespmem:s11+$0x0]  }
0x132: {  	v52 =	vld [tilespmem:s11+$0x80];
	v4 =	vadd.f32 $1.279918070e-05, v4  }
0x133: {  	s4 =	sor.u32 $0x20, s24;
	v53 =	vld [tilespmem:s20+$0x100];
	v12 =	vmul.f32 v20, v46;
	v48 =	vpop (erf)  }
0x134: {  	s21 =	sor.u32 s4, s17;
	v50 =	vpop (erf);
	v5 =	vmul.f32 v5, v5;
	[tilespmem:v6+s10+$0x0] =	vst.idx.add.f32.msk $0xffff, v4;
	v6 =	vmul.f32 v7, v7  }
0x135: {  	v18 =	vld [tilespmem:s21+$0x0];
	v23 =	vmul.f32 v12, v12;
	v19 =	vmul.f32 v50, v50  }
0x136: {  	v22 =	vld [tilespmem:s21+$0x80];
	v9 =	vmul.f32 v9, v9;
	v5 =	vadd.f32 v5, v6;
	v6 =	vmul.f32 v47, v47  }
0x137: {  	v54 =	vld [tilespmem:s21+$0x100];
	v16 =	vmul.f32 v49, v49;
	v17 =	vmul.f32 v19, v50  }
0x138: {  	s24 =	sor.u32 s5, s9;
	v14 =	vmul.f32 v51, v51;
	v57 =	vmul.f32 v52, v52;
	v7 =	vld [tilespmem:s15+$0x5800];
	v5 =	vadd.f32 v6, v5  }
0x139: {  	s23 =	simm.s32 $0x40;
	v24 =	vld [tilespmem:s24+$0x4800];
	v59 =	vmul.f32 v53, v53;
	v6 =	vmul.f32 v17, v17  }
0x13a: {  	v8 =	vld [tilespmem:s23+$0x4800];
	v12 =	vsub.f32 v23, v12;
	v21 =	vmul.f32 v48, v48;
	(erf) = vrcp.f32 v5  }
0x13b: {  	v18 =	vmul.f32 v18, v18;
	v22 =	vmul.f32 v22, v22;
	v5 =	vsub.f32 v6, v17;
	v6 =	vld [tilespmem:s11+$0x100]  }
0x13c: {  	s9 =	sor.u32 s5, s8;
	v60 =	vmul.f32 v54, v54;
	v15 =	vmul.f32 v21, v48  }
0x13d: {  	v16 =	vadd.f32 v16, v9;
	v9 =	vld [tilespmem:s9+$0x4800];
	v12 =	vmul.f32 $2.000000030e-01, v12;
	v14 =	vadd.f32 v57, v14  }
0x13e: {  	[tilespmem:v3+s10+$0x0] =	vst.idx.add.f32.msk $0xffff, v45;
	v58 =	vadd.f32 v22, v18;
	v55 =	vmul.f32 v15, v15  }
0x13f: {  	[tilespmem:v10+s10+$0x0] =	vst.idx.add.f32.msk $0xffff, v11;
	v61 =	vadd.f32 v59, v16;
	v3 =	vadd.f32 $1.279918070e-05, v12;
	v56 =	vmul.f32 $2.000000030e-01, v5  }
0x140: {  	[tilespmem:v7+s10+$0x0] =	vst.idx.add.f32.msk $0xffff, v4;
	v4 =	vsub.f32 v55, v15;
	v6 =	vmul.f32 v6, v6  }
0x141: {  	s8 =	simm.s32 $0x80;
	v62 =	vadd.f32 v60, v58;
	[tilespmem:v24+s10+$0x0] =	vst.idx.add.f32.msk $0xffff, v3;
	v7 =	vadd.f32 $1.279918070e-05, v56  }
0x142: {  	(erf) = vrcp.f32 v61;
	v5 =	vld [tilespmem:s8+$0x4800];
	v4 =	vmul.f32 $2.000000030e-01, v4;
	v6 =	vadd.f32 v6, v14  }
0x143: {  	(erf) = vrcp.f32 v62;
	[tilespmem:v8+s10+$0x0] =	vst.idx.add.f32.msk $0xffff, v7;
	v10 =	vpop (erf)  }
0x144: {  	v8 =	vld [tilespmem:s23+$0x5800];
	v4 =	vadd.f32 $1.279918070e-05, v4;
	(erf) = vrcp.f32 v6;
	v11 =	vmul.f32 v10, v10  }
0x145: {  	v6 =	vld [tilespmem:s24+$0x5800]  }
.LBB2_8:
0x146: {  	s5 =	sand.u32 $0x780, s30;
	s30 =	sadd.s32 $0x40, s30;
	v10 =	vmul.f32 v11, v10;
	s31 =	sadd.s32 $0x100, s31;
	[tilespmem:v9+s10+$0x0] =	vst.idx.add.f32.msk $0xffff, v4  }
0x147: {  	s11 =	sand.u32 $0x40, s30;
	s14 =	sand.u32 $0x1E00, s31;
	s15 =	sor.u32 s5, s0;
	v11 =	vld [tilespmem:s9+$0x5800]  }
0x148: {  	s9 =	sor.u32 $0x2000, s14;
	s14 =	sor.u32 $0x10, s11;
	s0 =	sor.u32 $0x30, s11;
	v9 =	vmul.f32 v10, v10;
	v12 =	vld [tilespmem:s15+$0x4800]  }
0x149: {  	s17 =	sor.u32 $0x20, s11;
	s16 =	sor.u32 s14, s9;
	s19 =	sor.u32 s0, s9;
	[tilespmem:v2+s10+$0x0] =	vst.idx.add.f32.msk $0xffff, v1;
	v1 =	vmov v7;
	v2 =	vmov v8  }
0x14a: {  	s23 =	sor.u32 s5, s7;
	s20 =	sor.u32 s11, s9;
	s21 =	sor.u32 s17, s9;
	v7 =	vld [tilespmem:s19+$0x0];
	v8 =	vsub.f32 v9, v10  }
0x14b: {  	p0 =	slt.u32 s30, $0x7C0;
	s11 =	sshra.s32 s31, $0x2;
	s9 =	sor.u32 s5, s4;
	v9 =	vld [tilespmem:s19+$0x80];
	v10 =	vpop (erf)  }
0x14c: {  	s7 =	smov.u32 s14;
	s4 =	smov.u32 s17;
	v13 =	vld [tilespmem:s16+$0x0];
	v14 =	vmul.f32 v10, v10;
	v8 =	vmul.f32 $2.000000030e-01, v8;
	v15 =	vpop (erf)  }
0x14d: {  	v16 =	vld [tilespmem:s19+$0x100];
	v17 =	vmul.f32 v15, v15;
	v18 =	vpop (erf)  }
0x14e: {  	v19 =	vld [tilespmem:s16+$0x80];
	v20 =	vmul.f32 v18, v18;
	v10 =	vmul.f32 v14, v10;
	v8 =	vadd.f32 $1.279918070e-05, v8  }
0x14f: {  	v14 =	vld [tilespmem:s21+$0x0];
	v15 =	vmul.f32 v17, v15  }
0x150: {  	v7 =	vmul.f32 v7, v7;
	v9 =	vmul.f32 v9, v9;
	[tilespmem:v12+s10+$0x0] =	vst.idx.add.f32.msk $0xffff, v8  }
0x151: {  	v12 =	vmul.f32 v13, v13;
	v13 =	vmul.f32 v20, v18;
	v17 =	vld [tilespmem:s15+$0x5800]  }
0x152: {  	v18 =	vld [tilespmem:s21+$0x80];
	v7 =	vadd.f32 v9, v7;
	v9 =	vmul.f32 v16, v16;
	v16 =	vmul.f32 v10, v10  }
0x153: {  	v21 =	vmul.f32 v15, v15;
	v20 =	vld [tilespmem:s20+$0x0];
	v19 =	vmul.f32 v19, v19  }
0x154: {  	v22 =	vld [tilespmem:s20+$0x80];
	v14 =	vmul.f32 v14, v14;
	v7 =	vadd.f32 v9, v7;
	v9 =	vmul.f32 v13, v13  }
0x155: {  	v10 =	vsub.f32 v16, v10;
	v23 =	vld [tilespmem:s16+$0x100];
	v12 =	vadd.f32 v19, v12  }
0x156: {  	v16 =	vld [tilespmem:s21+$0x100];
	(erf) = vrcp.f32 v7;
	v7 =	vsub.f32 v9, v13;
	v9 =	vsub.f32 v21, v15  }
0x157: {  	v10 =	vmul.f32 $2.000000030e-01, v10;
	v13 =	vld [tilespmem:s20+$0x100];
	v15 =	vmul.f32 v18, v18  }
0x158: {  	v18 =	vmul.f32 v20, v20;
	v19 =	vld [tilespmem:s23+$0x4800];
	v9 =	vmul.f32 $2.000000030e-01, v9  }
0x159: {  	v7 =	vmul.f32 $2.000000030e-01, v7;
	v20 =	vmul.f32 v22, v22;
	v14 =	vadd.f32 v15, v14;
	[tilespmem:v17+s10+$0x0] =	vst.idx.add.f32.msk $0xffff, v8  }
0x15a: {  	v10 =	vadd.f32 $1.279918070e-05, v10;
	v8 =	vmul.f32 v23, v23;
	v15 =	vadd.f32 $1.279918070e-05, v9;
	v9 =	vld [tilespmem:s9+$0x4800]  }
0x15b: {  	v7 =	vadd.f32 $1.279918070e-05, v7;
	v17 =	vadd.f32 v20, v18;
	v18 =	vld [tilespmem:s11+$0x4800];
	v16 =	vmul.f32 v16, v16  }
0x15c: {  	v13 =	vmul.f32 v13, v13;
	v8 =	vadd.f32 v8, v12;
	[tilespmem:v6+s10+$0x0] =	vst.idx.add.f32.msk $0xffff, v3;
	v3 =	vmov v10  }
.Ltmp5:
0x15d: {  	v6 =	vadd.f32 v16, v14;
	[tilespmem:v5+s10+$0x0] =	vst.idx.add.f32.msk $0xffff, v7;
	(pc) =	sbr.rel @p0 .LBB2_8-.Ltmp5, $4  }
0x15e: {  	v12 =	vadd.f32 v13, v17;
	(erf) = vrcp.f32 v8;
	v8 =	vld [tilespmem:s8+$0x5800];
	s8 =	smov.u32 s11  }
0x15f: {  	(erf) = vrcp.f32 v6;
	v10 =	vpop (erf);
	[tilespmem:v11+s10+$0x0] =	vst.idx.add.f32.msk $0xffff, v4;
	v4 =	vmov v15  }
0x160: {  	v11 =	vmul.f32 v10, v10;
	(erf) = vrcp.f32 v12;
	[tilespmem:v19+s10+$0x0] =	vst.idx.add.f32.msk $0xffff, v3;
	v5 =	vmov v18  }
0x161: {  	v6 =	vld [tilespmem:s23+$0x5800]  }
0x162: {  	_ =	sdelay $0x4  }
0x163: {  	v10 =	vmul.f32 v11, v10;
	v12 =	vpop (erf)  }
0x164: {  	s5 =	sand.u32 $0x780, s30;
	v13 =	vpop (erf);
	v15 =	vmul.f32 v12, v12  }
0x165: {  	s0 =	sor.u32 s5, s0;
	v16 =	vmul.f32 v10, v10;
	v14 =	vpop (erf)  }
0x166: {  	v17 =	vld [tilespmem:s0+$0x4800];
	v48 =	vmul.f32 v14, v14;
	v12 =	vmul.f32 v15, v12  }
0x167: {  	s7 =	sor.u32 s5, s7;
	v49 =	vmul.f32 v13, v13  }
0x168: {  	v52 =	vld [tilespmem:s7+$0x4800];
	v10 =	vsub.f32 v16, v10;
	v11 =	vmul.f32 v48, v14;
	v51 =	vmul.f32 v12, v12  }
0x169: {  	v13 =	vmul.f32 v49, v13  }
0x16a: {  	s4 =	sor.u32 s5, s4;
	v10 =	vmul.f32 $2.000000030e-01, v10;
	v50 =	vmul.f32 v11, v11;
	v12 =	vsub.f32 v51, v12  }
0x16b: {  	v54 =	vld [tilespmem:s4+$0x4800];
	v53 =	vmul.f32 v13, v13  }
0x16c: {  	[tilespmem:v9+s10+$0x0] =	vst.idx.add.f32.msk $0xffff, v4;
	v55 =	vadd.f32 $1.279918070e-05, v10;
	v11 =	vsub.f32 v50, v11;
	v12 =	vmul.f32 $2.000000030e-01, v12  }
0x16d: {  	v58 =	vld [tilespmem:s9+$0x5800];
	v57 =	vsub.f32 v53, v13  }
0x16e: {  	[tilespmem:v17+s10+$0x0] =	vst.idx.add.f32.msk $0xffff, v55;
	v56 =	vmul.f32 $2.000000030e-01, v11;
	v12 =	vadd.f32 $1.279918070e-05, v12  }
0x16f: {  	v59 =	vld [tilespmem:s0+$0x5800];
	v11 =	vmul.f32 $2.000000030e-01, v57  }
0x170: {  	v10 =	vadd.f32 $1.279918070e-05, v56;
	[tilespmem:v52+s10+$0x0] =	vst.idx.add.f32.msk $0xffff, v12  }
0x171: {  	v60 =	vadd.f32 $1.279918070e-05, v11;
	v61 =	vld [tilespmem:s7+$0x5800]  }
0x172: {  	[tilespmem:v5+s10+$0x0] =	vst.idx.add.f32.msk $0xffff, v10  }
0x173: {  	[tilespmem:v54+s10+$0x0] =	vst.idx.add.f32.msk $0xffff, v60  }
0x174: {  	v14 =	vld [tilespmem:s4+$0x5800]  }
0x175: {  	v62 =	vld [tilespmem:s8+$0x5800]  }
0x176: {  	[tilespmem:v2+s10+$0x0] =	vst.idx.add.f32.msk $0xffff, v1  }
0x177: {  	[tilespmem:v8+s10+$0x0] =	vst.idx.add.f32.msk $0xffff, v7  }
0x178: {  	[tilespmem:v6+s10+$0x0] =	vst.idx.add.f32.msk $0xffff, v3  }
.Ltmp6:
0x179: {  	[tilespmem:v58+s10+$0x0] =	vst.idx.add.f32.msk $0xffff, v4;
	(pc) =	sbr.rel .LBB2_10-.Ltmp6, $4  }
0x17a: {  	[tilespmem:v59+s10+$0x0] =	vst.idx.add.f32.msk $0xffff, v55  }
0x17b: {  	[tilespmem:v61+s10+$0x0] =	vst.idx.add.f32.msk $0xffff, v12  }
0x17c: {  	[tilespmem:v14+s10+$0x0] =	vst.idx.add.f32.msk $0xffff, v60  }
0x17d: {  	[tilespmem:v62+s10+$0x0] =	vst.idx.add.f32.msk $0xffff, v10  }
.LBB2_11:
0x17e: {  	s5 =	rddreg [dreg:$0xa]  }
0x17f: {  	s8 =	rddreg [dreg:$0xb]  }
0x180: {  	s9 =	rddreg [dreg:$0xc]  }
0x181: {  	s14 =	rddreg [dreg:$0xd]  }
0x182: {  	s15 =	rddreg [dreg:$0xe]  }
0x183: {  	s16 =	rddreg [dreg:$0xf]  }
0x184: {  	s17 =	rddreg [dreg:$0x10]  }
0x185: {  	s19 =	rddreg [dreg:$0x11]  }
0x186: {  	s20 =	rddreg [dreg:$0x12]  }
0x187: {  	s21 =	rddreg [dreg:$0x13]  }
0x188: {  	s23 =	rddreg [dreg:$0x17]  }
0x189: {  	s29 =	simm.s32 $0x0;
	s11 =	simm.s32 $0x0;
	s7 =	rddreg [dreg:$0x18]  }
0x18a: {  	[spmem:s5] =	stream.linear.scatter [tilespmem:s10], [sflag:$0x8], $0x800, $0x38;
	v63 =	vld [tilespmem:$0x0]  }
.LBB2_12:
0x18b: {  	_ =	swait.ge [sflag:s13], $0x800;
	s0 =	sshllo.u32 s29, $0x1  }
0x18c: {  	[sflag:s13] =	ssyncset.done $0x0;
	s30 =	sshll.u32 s0, $0xB  }
0x18d: {  	[sflag:s13] =	ssyncadd.s32 $0xFFFFF800;
	s0 =	sand.u32 $0x3FFFF800, s30  }
0x18e: {  	[bflag:$0x0] =	sbarrier.arrive $0xFFFF;
	s0 =	sadd.s32 $0x6000, s0  }
0x18f: {  	[spmem:s8] =	stream.linear.scatter [tilespmem:s0], [sflag:$0x8], $0x800, $0x38;
	v63 =	vld [tilespmem:$0x0]  }
0x190: {  	_ = 	snop  }
0x191: {  	[tilespmem:s25], [sflag:$0x7] =	stream.linear.gather [spmem:s12], $0x80, $0x38;
	v63 =	vld [tilespmem:$0x0]  }
0x192: {  	s4 =	simm.s32 $0x1E880  }
0x193: {  	[tilespmem:s4], [sflag:$0x7] =	stream.linear.gather [spmem:s9], $0x80, $0x38;
	v63 =	vld [tilespmem:$0x0]  }
0x194: {  	s24 =	simm.s32 $0x1E900  }
0x195: {  	[tilespmem:s24], [sflag:$0x7] =	stream.linear.gather [spmem:s14], $0x80, $0x38;
	v63 =	vld [tilespmem:$0x0]  }
0x196: {  	s4 =	simm.s32 $0x1E980  }
0x197: {  	[tilespmem:s4], [sflag:$0x7] =	stream.linear.gather [spmem:s15], $0x80, $0x38;
	v63 =	vld [tilespmem:$0x0]  }
0x198: {  	s24 =	simm.s32 $0x1EA00  }
0x199: {  	[tilespmem:s24], [sflag:$0x7] =	stream.linear.gather [spmem:s16], $0x80, $0x38;
	v63 =	vld [tilespmem:$0x0]  }
0x19a: {  	s4 =	simm.s32 $0x1EA80  }
0x19b: {  	[tilespmem:s4], [sflag:$0x7] =	stream.linear.gather [spmem:s17], $0x80, $0x38;
	v63 =	vld [tilespmem:$0x0]  }
0x19c: {  	s24 =	simm.s32 $0x1EB00  }
0x19d: {  	[tilespmem:s24], [sflag:$0x7] =	stream.linear.gather [spmem:s19], $0x80, $0x38;
	v63 =	vld [tilespmem:$0x0]  }
0x19e: {  	s4 =	simm.s32 $0x1EB80  }
0x19f: {  	[tilespmem:s4], [sflag:$0x7] =	stream.linear.gather [spmem:s20], $0x80, $0x38;
	v63 =	vld [tilespmem:$0x0]  }
0x1a0: {  	s31 =	simm.s32 $0x1EC00  }
0x1a1: {  	[tilespmem:s31], [sflag:$0x7] =	stream.linear.gather [spmem:s21], $0x80, $0x38;
	v63 =	vld [tilespmem:$0x0]  }
0x1a2: {  	s24 =	simm.s32 $0x1EC80  }
0x1a3: {  	[tilespmem:s24], [sflag:$0x7] =	stream.linear.gather [spmem:s23], $0x80, $0x38;
	v63 =	vld [tilespmem:$0x0]  }
0x1a4: {  	s4 =	simm.s32 $0x1ED00  }
0x1a5: {  	[tilespmem:s4], [sflag:$0x7] =	stream.linear.gather [spmem:s7], $0x80, $0x38;
	v63 =	vld [tilespmem:$0x0]  }
0x1a6: {  	s24 =	rddreg [dreg:$0x19];
	s4 =	simm.s32 $0x1ED80  }
0x1a7: {  	[tilespmem:s4], [sflag:$0x7] =	stream.linear.gather [spmem:s24], $0x80, $0x38;
	v63 =	vld [tilespmem:$0x0]  }
0x1a8: {  	s4 =	rddreg [dreg:$0x1a];
	s24 =	simm.s32 $0x1EE00  }
0x1a9: {  	[tilespmem:s24], [sflag:$0x7] =	stream.linear.gather [spmem:s4], $0x80, $0x38;
	v63 =	vld [tilespmem:$0x0]  }
0x1aa: {  	s4 =	rddreg [dreg:$0x1b];
	s24 =	simm.s32 $0x1EE80  }
0x1ab: {  	[tilespmem:s24], [sflag:$0x7] =	stream.linear.gather [spmem:s4], $0x80, $0x38;
	v63 =	vld [tilespmem:$0x0]  }
0x1ac: {  	s4 =	rddreg [dreg:$0x1c];
	s24 =	simm.s32 $0x1EF00  }
0x1ad: {  	[tilespmem:s24], [sflag:$0x7] =	stream.linear.gather [spmem:s4], $0x80, $0x38;
	v63 =	vld [tilespmem:$0x0]  }
0x1ae: {  	s24 =	rddreg [dreg:$0x1d]  }
0x1af: {  	[tilespmem:s22], [sflag:$0x7] =	stream.linear.gather [spmem:s24], $0x80, $0x38;
	v63 =	vld [tilespmem:$0x0]  }
0x1b0: {  	_ =	swait.ge [sflag:s26], $0x80  }
0x1b1: {  	[sflag:s26] =	ssyncset.done $0x0  }
0x1b2: {  	[sflag:s26] =	ssyncadd.s32 $0xFFFFFF80  }
0x1b3: {  	_ =	swait.ge [sflag:s26], $0x80  }
0x1b4: {  	[sflag:s26] =	ssyncset.done $0x0  }
0x1b5: {  	[sflag:s26] =	ssyncadd.s32 $0xFFFFFF80  }
0x1b6: {  	_ =	swait.ge [sflag:s26], $0x80  }
0x1b7: {  	[sflag:s26] =	ssyncset.done $0x0  }
0x1b8: {  	[sflag:s26] =	ssyncadd.s32 $0xFFFFFF80  }
0x1b9: {  	_ =	swait.ge [sflag:s26], $0x80  }
0x1ba: {  	[sflag:s26] =	ssyncset.done $0x0  }
0x1bb: {  	[sflag:s26] =	ssyncadd.s32 $0xFFFFFF80  }
0x1bc: {  	_ =	swait.ge [sflag:s26], $0x80  }
0x1bd: {  	[sflag:s26] =	ssyncset.done $0x0  }
0x1be: {  	[sflag:s26] =	ssyncadd.s32 $0xFFFFFF80  }
0x1bf: {  	_ =	swait.ge [sflag:s26], $0x80  }
0x1c0: {  	[sflag:s26] =	ssyncset.done $0x0  }
0x1c1: {  	[sflag:s26] =	ssyncadd.s32 $0xFFFFFF80  }
0x1c2: {  	_ =	swait.ge [sflag:s26], $0x80  }
0x1c3: {  	[sflag:s26] =	ssyncset.done $0x0  }
0x1c4: {  	[sflag:s26] =	ssyncadd.s32 $0xFFFFFF80  }
0x1c5: {  	_ =	swait.ge [sflag:s26], $0x80  }
0x1c6: {  	[sflag:s26] =	ssyncset.done $0x0  }
0x1c7: {  	[sflag:s26] =	ssyncadd.s32 $0xFFFFFF80  }
0x1c8: {  	_ =	swait.ge [sflag:s26], $0x80  }
0x1c9: {  	[sflag:s26] =	ssyncset.done $0x0  }
0x1ca: {  	[sflag:s26] =	ssyncadd.s32 $0xFFFFFF80  }
0x1cb: {  	_ =	swait.ge [sflag:s26], $0x80  }
0x1cc: {  	[sflag:s26] =	ssyncset.done $0x0  }
0x1cd: {  	[sflag:s26] =	ssyncadd.s32 $0xFFFFFF80  }
0x1ce: {  	_ =	swait.ge [sflag:s26], $0x80  }
0x1cf: {  	[sflag:s26] =	ssyncset.done $0x0  }
0x1d0: {  	[sflag:s26] =	ssyncadd.s32 $0xFFFFFF80  }
0x1d1: {  	_ =	swait.ge [sflag:s26], $0x80  }
0x1d2: {  	[sflag:s26] =	ssyncset.done $0x0  }
0x1d3: {  	[sflag:s26] =	ssyncadd.s32 $0xFFFFFF80  }
0x1d4: {  	_ =	swait.ge [sflag:s26], $0x80  }
0x1d5: {  	[sflag:s26] =	ssyncset.done $0x0  }
0x1d6: {  	[sflag:s26] =	ssyncadd.s32 $0xFFFFFF80  }
0x1d7: {  	_ =	swait.ge [sflag:s26], $0x80  }
0x1d8: {  	[sflag:s26] =	ssyncset.done $0x0  }
0x1d9: {  	[sflag:s26] =	ssyncadd.s32 $0xFFFFFF80  }
0x1da: {  	_ =	swait.ge [sflag:s26], $0x80  }
0x1db: {  	[sflag:s26] =	ssyncset.done $0x0  }
0x1dc: {  	[sflag:s26] =	ssyncadd.s32 $0xFFFFFF80  }
0x1dd: {  	_ =	swait.ge [sflag:s26], $0x80  }
0x1de: {  	[sflag:s26] =	ssyncset.done $0x0  }
0x1df: {  	[sflag:s26] =	ssyncadd.s32 $0xFFFFFF80  }
0x1e0: {  	v1 =	vld [tilespmem:s31+$0xFFFFFC10]  }
0x1e1: {  	v2 =	vld [tilespmem:s31+$0xFFFFFC90]  }
0x1e2: {  	v3 =	vld [tilespmem:s31+$0xFFFFFC80]  }
0x1e3: {  	v4 =	vld [tilespmem:s31+$0xFFFFFD10]  }
0x1e4: {  	v5 =	vld [tilespmem:s31+$0xFFFFFC00]  }
0x1e5: {  	v6 =	vld [tilespmem:s31+$0xFFFFFD90]  }
0x1e6: {  	v7 =	vld [tilespmem:s31+$0xFFFFFD00];
	v1 =	vadd.f32 v2, v1  }
0x1e7: {  	v2 =	vld [tilespmem:s31+$0xFFFFFE10]  }
0x1e8: {  	v8 =	vld [tilespmem:s31+$0xFFFFFD80];
	v1 =	vadd.f32 v4, v1  }
0x1e9: {  	v3 =	vadd.f32 v3, v5;
	v4 =	vld [tilespmem:s31+$0xFFFFFE90]  }
0x1ea: {  	v5 =	vld [tilespmem:s31+$0xFFFFFE00];
	v1 =	vadd.f32 v6, v1  }
0x1eb: {  	v3 =	vadd.f32 v7, v3;
	v6 =	vld [tilespmem:s31+$0xFFFFFF10]  }
0x1ec: {  	v7 =	vld [tilespmem:s31+$0xFFFFFE80];
	v1 =	vadd.f32 v2, v1  }
0x1ed: {  	v2 =	vadd.f32 v8, v3;
	v3 =	vld [tilespmem:s31+$0xFFFFFF90]  }
0x1ee: {  	v8 =	vld [tilespmem:s31+$0xFFFFFF00];
	v1 =	vadd.f32 v4, v1  }
0x1ef: {  	v2 =	vadd.f32 v5, v2;
	v4 =	vld [tilespmem:s31+$0x10]  }
0x1f0: {  	v5 =	vld [tilespmem:s31+$0xFFFFFF80];
	v1 =	vadd.f32 v6, v1  }
0x1f1: {  	v2 =	vadd.f32 v7, v2;
	v6 =	vld [tilespmem:s31+$0x90]  }
0x1f2: {  	v7 =	vld [tilespmem:s31+$0x0];
	v1 =	vadd.f32 v3, v1  }
0x1f3: {  	v2 =	vadd.f32 v8, v2;
	v3 =	vld [tilespmem:s31+$0x110]  }
0x1f4: {  	v8 =	vld [tilespmem:s31+$0x80];
	v1 =	vadd.f32 v4, v1  }
0x1f5: {  	v2 =	vadd.f32 v5, v2;
	v4 =	vld [tilespmem:s31+$0x190]  }
0x1f6: {  	v5 =	vld [tilespmem:s31+$0x100];
	v1 =	vadd.f32 v6, v1  }
0x1f7: {  	v2 =	vadd.f32 v7, v2;
	v6 =	vld [tilespmem:s31+$0x210]  }
0x1f8: {  	v7 =	vld [tilespmem:s31+$0x180];
	v1 =	vadd.f32 v3, v1  }
0x1f9: {  	v2 =	vadd.f32 v8, v2;
	v8 =	vld [tilespmem:s31+$0x290]  }
0x1fa: {  	v9 =	vld [tilespmem:s31+$0x200];
	v3 =	vadd.f32 v4, v1  }
0x1fb: {  	v4 =	vadd.f32 v5, v2;
	v1 =	vld [tilespmem:s31+$0x310]  }
0x1fc: {  	v2 =	vld [tilespmem:s31+$0x280];
	v6 =	vadd.f32 v6, v3  }
0x1fd: {  	v4 =	vadd.f32 v7, v4;
	v3 =	vld [tilespmem:s31+$0x390]  }
0x1fe: {  	v5 =	vld [tilespmem:s31+$0x300];
	v6 =	vadd.f32 v8, v6  }
0x1ff: {  	s0 =	simm.s32 $0x0;
	s4 =	simm.s32 $0x1EC20;
	v7 =	vadd.f32 v9, v4;
	v4 =	vld [tilespmem:s31+$0x380]  }
.LBB2_13:
0x200: {  	v8 =	vld [tilespmem:s4+$0xFFFFFC10];
	v1 =	vadd.f32 v1, v6  }
0x201: {  	s0 =	sadd.s32 $0x20, s0;
	v6 =	vld [tilespmem:s4+$0xFFFFFC90];
	v2 =	vadd.f32 v2, v7  }
0x202: {  	p0 =	slt.u32 s0, $0x60;
	v7 =	vld [tilespmem:s4+$0xFFFFFC80];
	v1 =	vadd.f32 v3, v1  }
0x203: {  	v3 =	vld [tilespmem:s4+$0xFFFFFD10];
	v2 =	vadd.f32 v5, v2  }
0x204: {  	v5 =	vld [tilespmem:s4+$0xFFFFFC00];
	[tilespmem:s31+$0xFFFFFC10] =	vst v1  }
0x205: {  	v1 =	vld [tilespmem:s4+$0xFFFFFD90];
	v2 =	vadd.f32 v4, v2  }
0x206: {  	v4 =	vld [tilespmem:s4+$0xFFFFFD00];
	v6 =	vadd.f32 v6, v8  }
0x207: {  	v8 =	vld [tilespmem:s4+$0xFFFFFE10];
	[tilespmem:s31+$0xFFFFFC00] =	vst v2;
	s31 =	smov.u32 s4  }
0x208: {  	v2 =	vld [tilespmem:s4+$0xFFFFFD80];
	v3 =	vadd.f32 v3, v6  }
0x209: {  	v5 =	vadd.f32 v7, v5;
	v6 =	vld [tilespmem:s4+$0xFFFFFE90]  }
0x20a: {  	v7 =	vld [tilespmem:s4+$0xFFFFFE00];
	v1 =	vadd.f32 v1, v3  }
0x20b: {  	v3 =	vadd.f32 v4, v5;
	v4 =	vld [tilespmem:s4+$0xFFFFFF10]  }
0x20c: {  	v5 =	vld [tilespmem:s4+$0xFFFFFE80];
	v1 =	vadd.f32 v8, v1  }
0x20d: {  	v2 =	vadd.f32 v2, v3;
	v3 =	vld [tilespmem:s4+$0xFFFFFF90]  }
0x20e: {  	v8 =	vld [tilespmem:s4+$0xFFFFFF00];
	v1 =	vadd.f32 v6, v1  }
0x20f: {  	v2 =	vadd.f32 v7, v2;
	v6 =	vld [tilespmem:s4+$0x10]  }
0x210: {  	v7 =	vld [tilespmem:s4+$0xFFFFFF80];
	v1 =	vadd.f32 v4, v1  }
0x211: {  	v2 =	vadd.f32 v5, v2;
	v4 =	vld [tilespmem:s4+$0x90]  }
0x212: {  	v5 =	vld [tilespmem:s4+$0x0];
	v1 =	vadd.f32 v3, v1  }
0x213: {  	v2 =	vadd.f32 v8, v2;
	v3 =	vld [tilespmem:s4+$0x110]  }
0x214: {  	v8 =	vld [tilespmem:s4+$0x80];
	v1 =	vadd.f32 v6, v1  }
0x215: {  	v2 =	vadd.f32 v7, v2;
	v6 =	vld [tilespmem:s4+$0x190]  }
0x216: {  	v7 =	vld [tilespmem:s4+$0x100];
	v1 =	vadd.f32 v4, v1  }
0x217: {  	v2 =	vadd.f32 v5, v2;
	v4 =	vld [tilespmem:s4+$0x210]  }
0x218: {  	v5 =	vld [tilespmem:s4+$0x180];
	v1 =	vadd.f32 v3, v1  }
0x219: {  	v2 =	vadd.f32 v8, v2;
	v8 =	vld [tilespmem:s4+$0x290]  }
0x21a: {  	v9 =	vld [tilespmem:s4+$0x200];
	v3 =	vadd.f32 v6, v1  }
.Ltmp7:
0x21b: {  	v6 =	vadd.f32 v7, v2;
	v1 =	vld [tilespmem:s4+$0x310];
	(pc) =	sbr.rel @p0 .LBB2_13-.Ltmp7, $4  }
0x21c: {  	v2 =	vld [tilespmem:s4+$0x280];
	v4 =	vadd.f32 v4, v3  }
0x21d: {  	v7 =	vadd.f32 v5, v6;
	v3 =	vld [tilespmem:s4+$0x390]  }
0x21e: {  	v5 =	vld [tilespmem:s4+$0x300];
	v6 =	vadd.f32 v8, v4  }
0x21f: {  	s4 =	sadd.s32 $0x20, s4;
	v7 =	vadd.f32 v9, v7;
	v4 =	vld [tilespmem:s31+$0x380]  }
0x220: {  	_ = 	snop  }
0x221: {  	v2 =	vadd.f32 v2, v7  }
0x222: {  	v1 =	vadd.f32 v1, v6  }
0x223: {  	v2 =	vadd.f32 v5, v2  }
0x224: {  	s0 =	sshll.u32 s29, $0xC;
	v1 =	vadd.f32 v3, v1  }
0x225: {  	s4 =	sadd.s32 s18, s0;
	v2 =	vadd.f32 v4, v2  }
0x226: {  	s4 =	sshrl.u32 s4, $0x3;
	[tilespmem:s31+$0xFFFFFC10] =	vst v1  }
0x227: {  	s4 =	sadd.s32 s6, s4;
	[tilespmem:s31+$0xFFFFFC00] =	vst v2  }
0x228: {  	[hbm4b:s4+s11] =	stream.linear.scatter [tilespmem:s25], [sflag:$0x9], $0x80, $0x38;
	v63 =	vld [tilespmem:$0x0]  }
0x229: {  	_ =	swait.ge [sflag:s28], $0x80  }
0x22a: {  	[sflag:s28] =	ssyncset.done $0x0  }
0x22b: {  	[sflag:s28] =	ssyncadd.s32 $0xFFFFFF80  }
0x22c: {  	[bflag:$0x0] =	sbarrier.arrive $0xFFFF  }
0x22d: {  	_ =	swait.ge [sflag:s13], $0x800  }
0x22e: {  	[sflag:s13] =	ssyncset.done $0x0  }
0x22f: {  	s0 =	sand.u32 $0x3FFFF000, s0;
	[sflag:s13] =	ssyncadd.s32 $0xFFFFF800  }
0x230: {  	s0 =	sadd.s32 $0x7000, s0;
	[bflag:$0x0] =	sbarrier.arrive $0xFFFF  }
0x231: {  	[spmem:s5] =	stream.linear.scatter [tilespmem:s0], [sflag:$0x8], $0x800, $0x38;
	v63 =	vld [tilespmem:$0x0]  }
0x232: {  	s24 =	rddreg [dreg:$0x1e]  }
0x233: {  	[tilespmem:s25], [sflag:$0x7] =	stream.linear.gather [spmem:s24], $0x80, $0x38;
	v63 =	vld [tilespmem:$0x0]  }
0x234: {  	s4 =	rddreg [dreg:$0x1f];
	s24 =	simm.s32 $0x1E880  }
0x235: {  	[tilespmem:s24], [sflag:$0x7] =	stream.linear.gather [spmem:s4], $0x80, $0x38;
	v63 =	vld [tilespmem:$0x0]  }
0x236: {  	s4 =	sld [smem:$0x7F0];
	_ =	sdelay $0x1  }
0x237: {  	s24 =	simm.s32 $0x1E900  }
0x238: {  	[tilespmem:s24], [sflag:$0x7] =	stream.linear.gather [spmem:s4], $0x80, $0x38;
	v63 =	vld [tilespmem:$0x0]  }
0x239: {  	s4 =	sld [smem:$0x7F1];
	_ =	sdelay $0x1  }
0x23a: {  	s24 =	simm.s32 $0x1E980  }
0x23b: {  	[tilespmem:s24], [sflag:$0x7] =	stream.linear.gather [spmem:s4], $0x80, $0x38;
	v63 =	vld [tilespmem:$0x0]  }
0x23c: {  	s4 =	sld [smem:$0x7F2];
	_ =	sdelay $0x1  }
0x23d: {  	s24 =	simm.s32 $0x1EA00  }
0x23e: {  	[tilespmem:s24], [sflag:$0x7] =	stream.linear.gather [spmem:s4], $0x80, $0x38;
	v63 =	vld [tilespmem:$0x0]  }
0x23f: {  	s4 =	sld [smem:$0x7F3];
	_ =	sdelay $0x1  }
0x240: {  	s24 =	simm.s32 $0x1EA80  }
0x241: {  	[tilespmem:s24], [sflag:$0x7] =	stream.linear.gather [spmem:s4], $0x80, $0x38;
	v63 =	vld [tilespmem:$0x0]  }
0x242: {  	s4 =	sld [smem:$0x7F4];
	_ =	sdelay $0x1  }
0x243: {  	s24 =	simm.s32 $0x1EB00  }
0x244: {  	[tilespmem:s24], [sflag:$0x7] =	stream.linear.gather [spmem:s4], $0x80, $0x38;
	v63 =	vld [tilespmem:$0x0]  }
0x245: {  	s4 =	sld [smem:$0x7F5];
	_ =	sdelay $0x1  }
0x246: {  	s24 =	simm.s32 $0x1EB80  }
0x247: {  	[tilespmem:s24], [sflag:$0x7] =	stream.linear.gather [spmem:s4], $0x80, $0x38;
	v63 =	vld [tilespmem:$0x0]  }
0x248: {  	s24 =	sld [smem:$0x7F6];
	_ =	sdelay $0x1  }
0x249: {  	s31 =	simm.s32 $0x1EC00;
	s4 =	sld [smem:$0x7F7]  }
0x24a: {  	[tilespmem:s31], [sflag:$0x7] =	stream.linear.gather [spmem:s24], $0x80, $0x38;
	v63 =	vld [tilespmem:$0x0]  }
0x24b: {  	s24 =	simm.s32 $0x1EC80  }
0x24c: {  	[tilespmem:s24], [sflag:$0x7] =	stream.linear.gather [spmem:s4], $0x80, $0x38;
	v63 =	vld [tilespmem:$0x0]  }
0x24d: {  	s4 =	sld [smem:$0x7F8];
	_ =	sdelay $0x1  }
0x24e: {  	s24 =	simm.s32 $0x1ED00  }
0x24f: {  	[tilespmem:s24], [sflag:$0x7] =	stream.linear.gather [spmem:s4], $0x80, $0x38;
	v63 =	vld [tilespmem:$0x0]  }
0x250: {  	s4 =	sld [smem:$0x7F9];
	_ =	sdelay $0x1  }
0x251: {  	s24 =	simm.s32 $0x1ED80  }
0x252: {  	[tilespmem:s24], [sflag:$0x7] =	stream.linear.gather [spmem:s4], $0x80, $0x38;
	v63 =	vld [tilespmem:$0x0]  }
0x253: {  	s4 =	sld [smem:$0x7FA];
	_ =	sdelay $0x1  }
0x254: {  	s24 =	simm.s32 $0x1EE00  }
0x255: {  	[tilespmem:s24], [sflag:$0x7] =	stream.linear.gather [spmem:s4], $0x80, $0x38;
	v63 =	vld [tilespmem:$0x0]  }
0x256: {  	s4 =	sld [smem:$0x7FB];
	_ =	sdelay $0x1  }
0x257: {  	s24 =	simm.s32 $0x1EE80  }
0x258: {  	[tilespmem:s24], [sflag:$0x7] =	stream.linear.gather [spmem:s4], $0x80, $0x38;
	v63 =	vld [tilespmem:$0x0]  }
0x259: {  	s4 =	sld [smem:$0x7FC];
	_ =	sdelay $0x1  }
0x25a: {  	s24 =	simm.s32 $0x1EF00  }
0x25b: {  	[tilespmem:s24], [sflag:$0x7] =	stream.linear.gather [spmem:s4], $0x80, $0x38;
	v63 =	vld [tilespmem:$0x0]  }
0x25c: {  	s24 =	sld [smem:$0x7FD];
	_ =	sdelay $0x2  }
0x25d: {  	[tilespmem:s22], [sflag:$0x7] =	stream.linear.gather [spmem:s24], $0x80, $0x38;
	v63 =	vld [tilespmem:$0x0]  }
0x25e: {  	_ =	swait.ge [sflag:s26], $0x80  }
0x25f: {  	[sflag:s26] =	ssyncset.done $0x0  }
0x260: {  	[sflag:s26] =	ssyncadd.s32 $0xFFFFFF80  }
0x261: {  	_ =	swait.ge [sflag:s26], $0x80  }
0x262: {  	[sflag:s26] =	ssyncset.done $0x0  }
0x263: {  	[sflag:s26] =	ssyncadd.s32 $0xFFFFFF80  }
0x264: {  	_ =	swait.ge [sflag:s26], $0x80  }
0x265: {  	[sflag:s26] =	ssyncset.done $0x0  }
0x266: {  	[sflag:s26] =	ssyncadd.s32 $0xFFFFFF80  }
0x267: {  	_ =	swait.ge [sflag:s26], $0x80  }
0x268: {  	[sflag:s26] =	ssyncset.done $0x0  }
0x269: {  	[sflag:s26] =	ssyncadd.s32 $0xFFFFFF80  }
0x26a: {  	_ =	swait.ge [sflag:s26], $0x80  }
0x26b: {  	[sflag:s26] =	ssyncset.done $0x0  }
0x26c: {  	[sflag:s26] =	ssyncadd.s32 $0xFFFFFF80  }
0x26d: {  	_ =	swait.ge [sflag:s26], $0x80  }
0x26e: {  	[sflag:s26] =	ssyncset.done $0x0  }
0x26f: {  	[sflag:s26] =	ssyncadd.s32 $0xFFFFFF80  }
0x270: {  	_ =	swait.ge [sflag:s26], $0x80  }
0x271: {  	[sflag:s26] =	ssyncset.done $0x0  }
0x272: {  	[sflag:s26] =	ssyncadd.s32 $0xFFFFFF80  }
0x273: {  	_ =	swait.ge [sflag:s26], $0x80  }
0x274: {  	[sflag:s26] =	ssyncset.done $0x0  }
0x275: {  	[sflag:s26] =	ssyncadd.s32 $0xFFFFFF80  }
0x276: {  	_ =	swait.ge [sflag:s26], $0x80  }
0x277: {  	[sflag:s26] =	ssyncset.done $0x0  }
0x278: {  	[sflag:s26] =	ssyncadd.s32 $0xFFFFFF80  }
0x279: {  	_ =	swait.ge [sflag:s26], $0x80  }
0x27a: {  	[sflag:s26] =	ssyncset.done $0x0  }
0x27b: {  	[sflag:s26] =	ssyncadd.s32 $0xFFFFFF80  }
0x27c: {  	_ =	swait.ge [sflag:s26], $0x80  }
0x27d: {  	[sflag:s26] =	ssyncset.done $0x0  }
0x27e: {  	[sflag:s26] =	ssyncadd.s32 $0xFFFFFF80  }
0x27f: {  	_ =	swait.ge [sflag:s26], $0x80  }
0x280: {  	[sflag:s26] =	ssyncset.done $0x0  }
0x281: {  	[sflag:s26] =	ssyncadd.s32 $0xFFFFFF80  }
0x282: {  	_ =	swait.ge [sflag:s26], $0x80  }
0x283: {  	[sflag:s26] =	ssyncset.done $0x0  }
0x284: {  	[sflag:s26] =	ssyncadd.s32 $0xFFFFFF80  }
0x285: {  	_ =	swait.ge [sflag:s26], $0x80  }
0x286: {  	[sflag:s26] =	ssyncset.done $0x0  }
0x287: {  	[sflag:s26] =	ssyncadd.s32 $0xFFFFFF80  }
0x288: {  	_ =	swait.ge [sflag:s26], $0x80  }
0x289: {  	[sflag:s26] =	ssyncset.done $0x0  }
0x28a: {  	[sflag:s26] =	ssyncadd.s32 $0xFFFFFF80  }
0x28b: {  	_ =	swait.ge [sflag:s26], $0x80  }
0x28c: {  	[sflag:s26] =	ssyncset.done $0x0  }
0x28d: {  	[sflag:s26] =	ssyncadd.s32 $0xFFFFFF80  }
0x28e: {  	v1 =	vld [tilespmem:s31+$0xFFFFFC10]  }
0x28f: {  	v2 =	vld [tilespmem:s31+$0xFFFFFC90]  }
0x290: {  	v3 =	vld [tilespmem:s31+$0xFFFFFC80]  }
0x291: {  	v4 =	vld [tilespmem:s31+$0xFFFFFD10]  }
0x292: {  	v5 =	vld [tilespmem:s31+$0xFFFFFC00]  }
0x293: {  	v6 =	vld [tilespmem:s31+$0xFFFFFD90]  }
0x294: {  	v7 =	vld [tilespmem:s31+$0xFFFFFD00];
	v1 =	vadd.f32 v2, v1  }
0x295: {  	v2 =	vld [tilespmem:s31+$0xFFFFFE10]  }
0x296: {  	v8 =	vld [tilespmem:s31+$0xFFFFFD80];
	v1 =	vadd.f32 v4, v1  }
0x297: {  	v3 =	vadd.f32 v3, v5;
	v4 =	vld [tilespmem:s31+$0xFFFFFE90]  }
0x298: {  	v5 =	vld [tilespmem:s31+$0xFFFFFE00];
	v1 =	vadd.f32 v6, v1  }
0x299: {  	v3 =	vadd.f32 v7, v3;
	v6 =	vld [tilespmem:s31+$0xFFFFFF10]  }
0x29a: {  	v7 =	vld [tilespmem:s31+$0xFFFFFE80];
	v1 =	vadd.f32 v2, v1  }
0x29b: {  	v2 =	vadd.f32 v8, v3;
	v3 =	vld [tilespmem:s31+$0xFFFFFF90]  }
0x29c: {  	v8 =	vld [tilespmem:s31+$0xFFFFFF00];
	v1 =	vadd.f32 v4, v1  }
0x29d: {  	v2 =	vadd.f32 v5, v2;
	v4 =	vld [tilespmem:s31+$0x10]  }
0x29e: {  	v5 =	vld [tilespmem:s31+$0xFFFFFF80];
	v1 =	vadd.f32 v6, v1  }
0x29f: {  	v2 =	vadd.f32 v7, v2;
	v6 =	vld [tilespmem:s31+$0x90]  }
0x2a0: {  	v7 =	vld [tilespmem:s31+$0x0];
	v1 =	vadd.f32 v3, v1  }
0x2a1: {  	v2 =	vadd.f32 v8, v2;
	v3 =	vld [tilespmem:s31+$0x110]  }
0x2a2: {  	v8 =	vld [tilespmem:s31+$0x80];
	v1 =	vadd.f32 v4, v1  }
0x2a3: {  	v2 =	vadd.f32 v5, v2;
	v4 =	vld [tilespmem:s31+$0x190]  }
0x2a4: {  	v5 =	vld [tilespmem:s31+$0x100];
	v1 =	vadd.f32 v6, v1  }
0x2a5: {  	v2 =	vadd.f32 v7, v2;
	v6 =	vld [tilespmem:s31+$0x210]  }
0x2a6: {  	v7 =	vld [tilespmem:s31+$0x180];
	v1 =	vadd.f32 v3, v1  }
0x2a7: {  	v2 =	vadd.f32 v8, v2;
	v8 =	vld [tilespmem:s31+$0x290]  }
0x2a8: {  	v9 =	vld [tilespmem:s31+$0x200];
	v3 =	vadd.f32 v4, v1  }
0x2a9: {  	v4 =	vadd.f32 v5, v2;
	v1 =	vld [tilespmem:s31+$0x310]  }
0x2aa: {  	v2 =	vld [tilespmem:s31+$0x280];
	v5 =	vadd.f32 v6, v3  }
0x2ab: {  	v7 =	vadd.f32 v7, v4;
	v3 =	vld [tilespmem:s31+$0x390]  }
0x2ac: {  	v4 =	vld [tilespmem:s31+$0x300];
	v6 =	vadd.f32 v8, v5  }
0x2ad: {  	s0 =	simm.s32 $0x0;
	s4 =	simm.s32 $0x1EC20;
	v7 =	vadd.f32 v9, v7;
	v5 =	vld [tilespmem:s31+$0x380]  }
.LBB2_15:
0x2ae: {  	v8 =	vld [tilespmem:s4+$0xFFFFFC10];
	v1 =	vadd.f32 v1, v6  }
0x2af: {  	s0 =	sadd.s32 $0x20, s0;
	v6 =	vld [tilespmem:s4+$0xFFFFFC90];
	v2 =	vadd.f32 v2, v7  }
0x2b0: {  	p0 =	slt.u32 s0, $0x60;
	v7 =	vld [tilespmem:s4+$0xFFFFFC80];
	v1 =	vadd.f32 v3, v1  }
0x2b1: {  	v3 =	vld [tilespmem:s4+$0xFFFFFD10];
	v2 =	vadd.f32 v4, v2  }
0x2b2: {  	v4 =	vld [tilespmem:s4+$0xFFFFFC00];
	[tilespmem:s31+$0xFFFFFC10] =	vst v1  }
0x2b3: {  	v1 =	vld [tilespmem:s4+$0xFFFFFD90];
	v2 =	vadd.f32 v5, v2  }
0x2b4: {  	v5 =	vld [tilespmem:s4+$0xFFFFFD00];
	v6 =	vadd.f32 v6, v8  }
0x2b5: {  	v8 =	vld [tilespmem:s4+$0xFFFFFE10];
	[tilespmem:s31+$0xFFFFFC00] =	vst v2;
	s31 =	smov.u32 s4  }
0x2b6: {  	v2 =	vld [tilespmem:s4+$0xFFFFFD80];
	v3 =	vadd.f32 v3, v6  }
0x2b7: {  	v4 =	vadd.f32 v7, v4;
	v6 =	vld [tilespmem:s4+$0xFFFFFE90]  }
0x2b8: {  	v7 =	vld [tilespmem:s4+$0xFFFFFE00];
	v1 =	vadd.f32 v1, v3  }
0x2b9: {  	v3 =	vadd.f32 v5, v4;
	v4 =	vld [tilespmem:s4+$0xFFFFFF10]  }
0x2ba: {  	v5 =	vld [tilespmem:s4+$0xFFFFFE80];
	v1 =	vadd.f32 v8, v1  }
0x2bb: {  	v2 =	vadd.f32 v2, v3;
	v3 =	vld [tilespmem:s4+$0xFFFFFF90]  }
0x2bc: {  	v8 =	vld [tilespmem:s4+$0xFFFFFF00];
	v1 =	vadd.f32 v6, v1  }
0x2bd: {  	v2 =	vadd.f32 v7, v2;
	v6 =	vld [tilespmem:s4+$0x10]  }
0x2be: {  	v7 =	vld [tilespmem:s4+$0xFFFFFF80];
	v1 =	vadd.f32 v4, v1  }
0x2bf: {  	v2 =	vadd.f32 v5, v2;
	v4 =	vld [tilespmem:s4+$0x90]  }
0x2c0: {  	v5 =	vld [tilespmem:s4+$0x0];
	v1 =	vadd.f32 v3, v1  }
0x2c1: {  	v2 =	vadd.f32 v8, v2;
	v3 =	vld [tilespmem:s4+$0x110]  }
0x2c2: {  	v8 =	vld [tilespmem:s4+$0x80];
	v1 =	vadd.f32 v6, v1  }
0x2c3: {  	v2 =	vadd.f32 v7, v2;
	v6 =	vld [tilespmem:s4+$0x190]  }
0x2c4: {  	v7 =	vld [tilespmem:s4+$0x100];
	v1 =	vadd.f32 v4, v1  }
0x2c5: {  	v2 =	vadd.f32 v5, v2;
	v4 =	vld [tilespmem:s4+$0x210]  }
0x2c6: {  	v5 =	vld [tilespmem:s4+$0x180];
	v1 =	vadd.f32 v3, v1  }
0x2c7: {  	v2 =	vadd.f32 v8, v2;
	v8 =	vld [tilespmem:s4+$0x290]  }
0x2c8: {  	v9 =	vld [tilespmem:s4+$0x200];
	v3 =	vadd.f32 v6, v1  }
.Ltmp8:
0x2c9: {  	v6 =	vadd.f32 v7, v2;
	v1 =	vld [tilespmem:s4+$0x310];
	(pc) =	sbr.rel @p0 .LBB2_15-.Ltmp8, $4  }
0x2ca: {  	v2 =	vld [tilespmem:s4+$0x280];
	v7 =	vadd.f32 v4, v3  }
0x2cb: {  	v5 =	vadd.f32 v5, v6;
	v3 =	vld [tilespmem:s4+$0x390]  }
0x2cc: {  	v4 =	vld [tilespmem:s4+$0x300];
	v6 =	vadd.f32 v8, v7  }
0x2cd: {  	s4 =	sadd.s32 $0x20, s4;
	v7 =	vadd.f32 v9, v5;
	v5 =	vld [tilespmem:s31+$0x380]  }
0x2ce: {  	_ = 	snop  }
0x2cf: {  	v2 =	vadd.f32 v2, v7  }
0x2d0: {  	v1 =	vadd.f32 v1, v6  }
0x2d1: {  	v2 =	vadd.f32 v4, v2  }
0x2d2: {  	v1 =	vadd.f32 v3, v1  }
0x2d3: {  	s0 =	sadd.s32 s18, s30;
	v2 =	vadd.f32 v5, v2  }
0x2d4: {  	s29 =	sadd.s32 $0x1, s29;
	s0 =	sshrl.u32 s0, $0x3;
	[tilespmem:s31+$0xFFFFFC10] =	vst v1  }
0x2d5: {  	p0 =	sne.s32 s29, $0x18;
	s0 =	sadd.s32 s6, s0;
	[tilespmem:s31+$0xFFFFFC00] =	vst v2  }
0x2d6: {  	[hbm4b:s0+s11] =	stream.linear.scatter [tilespmem:s25], [sflag:$0x9], $0x80, $0x38;
	v63 =	vld [tilespmem:$0x0]  }
.Ltmp9:
0x2d7: {  	_ =	swait.ge [sflag:s28], $0x80;
	(pc) =	sbr.rel @p0 .LBB2_12-.Ltmp9, $3  }
0x2d8: {  	[sflag:s28] =	ssyncset.done $0x0  }
0x2d9: {  	[sflag:s28] =	ssyncadd.s32 $0xFFFFFF80  }
0x2da: {  	[bflag:$0x0] =	sbarrier.arrive $0xFFFF;
	_ =	sdelay $0x1  }
0x2db: {  	_ =	swait.ge [sflag:s13], $0x800  }
0x2dc: {  	[sflag:s13] =	ssyncset.done $0x0  }
0x2dd: {  	[sflag:s13] =	ssyncadd.s32 $0xFFFFF800  }
0x2de: {  	[bflag:$0x0] =	sbarrier.arrive $0xFFFF  }
0x2df: {  	[tilespmem:s25], [sflag:$0x7] =	stream.linear.gather [spmem:s12], $0x80, $0x38;
	v63 =	vld [tilespmem:$0x0]  }
0x2e0: {  	s0 =	simm.s32 $0x1E880  }
0x2e1: {  	[tilespmem:s0], [sflag:$0x7] =	stream.linear.gather [spmem:s9], $0x80, $0x38;
	v63 =	vld [tilespmem:$0x0]  }
0x2e2: {  	s4 =	simm.s32 $0x1E900  }
0x2e3: {  	[tilespmem:s4], [sflag:$0x7] =	stream.linear.gather [spmem:s14], $0x80, $0x38;
	v63 =	vld [tilespmem:$0x0]  }
0x2e4: {  	s5 =	simm.s32 $0x1E980  }
0x2e5: {  	[tilespmem:s5], [sflag:$0x7] =	stream.linear.gather [spmem:s15], $0x80, $0x38;
	v63 =	vld [tilespmem:$0x0]  }
0x2e6: {  	s8 =	simm.s32 $0x1EA00  }
0x2e7: {  	[tilespmem:s8], [sflag:$0x7] =	stream.linear.gather [spmem:s16], $0x80, $0x38;
	v63 =	vld [tilespmem:$0x0]  }
0x2e8: {  	s9 =	simm.s32 $0x1EA80  }
0x2e9: {  	[tilespmem:s9], [sflag:$0x7] =	stream.linear.gather [spmem:s17], $0x80, $0x38;
	v63 =	vld [tilespmem:$0x0]  }
0x2ea: {  	s14 =	simm.s32 $0x1EB00  }
0x2eb: {  	[tilespmem:s14], [sflag:$0x7] =	stream.linear.gather [spmem:s19], $0x80, $0x38;
	v63 =	vld [tilespmem:$0x0]  }
0x2ec: {  	s15 =	simm.s32 $0x1EB80  }
0x2ed: {  	[tilespmem:s15], [sflag:$0x7] =	stream.linear.gather [spmem:s20], $0x80, $0x38;
	v63 =	vld [tilespmem:$0x0]  }
0x2ee: {  	s0 =	simm.s32 $0x1EC00  }
0x2ef: {  	[tilespmem:s0], [sflag:$0x7] =	stream.linear.gather [spmem:s21], $0x80, $0x38;
	v63 =	vld [tilespmem:$0x0]  }
0x2f0: {  	s4 =	simm.s32 $0x1EC80  }
0x2f1: {  	[tilespmem:s4], [sflag:$0x7] =	stream.linear.gather [spmem:s23], $0x80, $0x38;
	v63 =	vld [tilespmem:$0x0]  }
0x2f2: {  	s16 =	simm.s32 $0x1ED00  }
0x2f3: {  	[tilespmem:s16], [sflag:$0x7] =	stream.linear.gather [spmem:s7], $0x80, $0x38;
	v63 =	vld [tilespmem:$0x0]  }
0x2f4: {  	s17 =	rddreg [dreg:$0x19];
	s19 =	simm.s32 $0x1ED80  }
0x2f5: {  	[tilespmem:s19], [sflag:$0x7] =	stream.linear.gather [spmem:s17], $0x80, $0x38;
	v63 =	vld [tilespmem:$0x0]  }
0x2f6: {  	s20 =	rddreg [dreg:$0x1a];
	s21 =	simm.s32 $0x1EE00  }
0x2f7: {  	[tilespmem:s21], [sflag:$0x7] =	stream.linear.gather [spmem:s20], $0x80, $0x38;
	v63 =	vld [tilespmem:$0x0]  }
0x2f8: {  	s24 =	simm.s32 $0x1EE80;
	s23 =	rddreg [dreg:$0x1b]  }
0x2f9: {  	[tilespmem:s24], [sflag:$0x7] =	stream.linear.gather [spmem:s23], $0x80, $0x38;
	v63 =	vld [tilespmem:$0x0]  }
0x2fa: {  	s30 =	simm.s32 $0x1EF00;
	s29 =	rddreg [dreg:$0x1c]  }
0x2fb: {  	[tilespmem:s30], [sflag:$0x7] =	stream.linear.gather [spmem:s29], $0x80, $0x38;
	v63 =	vld [tilespmem:$0x0]  }
0x2fc: {  	s31 =	rddreg [dreg:$0x1d]  }
0x2fd: {  	[tilespmem:s22], [sflag:$0x7] =	stream.linear.gather [spmem:s31], $0x80, $0x38;
	v63 =	vld [tilespmem:$0x0]  }
0x2fe: {  	_ =	swait.ge [sflag:s26], $0x80  }
0x2ff: {  	[sflag:s26] =	ssyncset.done $0x0  }
0x300: {  	[sflag:s26] =	ssyncadd.s32 $0xFFFFFF80  }
0x301: {  	_ =	swait.ge [sflag:s26], $0x80  }
0x302: {  	[sflag:s26] =	ssyncset.done $0x0  }
0x303: {  	[sflag:s26] =	ssyncadd.s32 $0xFFFFFF80  }
0x304: {  	_ =	swait.ge [sflag:s26], $0x80  }
0x305: {  	[sflag:s26] =	ssyncset.done $0x0  }
0x306: {  	[sflag:s26] =	ssyncadd.s32 $0xFFFFFF80  }
0x307: {  	_ =	swait.ge [sflag:s26], $0x80  }
0x308: {  	[sflag:s26] =	ssyncset.done $0x0  }
0x309: {  	[sflag:s26] =	ssyncadd.s32 $0xFFFFFF80  }
0x30a: {  	_ =	swait.ge [sflag:s26], $0x80  }
0x30b: {  	[sflag:s26] =	ssyncset.done $0x0  }
0x30c: {  	[sflag:s26] =	ssyncadd.s32 $0xFFFFFF80  }
0x30d: {  	_ =	swait.ge [sflag:s26], $0x80  }
0x30e: {  	[sflag:s26] =	ssyncset.done $0x0  }
0x30f: {  	[sflag:s26] =	ssyncadd.s32 $0xFFFFFF80  }
0x310: {  	_ =	swait.ge [sflag:s26], $0x80  }
0x311: {  	[sflag:s26] =	ssyncset.done $0x0  }
0x312: {  	[sflag:s26] =	ssyncadd.s32 $0xFFFFFF80  }
0x313: {  	_ =	swait.ge [sflag:s26], $0x80  }
0x314: {  	[sflag:s26] =	ssyncset.done $0x0  }
0x315: {  	[sflag:s26] =	ssyncadd.s32 $0xFFFFFF80  }
0x316: {  	_ =	swait.ge [sflag:s26], $0x80  }
0x317: {  	[sflag:s26] =	ssyncset.done $0x0  }
0x318: {  	[sflag:s26] =	ssyncadd.s32 $0xFFFFFF80  }
0x319: {  	_ =	swait.ge [sflag:s26], $0x80  }
0x31a: {  	[sflag:s26] =	ssyncset.done $0x0  }
0x31b: {  	[sflag:s26] =	ssyncadd.s32 $0xFFFFFF80  }
0x31c: {  	_ =	swait.ge [sflag:s26], $0x80  }
0x31d: {  	[sflag:s26] =	ssyncset.done $0x0  }
0x31e: {  	[sflag:s26] =	ssyncadd.s32 $0xFFFFFF80  }
0x31f: {  	_ =	swait.ge [sflag:s26], $0x80  }
0x320: {  	[sflag:s26] =	ssyncset.done $0x0  }
0x321: {  	[sflag:s26] =	ssyncadd.s32 $0xFFFFFF80  }
0x322: {  	_ =	swait.ge [sflag:s26], $0x80  }
0x323: {  	[sflag:s26] =	ssyncset.done $0x0  }
0x324: {  	[sflag:s26] =	ssyncadd.s32 $0xFFFFFF80  }
0x325: {  	_ =	swait.ge [sflag:s26], $0x80  }
0x326: {  	[sflag:s26] =	ssyncset.done $0x0  }
0x327: {  	[sflag:s26] =	ssyncadd.s32 $0xFFFFFF80  }
0x328: {  	_ =	swait.ge [sflag:s26], $0x80  }
0x329: {  	[sflag:s26] =	ssyncset.done $0x0  }
0x32a: {  	[sflag:s26] =	ssyncadd.s32 $0xFFFFFF80  }
0x32b: {  	_ =	swait.ge [sflag:s26], $0x80  }
0x32c: {  	[sflag:s26] =	ssyncset.done $0x0  }
0x32d: {  	[sflag:s26] =	ssyncadd.s32 $0xFFFFFF80  }
0x32e: {  	v1 =	vld [tilespmem:s0+$0xFFFFFC10]  }
0x32f: {  	v2 =	vld [tilespmem:s0+$0xFFFFFC90]  }
0x330: {  	v3 =	vld [tilespmem:s0+$0xFFFFFC80]  }
0x331: {  	v4 =	vld [tilespmem:s0+$0xFFFFFD10]  }
0x332: {  	v5 =	vld [tilespmem:s0+$0xFFFFFC00]  }
0x333: {  	v6 =	vld [tilespmem:s0+$0xFFFFFD90]  }
0x334: {  	v7 =	vld [tilespmem:s0+$0xFFFFFD00];
	v1 =	vadd.f32 v2, v1  }
0x335: {  	v2 =	vld [tilespmem:s0+$0xFFFFFE10]  }
0x336: {  	v8 =	vld [tilespmem:s0+$0xFFFFFD80];
	v1 =	vadd.f32 v4, v1  }
0x337: {  	v3 =	vadd.f32 v3, v5;
	v4 =	vld [tilespmem:s0+$0xFFFFFE90]  }
0x338: {  	v5 =	vld [tilespmem:s0+$0xFFFFFE00];
	v1 =	vadd.f32 v6, v1  }
0x339: {  	v3 =	vadd.f32 v7, v3;
	v6 =	vld [tilespmem:s0+$0xFFFFFF10]  }
0x33a: {  	v7 =	vld [tilespmem:s0+$0xFFFFFE80];
	v1 =	vadd.f32 v2, v1  }
0x33b: {  	v2 =	vadd.f32 v8, v3;
	v3 =	vld [tilespmem:s0+$0xFFFFFF90]  }
0x33c: {  	v8 =	vld [tilespmem:s0+$0xFFFFFF00];
	v1 =	vadd.f32 v4, v1  }
0x33d: {  	v2 =	vadd.f32 v5, v2;
	v4 =	vld [tilespmem:s0+$0x10]  }
0x33e: {  	v5 =	vld [tilespmem:s0+$0xFFFFFF80];
	v1 =	vadd.f32 v6, v1  }
0x33f: {  	v2 =	vadd.f32 v7, v2;
	v6 =	vld [tilespmem:s0+$0x90]  }
0x340: {  	v7 =	vld [tilespmem:s0+$0x0];
	v1 =	vadd.f32 v3, v1  }
0x341: {  	v2 =	vadd.f32 v8, v2;
	v3 =	vld [tilespmem:s0+$0x110]  }
0x342: {  	v8 =	vld [tilespmem:s0+$0x80];
	v1 =	vadd.f32 v4, v1  }
0x343: {  	v2 =	vadd.f32 v5, v2;
	v4 =	vld [tilespmem:s0+$0x190]  }
0x344: {  	v5 =	vld [tilespmem:s0+$0x100];
	v1 =	vadd.f32 v6, v1  }
0x345: {  	v2 =	vadd.f32 v7, v2;
	v6 =	vld [tilespmem:s0+$0x210]  }
0x346: {  	v7 =	vld [tilespmem:s0+$0x180];
	v1 =	vadd.f32 v3, v1  }
0x347: {  	v2 =	vadd.f32 v8, v2;
	v8 =	vld [tilespmem:s0+$0x290]  }
0x348: {  	v9 =	vld [tilespmem:s0+$0x200];
	v3 =	vadd.f32 v4, v1  }
0x349: {  	v4 =	vadd.f32 v5, v2;
	v1 =	vld [tilespmem:s0+$0x310]  }
0x34a: {  	v2 =	vld [tilespmem:s0+$0x280];
	v5 =	vadd.f32 v6, v3  }
0x34b: {  	v7 =	vadd.f32 v7, v4;
	v3 =	vld [tilespmem:s0+$0x390]  }
0x34c: {  	v4 =	vld [tilespmem:s0+$0x300];
	v6 =	vadd.f32 v8, v5  }
0x34d: {  	s4 =	simm.s32 $0x0;
	s7 =	simm.s32 $0x1EC20;
	v7 =	vadd.f32 v9, v7;
	v5 =	vld [tilespmem:s0+$0x380]  }
.LBB2_18:
0x34e: {  	v8 =	vld [tilespmem:s7+$0xFFFFFC10];
	v1 =	vadd.f32 v1, v6  }
0x34f: {  	s4 =	sadd.s32 $0x20, s4;
	v6 =	vld [tilespmem:s7+$0xFFFFFC90];
	v2 =	vadd.f32 v2, v7  }
0x350: {  	p0 =	slt.u32 s4, $0x60;
	v7 =	vld [tilespmem:s7+$0xFFFFFC80];
	v1 =	vadd.f32 v3, v1  }
0x351: {  	v3 =	vld [tilespmem:s7+$0xFFFFFD10];
	v2 =	vadd.f32 v4, v2  }
0x352: {  	v4 =	vld [tilespmem:s7+$0xFFFFFC00];
	[tilespmem:s0+$0xFFFFFC10] =	vst v1  }
0x353: {  	v1 =	vld [tilespmem:s7+$0xFFFFFD90];
	v2 =	vadd.f32 v5, v2  }
0x354: {  	v5 =	vld [tilespmem:s7+$0xFFFFFD00];
	v6 =	vadd.f32 v6, v8  }
0x355: {  	v8 =	vld [tilespmem:s7+$0xFFFFFE10];
	[tilespmem:s0+$0xFFFFFC00] =	vst v2;
	s0 =	smov.u32 s7  }
0x356: {  	v2 =	vld [tilespmem:s7+$0xFFFFFD80];
	v3 =	vadd.f32 v3, v6  }
0x357: {  	v4 =	vadd.f32 v7, v4;
	v6 =	vld [tilespmem:s7+$0xFFFFFE90]  }
0x358: {  	v7 =	vld [tilespmem:s7+$0xFFFFFE00];
	v1 =	vadd.f32 v1, v3  }
0x359: {  	v3 =	vadd.f32 v5, v4;
	v4 =	vld [tilespmem:s7+$0xFFFFFF10]  }
0x35a: {  	v5 =	vld [tilespmem:s7+$0xFFFFFE80];
	v1 =	vadd.f32 v8, v1  }
0x35b: {  	v2 =	vadd.f32 v2, v3;
	v3 =	vld [tilespmem:s7+$0xFFFFFF90]  }
0x35c: {  	v8 =	vld [tilespmem:s7+$0xFFFFFF00];
	v1 =	vadd.f32 v6, v1  }
0x35d: {  	v2 =	vadd.f32 v7, v2;
	v6 =	vld [tilespmem:s7+$0x10]  }
0x35e: {  	v7 =	vld [tilespmem:s7+$0xFFFFFF80];
	v1 =	vadd.f32 v4, v1  }
0x35f: {  	v2 =	vadd.f32 v5, v2;
	v4 =	vld [tilespmem:s7+$0x90]  }
0x360: {  	v5 =	vld [tilespmem:s7+$0x0];
	v1 =	vadd.f32 v3, v1  }
0x361: {  	v2 =	vadd.f32 v8, v2;
	v3 =	vld [tilespmem:s7+$0x110]  }
0x362: {  	v8 =	vld [tilespmem:s7+$0x80];
	v1 =	vadd.f32 v6, v1  }
0x363: {  	v2 =	vadd.f32 v7, v2;
	v6 =	vld [tilespmem:s7+$0x190]  }
0x364: {  	v7 =	vld [tilespmem:s7+$0x100];
	v1 =	vadd.f32 v4, v1  }
0x365: {  	v2 =	vadd.f32 v5, v2;
	v4 =	vld [tilespmem:s7+$0x210]  }
0x366: {  	v5 =	vld [tilespmem:s7+$0x180];
	v1 =	vadd.f32 v3, v1  }
0x367: {  	v2 =	vadd.f32 v8, v2;
	v8 =	vld [tilespmem:s7+$0x290]  }
0x368: {  	v9 =	vld [tilespmem:s7+$0x200];
	v3 =	vadd.f32 v6, v1  }
.Ltmp10:
0x369: {  	v6 =	vadd.f32 v7, v2;
	v1 =	vld [tilespmem:s7+$0x310];
	(pc) =	sbr.rel @p0 .LBB2_18-.Ltmp10, $4  }
0x36a: {  	v2 =	vld [tilespmem:s7+$0x280];
	v7 =	vadd.f32 v4, v3  }
0x36b: {  	v5 =	vadd.f32 v5, v6;
	v3 =	vld [tilespmem:s7+$0x390]  }
0x36c: {  	v4 =	vld [tilespmem:s7+$0x300];
	v6 =	vadd.f32 v8, v7  }
0x36d: {  	s7 =	sadd.s32 $0x20, s7;
	v7 =	vadd.f32 v9, v5;
	v5 =	vld [tilespmem:s0+$0x380]  }
0x36e: {  	_ = 	snop  }
0x36f: {  	v2 =	vadd.f32 v2, v7  }
0x370: {  	v1 =	vadd.f32 v1, v6  }
0x371: {  	v2 =	vadd.f32 v4, v2  }
0x372: {  	v1 =	vadd.f32 v3, v1  }
0x373: {  	v2 =	vadd.f32 v5, v2  }
0x374: {  	[tilespmem:s0+$0xFFFFFC10] =	vst v1  }
0x375: {  	[tilespmem:s0+$0xFFFFFC00] =	vst v2  }
0x376: {  	s0 =	rddreg [dreg:$0x14]  }
0x377: {  	[hbm4b:s0+s11] =	stream.linear.scatter [tilespmem:s25], [sflag:$0x9], $0x80, $0x38;
	v63 =	vld [tilespmem:$0x0]  }
0x378: {  	_ =	swait.ge [sflag:s28], $0x80  }
0x379: {  	s4 =	sld [smem:$0x7EF];
	_ =	sdelay $0x2  }
0x37a: {  	s31 =	rddreg [dreg:$0x15];
	s4 =	sadd.s32 $0x1, s4  }
0x37b: {  	p0 =	sne.s32 s4, s31  }
.Ltmp11:
0x37c: {  	_ = 	snop;
	(pc) =	sbr.rel @p0 .LBB2_1-.Ltmp11, $3  }
0x37d: {  	_ =	sdelay $0x1  }
0x37e: {  	[sflag:s28] =	ssyncset.done $0x0  }
0x37f: {  	[sflag:s28] =	ssyncadd.s32 $0xFFFFFF80  }
0x380: {  	_ =	sfence.sel $0x180000  }
0x381: {  	[bflag:$0x0] =	sbarrier.arrive $0xFFFF  }
0x382: {  	_ =	strace $0x90000047  }
0x383: {  	s0 =	stileid.u32;
	[bflag:$0x2] =	sbarrier.arrive $0xFFFF  }
0x384: {  	p0 =	sne.s32 s0, $0x0;
	s0 =	rddreg [dreg:$0x5]  }
0x385: {  	s0 =	sadd.s32 @!p0 $0x100000, s0  }
0x386: {  	[sflag:s0] =	ssyncadd.tile.s32 @!p0 $0x1;
	_ =	shalt  }
.Lfunc_end2:
_tile_overlayer_lowered:
.L_overlay_start_2:
0x387: {  	(tag) =	ssettag $0x2  }
0x388: {  	s0 =	rddreg [dreg:$0x0];
	s2 =	stileid.u32  }
0x389: {  	s1 =	rddreg [dreg:$0x1];
	p0 =	sne.s32 s2, $0x0  }
0x38a: {  	s3 =	rddreg [dreg:$0x2];
	[bflag:$0x3] =	sbarrier.arrive $0xFFFF;
	s2 =	simm.s32 @!p0 $0x1C09  }
0x38b: {  	[timem:s3], [sflag:s2] =	dma.local @!p0 [hbm:s0], s1  }
0x38c: {  	s0 =	simm.s32 @!p0 $0x9  }
0x38d: {  	_ =	swait.ge @!p0 [sflag:s0], s1  }
0x38e: {  	s1 =	ssub.s32 @!p0 $0x0, s1;
	[sflag:s0] =	ssyncset.done @!p0 $0x0  }
0x38f: {  	[sflag:s0] =	ssyncadd.s32 @!p0 s1  }
0x390: {  	[bflag:$0x3] =	sbarrier.arrive $0xFFFF  }
0x391: {  	_ =	shalt  }

</sc_bundles>
